<compile_context>
chip_gen: v7x
topology: tpu7x:2x2x1
jax: 0.10.2.dev20260603
libtpu: 0.0.44.dev20260713+nightly
codegen_flags: <defaults>
</compile_context>

<pallas_src>
import functools

import jax
import jax.numpy as jnp
from jax import lax
from jax.experimental import pallas as pl
from jax.experimental.pallas import tpu as pltpu
from jax.experimental.pallas import tpu_sc as plsc

S = 128
N = 558
B2 = 4096
DIM = 128
AROWS = 560
ACOLS = 640
NPLANES = ACOLS // 128
AFLAT = AROWS * ACOLS
AVROWS = AFLAT // 128
NTILES = 16
SPS = S // 2
CHUNKS = B2 // NTILES // 128
SLICE = AFLAT // NTILES



def _prep_body(src_ref, dst_ref, bd_ref, w_ref, fidx_ref):
    src = src_ref[...]
    dst = dst_ref[...]
    bd = bd_ref[...]
    neq = (src != dst).astype(jnp.int32)
    b = jnp.sum(neq, axis=1, keepdims=True)
    pos = lax.broadcasted_iota(jnp.int32, (S, B2), 1)
    mask = pos < b
    masked = jnp.where(mask, bd, -jnp.inf)
    m = jnp.max(masked)
    w_ref[...] = jnp.where(mask, bd / m, jnp.zeros_like(bd))
    fidx_ref[...] = (
        (src // 128) * (AROWS * 128) + dst * 128 + (src % 128)
    )


def _prep(src, dst, bd):
    return pl.pallas_call(
        _prep_body,
        out_shape=(
            jax.ShapeDtypeStruct((S, B2), jnp.float32),
            jax.ShapeDtypeStruct((S, B2), jnp.int32),
        ),
    )(src, dst, bd)



def _sc_body(fidx_hbm, w_hbm, a_hbm, idx_v, w_v, negw_v, zbuf,
             a_sh0, a_sh1, sin0, sin1, sin2, sin3, swo0, swo1, ssc, sneg):
    c = lax.axis_index("c")
    sid = lax.axis_index("s")
    abufs = (a_sh0, a_sh1)
    sins = (sin0, sin1, sin2, sin3)
    swos = (swo0, swo1)
    myslice = pl.ds(sid * SLICE, SLICE)

    def _in_copies(s, slot, sem):
        return (
            pltpu.make_async_copy(
                fidx_hbm.at[s, pl.ds(sid * CHUNKS, CHUNKS)], idx_v.at[slot], sem
            ),
            pltpu.make_async_copy(
                w_hbm.at[s, pl.ds(sid * CHUNKS, CHUNKS)], w_v.at[slot], sem
            ),
        )

    def _scat(values, slot, b, sem):
        return [
            pltpu.make_async_copy(
                values.at[slot, j], abufs[b].at[idx_v.at[slot, j]], sem
            )
            for j in range(CHUNKS)
        ]

    def _zinit(i, carry):
        zbuf[pl.ds(i * 16, 16)] = jnp.zeros((16,), jnp.float32)
        return carry

    lax.fori_loop(0, SLICE // 16, _zinit, 0)
    pltpu.sync_copy(zbuf, a_sh0.at[myslice])
    pltpu.sync_copy(zbuf, a_sh1.at[myslice])
    for d in _in_copies(c * SPS, 0, sin0):
        d.start()

    def _step(si, slot, not_last, have_prev2):
        b = slot % 2
        ppslot = (slot + 2) % 4
        ab = abufs[b]
        for d in _in_copies(si, slot, sins[slot]):
            d.wait()

        @pl.when(not_last)
        def _():
            for d in _in_copies(si + 1, (slot + 1) % 4, sins[(slot + 1) % 4]):
                d.start()

        for j in range(CHUNKS):
            for k in range(128 // 16):
                negw_v[slot, j, pl.ds(k * 16, 16)] = (
                    -w_v[slot, j, pl.ds(k * 16, 16)]
                )

        @pl.when(have_prev2)
        def _():
            pltpu.make_async_copy(
                ab.at[myslice],
                a_hbm.at[pl.ds((si - 2) * AFLAT + sid * SLICE, SLICE)],
                swos[b],
            ).wait()

        plsc.subcore_barrier()

        @pl.when(have_prev2)
        def _():
            for j in range(CHUNKS):
                pltpu.async_copy(
                    negw_v.at[ppslot, j], ab.at[idx_v.at[ppslot, j]],
                    sneg, add=True,
                )
        for j in range(CHUNKS):
            pltpu.async_copy(
                w_v.at[slot, j], ab.at[idx_v.at[slot, j]], ssc, add=True
            )
        for d in _scat(w_v, slot, b, ssc):
            d.wait()

        @pl.when(have_prev2)
        def _():
            for d in _scat(negw_v, ppslot, b, sneg):
                d.wait()

        plsc.subcore_barrier()
        pltpu.async_copy(
            ab.at[myslice],
            a_hbm.at[pl.ds(si * AFLAT + sid * SLICE, SLICE)],
            swos[b],
        )

    def _quad(k, carry):
        si0 = c * SPS + 4 * k
        _step(si0, 0, jnp.bool_(True), k > 0)
        _step(si0 + 1, 1, jnp.bool_(True), k > 0)
        _step(si0 + 2, 2, jnp.bool_(True), jnp.bool_(True))
        _step(si0 + 3, 3, k < SPS // 4 - 1, jnp.bool_(True))
        return carry

    lax.fori_loop(0, SPS // 4, _quad, 0)
    for back in (2, 1):
        sl = c * SPS + SPS - back
        bb = (SPS - back) % 2
        pltpu.make_async_copy(
            abufs[bb].at[myslice],
            a_hbm.at[pl.ds(sl * AFLAT + sid * SLICE, SLICE)],
            swos[bb],
        ).wait()


def _sc_scatter(fidx, w):
    mesh = plsc.VectorSubcoreMesh(core_axis_name="c", subcore_axis_name="s")
    kfn = functools.partial(
        pl.kernel,
        mesh=mesh,
        out_type=jax.ShapeDtypeStruct((S * AFLAT,), jnp.float32),
        scratch_types=[
            pltpu.VMEM((4, CHUNKS, 128), jnp.int32),
            pltpu.VMEM((4, CHUNKS, 128), jnp.float32),
            pltpu.VMEM((4, CHUNKS, 128), jnp.float32),
            pltpu.VMEM((SLICE,), jnp.float32),
            pltpu.VMEM_SHARED((AFLAT,), jnp.float32),
            pltpu.VMEM_SHARED((AFLAT,), jnp.float32),
            pltpu.SemaphoreType.DMA,
            pltpu.SemaphoreType.DMA,
            pltpu.SemaphoreType.DMA,
            pltpu.SemaphoreType.DMA,
            pltpu.SemaphoreType.DMA,
            pltpu.SemaphoreType.DMA,
            pltpu.SemaphoreType.DMA,
            pltpu.SemaphoreType.DMA,
        ],
    )(_sc_body)
    return kfn(fidx, w)



SPB = 4


def _gcn_body(x_ref, a_ref, w_ref, b_ref, o_ref):
    for u in range(SPB):
        x = x_ref[u]
        a = a_ref[u * AVROWS:(u + 1) * AVROWS]
        h = jnp.dot(x, w_ref[...], preferred_element_type=jnp.float32)
        hp = jnp.concatenate(
            [h, jnp.zeros((AROWS - N, DIM), jnp.float32)], axis=0
        )
        planes = [a[j * AROWS:(j + 1) * AROWS] for j in range(NPLANES)]
        deg = 1.0 + jnp.sum(sum(planes[1:], planes[0]), axis=1)
        dis = lax.rsqrt(deg)
        t = hp * dis[:, None]
        tp = jnp.concatenate(
            [t, jnp.zeros((ACOLS - AROWS, DIM), jnp.float32)], axis=0
        )
        z = jnp.zeros((AROWS, DIM), jnp.float32)
        for j in range(NPLANES):
            tj = lax.slice(tp, (j * 128, 0), (j * 128 + 128, DIM))
            z = z + jnp.dot(planes[j], tj, preferred_element_type=jnp.float32)
        out = dis[:, None] * (z + t) + b_ref[...]
        o_ref[pl.ds(u * N, N), :] = out[:N]


def _gcn_tc(x_data, a, W, bias2d):
    return pl.pallas_call(
        _gcn_body,
        grid=(S // SPB,),
        in_specs=[
            pl.BlockSpec((SPB, N, DIM), lambda i: (i, 0, 0)),
            pl.BlockSpec((SPB * AVROWS, 128), lambda i: (i, 0)),
            pl.BlockSpec((DIM, DIM), lambda i: (0, 0)),
            pl.BlockSpec((1, DIM), lambda i: (0, 0)),
        ],
        out_specs=pl.BlockSpec((SPB * N, DIM), lambda i: (i, 0)),
        out_shape=jax.ShapeDtypeStruct((S * N, DIM), jnp.float32),
    )(x_data, a, W, bias2d)



@jax.jit
def kernel(x_data, edge_index, bond_dist, W, bias):
    src = edge_index[:, 0, :].astype(jnp.int32)
    dst = edge_index[:, 1, :].astype(jnp.int32)
    w, fidx = _prep(src, dst, bond_dist)
    a_flat = _sc_scatter(
        fidx.reshape(S, B2 // 128, 128), w.reshape(S, B2 // 128, 128)
    )
    a = a_flat.reshape(S * AVROWS, 128)
    return _gcn_tc(x_data, a, W, bias.reshape(1, DIM))

# --- scband reference (transcript-rebuilt; emitter-appended) ---
"""Pipeline reference for scband-graph-conv-layer-49194555408403 (READ-ONLY COPY).

The authoritative reference and input builder live on the scoring server;
editing this copy changes nothing except your own understanding.
"""

import jax, jax.numpy as jnp
import numpy as np

S, N, B2 = 128, 558, 4096
DIM_IN, DIM_OUT = 128, 128


def _gcn_conv(x, edge_index, edge_weight, W, bias):
    # Faithful PyG GCNConv with edge_weight: add self-loops (weight 1),
    # symmetric normalization, linear transform, scatter-add aggregation, bias.
    num_nodes = x.shape[0]
    src = edge_index[0]
    dst = edge_index[1]
    loop = jnp.arange(num_nodes, dtype=src.dtype)
    src = jnp.concatenate([src, loop])
    dst = jnp.concatenate([dst, loop])
    w = jnp.concatenate([edge_weight, jnp.ones((num_nodes,), dtype=edge_weight.dtype)])
    deg = jnp.zeros((num_nodes,), dtype=w.dtype).at[dst].add(w)
    safe_deg = jnp.where(deg > 0, deg, 1.0)
    deg_inv_sqrt = jnp.where(deg > 0, jax.lax.rsqrt(safe_deg), 0.0)
    norm = deg_inv_sqrt[src] * w * deg_inv_sqrt[dst]
    h = x @ W
    msg = h[src] * norm[:, None]
    out = jnp.zeros((num_nodes, W.shape[1]), dtype=h.dtype).at[dst].add(msg)
    return out + bias


def setup_inputs(seed: int = 0):
    key = jax.random.key(seed)
    k1, k2, k3, k4 = jax.random.split(key, 4)
    x_data = jax.random.normal(k1, (S, N, DIM_IN), dtype=jnp.float32)
    edge_index = jax.random.randint(k2, (S, 2, B2), 0, N)
    bond_dist = jax.random.uniform(k3, (S, B2), dtype=jnp.float32, minval=0.01, maxval=1.0)
    W = jax.random.normal(k4, (DIM_IN, DIM_OUT), dtype=jnp.float32) * (1.0 / np.sqrt(DIM_IN))
    bias = jnp.zeros((DIM_OUT,), dtype=jnp.float32)
    return {"x_data": x_data, "edge_index": edge_index, "bond_dist": bond_dist, "W": W, "bias": bias}


def reference(x_data, edge_index, bond_dist, W, bias):
    # cumulative_edgeIndex: per-sample, count edges with src != dst, keep the
    # FIRST b edges (exactly as the torch code does), offset by s*N, concat.
    b = jnp.sum(edge_index[:, 0, :] != edge_index[:, 1, :], axis=-1)
    mask = jnp.arange(edge_index.shape[2])[None, :] < b[:, None]
    offset = (jnp.arange(edge_index.shape[0]) * N).astype(edge_index.dtype)
    ei_off = edge_index + offset[:, None, None]
    edge_indx = jnp.transpose(ei_off, (1, 0, 2)).reshape(2, -1)
    mask_flat = mask.reshape(-1)
    bd_flat = bond_dist.reshape(-1)
    max_bd = jnp.max(jnp.where(mask_flat, bd_flat, -jnp.inf))
    bond_distance = jnp.where(mask_flat, bd_flat / max_bd, jnp.zeros_like(bd_flat))
    x = x_data.reshape(-1, x_data.shape[-1])
    return _gcn_conv(x, edge_indx, bond_distance, W, bias)

if __name__ == "__main__":
    import jax
    _d = setup_inputs()
    print(jax.jit(kernel)(*tuple(_d.values())))

</pallas_src>

<mosaic_0001>
#map = affine_map<(d0, d1) -> (0, 0, 0)>
#map1 = affine_map<(d0, d1) -> (0)>
module attributes {stable_mosaic.version = 14 : i64} {
  func.func @_sc_body(%arg0: i32, %arg1: i32, %arg2: memref<128x32x128xi32, #tpu.memory_space<hbm>>, %arg3: memref<128x32x128xf32, #tpu.memory_space<hbm>>, %arg4: memref<45875200xf32, #tpu.memory_space<hbm>>, %arg5: memref<4x2x128xi32, #tpu.memory_space<vmem>>, %arg6: memref<4x2x128xf32, #tpu.memory_space<vmem>>, %arg7: memref<4x2x128xf32, #tpu.memory_space<vmem>>, %arg8: memref<22400xf32, #tpu.memory_space<vmem>>, %arg9: memref<358400xf32, #tpu.memory_space<vmem_shared>>, %arg10: memref<358400xf32, #tpu.memory_space<vmem_shared>>, %arg11: memref<!tpu.dma_semaphore, #tpu.memory_space<semaphore_mem>>, %arg12: memref<!tpu.dma_semaphore, #tpu.memory_space<semaphore_mem>>, %arg13: memref<!tpu.dma_semaphore, #tpu.memory_space<semaphore_mem>>, %arg14: memref<!tpu.dma_semaphore, #tpu.memory_space<semaphore_mem>>, %arg15: memref<!tpu.dma_semaphore, #tpu.memory_space<semaphore_mem>>, %arg16: memref<!tpu.dma_semaphore, #tpu.memory_space<semaphore_mem>>, %arg17: memref<!tpu.dma_semaphore, #tpu.memory_space<semaphore_mem>>, %arg18: memref<!tpu.dma_semaphore, #tpu.memory_space<semaphore_mem>>) attributes {dimension_semantics = [#tpu.dimension_semantics<core_parallel>, #tpu.dimension_semantics<subcore_parallel>], iteration_bounds = array<i64: 2, 16>, scalar_prefetch = 0 : i64, scratch_operands = 14 : i64, tpu.core_type = #tpu.core_type<sc_vector_subcore>, window_params = [{transform_indices = #map}, {transform_indices = #map}, {transform_indices = #map1}]} {
    %mul3A = arith.constant 22400 : i32
    %mul3A_0 = arith.muli %arg1, %mul3A : i32
    %scan3A = arith.constant 0 : i32
    %scan3A_1 = arith.constant 0 : i32
    %scan3A_2 = arith.constant 1400 : i32
    %scan3A_3 = arith.addi %scan3A_1, %scan3A_2 : i32
    %scan3A_4 = arith.constant 1 : i32
    scf.for %scan3A_70 = %scan3A_1 to %scan3A_3 step %scan3A_4  : i32 {
      %broadcast_in_dim3A = arith.constant 0.000000e+00 : f32
      %broadcast_in_dim3A_71 = vector.broadcast %broadcast_in_dim3A : f32 to vector<16xf32>
      %mul3A_72 = arith.constant 16 : i32
      %mul3A_73 = arith.muli %scan3A_70, %mul3A_72 : i32
      %swap3A = arith.index_cast %mul3A_73 : i32 to index
      %swap3A_74 = tpu.vector_load %arg8[%swap3A] {strides = array<i32>} : memref<22400xf32, #tpu.memory_space<vmem>>, vector<16xf32>,
      %swap3A_75 = vector.shape_cast %swap3A_74 : vector<16xf32> to vector<16xf32>
      %swap3A_76 = vector.shape_cast %broadcast_in_dim3A_71 : vector<16xf32> to vector<16xf32>
      tpu.vector_store %arg8[%swap3A], %swap3A_76 {strides = array<i32>} : memref<22400xf32, #tpu.memory_space<vmem>>, vector<16xf32>,
    }
    %scan3A_5 = arith.constant 1400 : i32
    "tpu.region"() ({
      %run_scoped3A = tpu.sem_alloc : memref<!tpu.dma_semaphore, #tpu.memory_space<semaphore_mem>>
      %dma_start3A_70 = tpu.memref_slice %arg9[%mul3A_0] : memref<358400xf32, #tpu.memory_space<vmem_shared>> -> memref<22400xf32, #tpu.memory_space<vmem_shared>>
      %dma_start3A_71 = tpu.memref_slice %arg9[%mul3A_0] : memref<358400xf32, #tpu.memory_space<vmem_shared>> -> memref<22400xf32, #tpu.memory_space<vmem_shared>>
      tpu.enqueue_dma source(%arg8 : memref<22400xf32, #tpu.memory_space<vmem>>) target(%dma_start3A_71 : memref<22400xf32, #tpu.memory_space<vmem_shared>>) target_semaphore(%run_scoped3A : memref<!tpu.dma_semaphore, #tpu.memory_space<semaphore_mem>>)
      %dma_wait3A_72 = tpu.memref_slice %arg9[%mul3A_0] : memref<358400xf32, #tpu.memory_space<vmem_shared>> -> memref<22400xf32, #tpu.memory_space<vmem_shared>>
      %dma_wait3A_73 = tpu.memref_slice %arg9[%mul3A_0] : memref<358400xf32, #tpu.memory_space<vmem_shared>> -> memref<22400xf32, #tpu.memory_space<vmem_shared>>
      tpu.wait_dma2 semaphore(%run_scoped3A : memref<!tpu.dma_semaphore, #tpu.memory_space<semaphore_mem>>) src(%arg8 : memref<22400xf32, #tpu.memory_space<vmem>>) dst(%dma_wait3A_73 : memref<22400xf32, #tpu.memory_space<vmem_shared>>)
      tpu.yield
    }) : () -> ()
    "tpu.region"() ({
      %run_scoped3A = tpu.sem_alloc : memref<!tpu.dma_semaphore, #tpu.memory_space<semaphore_mem>>
      %dma_start3A_70 = tpu.memref_slice %arg10[%mul3A_0] : memref<358400xf32, #tpu.memory_space<vmem_shared>> -> memref<22400xf32, #tpu.memory_space<vmem_shared>>
      %dma_start3A_71 = tpu.memref_slice %arg10[%mul3A_0] : memref<358400xf32, #tpu.memory_space<vmem_shared>> -> memref<22400xf32, #tpu.memory_space<vmem_shared>>
      tpu.enqueue_dma source(%arg8 : memref<22400xf32, #tpu.memory_space<vmem>>) target(%dma_start3A_71 : memref<22400xf32, #tpu.memory_space<vmem_shared>>) target_semaphore(%run_scoped3A : memref<!tpu.dma_semaphore, #tpu.memory_space<semaphore_mem>>)
      %dma_wait3A_72 = tpu.memref_slice %arg10[%mul3A_0] : memref<358400xf32, #tpu.memory_space<vmem_shared>> -> memref<22400xf32, #tpu.memory_space<vmem_shared>>
      %dma_wait3A_73 = tpu.memref_slice %arg10[%mul3A_0] : memref<358400xf32, #tpu.memory_space<vmem_shared>> -> memref<22400xf32, #tpu.memory_space<vmem_shared>>
      tpu.wait_dma2 semaphore(%run_scoped3A : memref<!tpu.dma_semaphore, #tpu.memory_space<semaphore_mem>>) src(%arg8 : memref<22400xf32, #tpu.memory_space<vmem>>) dst(%dma_wait3A_73 : memref<22400xf32, #tpu.memory_space<vmem_shared>>)
      tpu.yield
    }) : () -> ()
    %mul3A_6 = arith.constant 64 : i32
    %mul3A_7 = arith.muli %arg0, %mul3A_6 : i32
    %mul3A_8 = arith.constant 2 : i32
    %mul3A_9 = arith.muli %arg1, %mul3A_8 : i32
    %mul3A_10 = arith.constant 2 : i32
    %mul3A_11 = arith.muli %arg1, %mul3A_10 : i32
    %dma_start3A = arith.constant 0 : i32
    %dma_start3A_12 = arith.constant 0 : i32
    %dma_start3A_13 = arith.constant 0 : i32
    %dma_start3A_14 = tpu.memref_slice %arg5[%dma_start3A, %dma_start3A_12, %dma_start3A_13] : memref<4x2x128xi32, #tpu.memory_space<vmem>> -> memref<1x2x128xi32, #tpu.memory_space<vmem>>
    %dma_start3A_15 = tpu.memref_squeeze %dma_start3A_14 : memref<1x2x128xi32, #tpu.memory_space<vmem>> -> memref<2x128xi32, #tpu.memory_space<vmem>>
    %dma_start3A_16 = arith.constant 0 : i32
    %dma_start3A_17 = tpu.memref_slice %arg2[%mul3A_7, %mul3A_9, %dma_start3A_16] : memref<128x32x128xi32, #tpu.memory_space<hbm>> -> memref<1x2x128xi32, #tpu.memory_space<hbm>>
    %dma_start3A_18 = tpu.memref_squeeze %dma_start3A_17 : memref<1x2x128xi32, #tpu.memory_space<hbm>> -> memref<2x128xi32, #tpu.memory_space<hbm>>
    %dma_start3A_19 = arith.constant 0 : i32
    %dma_start3A_20 = arith.constant 0 : i32
    %dma_start3A_21 = tpu.memref_slice %arg5[%dma_start3A, %dma_start3A_19, %dma_start3A_20] : memref<4x2x128xi32, #tpu.memory_space<vmem>> -> memref<1x2x128xi32, #tpu.memory_space<vmem>>
    %dma_start3A_22 = tpu.memref_squeeze %dma_start3A_21 : memref<1x2x128xi32, #tpu.memory_space<vmem>> -> memref<2x128xi32, #tpu.memory_space<vmem>>
    %dma_start3A_23 = arith.constant 0 : i32
    %dma_start3A_24 = tpu.memref_slice %arg2[%mul3A_7, %mul3A_9, %dma_start3A_23] : memref<128x32x128xi32, #tpu.memory_space<hbm>> -> memref<1x2x128xi32, #tpu.memory_space<hbm>>
    %dma_start3A_25 = tpu.memref_squeeze %dma_start3A_24 : memref<1x2x128xi32, #tpu.memory_space<hbm>> -> memref<2x128xi32, #tpu.memory_space<hbm>>
    tpu.enqueue_dma source(%dma_start3A_25 : memref<2x128xi32, #tpu.memory_space<hbm>>) target(%dma_start3A_22 : memref<2x128xi32, #tpu.memory_space<vmem>>) target_semaphore(%arg11 : memref<!tpu.dma_semaphore, #tpu.memory_space<semaphore_mem>>)
    %dma_start3A_26 = arith.constant 0 : i32
    %dma_start3A_27 = arith.constant 0 : i32
    %dma_start3A_28 = arith.constant 0 : i32
    %dma_start3A_29 = tpu.memref_slice %arg6[%dma_start3A_26, %dma_start3A_27, %dma_start3A_28] : memref<4x2x128xf32, #tpu.memory_space<vmem>> -> memref<1x2x128xf32, #tpu.memory_space<vmem>>
    %dma_start3A_30 = tpu.memref_squeeze %dma_start3A_29 : memref<1x2x128xf32, #tpu.memory_space<vmem>> -> memref<2x128xf32, #tpu.memory_space<vmem>>
    %dma_start3A_31 = arith.constant 0 : i32
    %dma_start3A_32 = tpu.memref_slice %arg3[%mul3A_7, %mul3A_11, %dma_start3A_31] : memref<128x32x128xf32, #tpu.memory_space<hbm>> -> memref<1x2x128xf32, #tpu.memory_space<hbm>>
    %dma_start3A_33 = tpu.memref_squeeze %dma_start3A_32 : memref<1x2x128xf32, #tpu.memory_space<hbm>> -> memref<2x128xf32, #tpu.memory_space<hbm>>
    %dma_start3A_34 = arith.constant 0 : i32
    %dma_start3A_35 = arith.constant 0 : i32
    %dma_start3A_36 = tpu.memref_slice %arg6[%dma_start3A_26, %dma_start3A_34, %dma_start3A_35] : memref<4x2x128xf32, #tpu.memory_space<vmem>> -> memref<1x2x128xf32, #tpu.memory_space<vmem>>
    %dma_start3A_37 = tpu.memref_squeeze %dma_start3A_36 : memref<1x2x128xf32, #tpu.memory_space<vmem>> -> memref<2x128xf32, #tpu.memory_space<vmem>>
    %dma_start3A_38 = arith.constant 0 : i32
    %dma_start3A_39 = tpu.memref_slice %arg3[%mul3A_7, %mul3A_11, %dma_start3A_38] : memref<128x32x128xf32, #tpu.memory_space<hbm>> -> memref<1x2x128xf32, #tpu.memory_space<hbm>>
    %dma_start3A_40 = tpu.memref_squeeze %dma_start3A_39 : memref<1x2x128xf32, #tpu.memory_space<hbm>> -> memref<2x128xf32, #tpu.memory_space<hbm>>
    tpu.enqueue_dma source(%dma_start3A_40 : memref<2x128xf32, #tpu.memory_space<hbm>>) target(%dma_start3A_37 : memref<2x128xf32, #tpu.memory_space<vmem>>) target_semaphore(%arg11 : memref<!tpu.dma_semaphore, #tpu.memory_space<semaphore_mem>>)
    %scan3A_41 = arith.constant 0 : i32
    %scan3A_42 = arith.constant 0 : i32
    %scan3A_43 = arith.constant 16 : i32
    %scan3A_44 = arith.addi %scan3A_42, %scan3A_43 : i32
    %scan3A_45 = arith.constant 1 : i32
    scf.for %scan3A_70 = %scan3A_42 to %scan3A_44 step %scan3A_45  : i32 {
      %mul3A_71 = arith.constant 64 : i32
      %mul3A_72 = arith.muli %arg0, %mul3A_71 : i32
      %mul3A_73 = arith.constant 4 : i32
      %mul3A_74 = arith.muli %mul3A_73, %scan3A_70 : i32
      %add3A_75 = arith.addi %mul3A_72, %mul3A_74 : i32
      %gt3A = arith.constant 0 : i32
      %gt3A_76 = arith.cmpi sgt, %scan3A_70, %gt3A : i32
      %mul3A_77 = arith.constant 2 : i32
      %mul3A_78 = arith.muli %arg1, %mul3A_77 : i32
      %mul3A_79 = arith.constant 2 : i32
      %mul3A_80 = arith.muli %arg1, %mul3A_79 : i32
      %dma_wait3A_81 = arith.constant 0 : i32
      %dma_wait3A_82 = arith.constant 0 : i32
      %dma_wait3A_83 = arith.constant 0 : i32
      %dma_wait3A_84 = tpu.memref_slice %arg5[%dma_wait3A_81, %dma_wait3A_82, %dma_wait3A_83] : memref<4x2x128xi32, #tpu.memory_space<vmem>> -> memref<1x2x128xi32, #tpu.memory_space<vmem>>
      %dma_wait3A_85 = tpu.memref_squeeze %dma_wait3A_84 : memref<1x2x128xi32, #tpu.memory_space<vmem>> -> memref<2x128xi32, #tpu.memory_space<vmem>>
      %dma_wait3A_86 = arith.constant 0 : i32
      %dma_wait3A_87 = tpu.memref_slice %arg2[%add3A_75, %mul3A_78, %dma_wait3A_86] : memref<128x32x128xi32, #tpu.memory_space<hbm>> -> memref<1x2x128xi32, #tpu.memory_space<hbm>>
      %dma_wait3A_88 = tpu.memref_squeeze %dma_wait3A_87 : memref<1x2x128xi32, #tpu.memory_space<hbm>> -> memref<2x128xi32, #tpu.memory_space<hbm>>
      %dma_wait3A_89 = arith.constant 0 : i32
      %dma_wait3A_90 = arith.constant 0 : i32
      %dma_wait3A_91 = tpu.memref_slice %arg5[%dma_wait3A_81, %dma_wait3A_89, %dma_wait3A_90] : memref<4x2x128xi32, #tpu.memory_space<vmem>> -> memref<1x2x128xi32, #tpu.memory_space<vmem>>
      %dma_wait3A_92 = tpu.memref_squeeze %dma_wait3A_91 : memref<1x2x128xi32, #tpu.memory_space<vmem>> -> memref<2x128xi32, #tpu.memory_space<vmem>>
      %dma_wait3A_93 = arith.constant 0 : i32
      %dma_wait3A_94 = tpu.memref_slice %arg2[%add3A_75, %mul3A_78, %dma_wait3A_93] : memref<128x32x128xi32, #tpu.memory_space<hbm>> -> memref<1x2x128xi32, #tpu.memory_space<hbm>>
      %dma_wait3A_95 = tpu.memref_squeeze %dma_wait3A_94 : memref<1x2x128xi32, #tpu.memory_space<hbm>> -> memref<2x128xi32, #tpu.memory_space<hbm>>
      tpu.wait_dma2 semaphore(%arg11 : memref<!tpu.dma_semaphore, #tpu.memory_space<semaphore_mem>>) src(%dma_wait3A_95 : memref<2x128xi32, #tpu.memory_space<hbm>>) dst(%dma_wait3A_92 : memref<2x128xi32, #tpu.memory_space<vmem>>)
      %dma_wait3A_96 = arith.constant 0 : i32
      %dma_wait3A_97 = arith.constant 0 : i32
      %dma_wait3A_98 = arith.constant 0 : i32
      %dma_wait3A_99 = tpu.memref_slice %arg6[%dma_wait3A_96, %dma_wait3A_97, %dma_wait3A_98] : memref<4x2x128xf32, #tpu.memory_space<vmem>> -> memref<1x2x128xf32, #tpu.memory_space<vmem>>
      %dma_wait3A_100 = tpu.memref_squeeze %dma_wait3A_99 : memref<1x2x128xf32, #tpu.memory_space<vmem>> -> memref<2x128xf32, #tpu.memory_space<vmem>>
      %dma_wait3A_101 = arith.constant 0 : i32
      %dma_wait3A_102 = tpu.memref_slice %arg3[%add3A_75, %mul3A_80, %dma_wait3A_101] : memref<128x32x128xf32, #tpu.memory_space<hbm>> -> memref<1x2x128xf32, #tpu.memory_space<hbm>>
      %dma_wait3A_103 = tpu.memref_squeeze %dma_wait3A_102 : memref<1x2x128xf32, #tpu.memory_space<hbm>> -> memref<2x128xf32, #tpu.memory_space<hbm>>
      %dma_wait3A_104 = arith.constant 0 : i32
      %dma_wait3A_105 = arith.constant 0 : i32
      %dma_wait3A_106 = tpu.memref_slice %arg6[%dma_wait3A_96, %dma_wait3A_104, %dma_wait3A_105] : memref<4x2x128xf32, #tpu.memory_space<vmem>> -> memref<1x2x128xf32, #tpu.memory_space<vmem>>
      %dma_wait3A_107 = tpu.memref_squeeze %dma_wait3A_106 : memref<1x2x128xf32, #tpu.memory_space<vmem>> -> memref<2x128xf32, #tpu.memory_space<vmem>>
      %dma_wait3A_108 = arith.constant 0 : i32
      %dma_wait3A_109 = tpu.memref_slice %arg3[%add3A_75, %mul3A_80, %dma_wait3A_108] : memref<128x32x128xf32, #tpu.memory_space<hbm>> -> memref<1x2x128xf32, #tpu.memory_space<hbm>>
      %dma_wait3A_110 = tpu.memref_squeeze %dma_wait3A_109 : memref<1x2x128xf32, #tpu.memory_space<hbm>> -> memref<2x128xf32, #tpu.memory_space<hbm>>
      tpu.wait_dma2 semaphore(%arg11 : memref<!tpu.dma_semaphore, #tpu.memory_space<semaphore_mem>>) src(%dma_wait3A_110 : memref<2x128xf32, #tpu.memory_space<hbm>>) dst(%dma_wait3A_107 : memref<2x128xf32, #tpu.memory_space<vmem>>)
      %cond3A = arith.constant 1 : i32
      %add3A_111 = arith.constant 1 : i32
      %add3A_112 = arith.addi %add3A_75, %add3A_111 : i32
      %mul3A_113 = arith.constant 2 : i32
      %mul3A_114 = arith.muli %arg1, %mul3A_113 : i32
      %mul3A_115 = arith.constant 2 : i32
      %mul3A_116 = arith.muli %arg1, %mul3A_115 : i32
      %dma_start3A_117 = arith.constant 1 : i32
      %dma_start3A_118 = arith.constant 0 : i32
      %dma_start3A_119 = arith.constant 0 : i32
      %dma_start3A_120 = tpu.memref_slice %arg5[%dma_start3A_117, %dma_start3A_118, %dma_start3A_119] : memref<4x2x128xi32, #tpu.memory_space<vmem>> -> memref<1x2x128xi32, #tpu.memory_space<vmem>>
      %dma_start3A_121 = tpu.memref_squeeze %dma_start3A_120 : memref<1x2x128xi32, #tpu.memory_space<vmem>> -> memref<2x128xi32, #tpu.memory_space<vmem>>
      %dma_start3A_122 = arith.constant 0 : i32
      %dma_start3A_123 = tpu.memref_slice %arg2[%add3A_112, %mul3A_114, %dma_start3A_122] : memref<128x32x128xi32, #tpu.memory_space<hbm>> -> memref<1x2x128xi32, #tpu.memory_space<hbm>>
      %dma_start3A_124 = tpu.memref_squeeze %dma_start3A_123 : memref<1x2x128xi32, #tpu.memory_space<hbm>> -> memref<2x128xi32, #tpu.memory_space<hbm>>
      %dma_start3A_125 = arith.constant 0 : i32
      %dma_start3A_126 = arith.constant 0 : i32
      %dma_start3A_127 = tpu.memref_slice %arg5[%dma_start3A_117, %dma_start3A_125, %dma_start3A_126] : memref<4x2x128xi32, #tpu.memory_space<vmem>> -> memref<1x2x128xi32, #tpu.memory_space<vmem>>
      %dma_start3A_128 = tpu.memref_squeeze %dma_start3A_127 : memref<1x2x128xi32, #tpu.memory_space<vmem>> -> memref<2x128xi32, #tpu.memory_space<vmem>>
      %dma_start3A_129 = arith.constant 0 : i32
      %dma_start3A_130 = tpu.memref_slice %arg2[%add3A_112, %mul3A_114, %dma_start3A_129] : memref<128x32x128xi32, #tpu.memory_space<hbm>> -> memref<1x2x128xi32, #tpu.memory_space<hbm>>
      %dma_start3A_131 = tpu.memref_squeeze %dma_start3A_130 : memref<1x2x128xi32, #tpu.memory_space<hbm>> -> memref<2x128xi32, #tpu.memory_space<hbm>>
      tpu.enqueue_dma source(%dma_start3A_131 : memref<2x128xi32, #tpu.memory_space<hbm>>) target(%dma_start3A_128 : memref<2x128xi32, #tpu.memory_space<vmem>>) target_semaphore(%arg12 : memref<!tpu.dma_semaphore, #tpu.memory_space<semaphore_mem>>)
      %dma_start3A_132 = arith.constant 1 : i32
      %dma_start3A_133 = arith.constant 0 : i32
      %dma_start3A_134 = arith.constant 0 : i32
      %dma_start3A_135 = tpu.memref_slice %arg6[%dma_start3A_132, %dma_start3A_133, %dma_start3A_134] : memref<4x2x128xf32, #tpu.memory_space<vmem>> -> memref<1x2x128xf32, #tpu.memory_space<vmem>>
      %dma_start3A_136 = tpu.memref_squeeze %dma_start3A_135 : memref<1x2x128xf32, #tpu.memory_space<vmem>> -> memref<2x128xf32, #tpu.memory_space<vmem>>
      %dma_start3A_137 = arith.constant 0 : i32
      %dma_start3A_138 = tpu.memref_slice %arg3[%add3A_112, %mul3A_116, %dma_start3A_137] : memref<128x32x128xf32, #tpu.memory_space<hbm>> -> memref<1x2x128xf32, #tpu.memory_space<hbm>>
      %dma_start3A_139 = tpu.memref_squeeze %dma_start3A_138 : memref<1x2x128xf32, #tpu.memory_space<hbm>> -> memref<2x128xf32, #tpu.memory_space<hbm>>
      %dma_start3A_140 = arith.constant 0 : i32
      %dma_start3A_141 = arith.constant 0 : i32
      %dma_start3A_142 = tpu.memref_slice %arg6[%dma_start3A_132, %dma_start3A_140, %dma_start3A_141] : memref<4x2x128xf32, #tpu.memory_space<vmem>> -> memref<1x2x128xf32, #tpu.memory_space<vmem>>
      %dma_start3A_143 = tpu.memref_squeeze %dma_start3A_142 : memref<1x2x128xf32, #tpu.memory_space<vmem>> -> memref<2x128xf32, #tpu.memory_space<vmem>>
      %dma_start3A_144 = arith.constant 0 : i32
      %dma_start3A_145 = tpu.memref_slice %arg3[%add3A_112, %mul3A_116, %dma_start3A_144] : memref<128x32x128xf32, #tpu.memory_space<hbm>> -> memref<1x2x128xf32, #tpu.memory_space<hbm>>
      %dma_start3A_146 = tpu.memref_squeeze %dma_start3A_145 : memref<1x2x128xf32, #tpu.memory_space<hbm>> -> memref<2x128xf32, #tpu.memory_space<hbm>>
      tpu.enqueue_dma source(%dma_start3A_146 : memref<2x128xf32, #tpu.memory_space<hbm>>) target(%dma_start3A_143 : memref<2x128xf32, #tpu.memory_space<vmem>>) target_semaphore(%arg12 : memref<!tpu.dma_semaphore, #tpu.memory_space<semaphore_mem>>)
      %get3A = arith.constant 0 : i32
      %get3A_147 = arith.constant 0 : i32
      %get3A_148 = arith.index_cast %get3A : i32 to index
      %get3A_149 = arith.index_cast %get3A_147 : i32 to index
      %get3A_150 = arith.constant 0 : index
      %get3A_151 = tpu.vector_load %arg6[%get3A_148, %get3A_149, %get3A_150] {strides = array<i32>} : memref<4x2x128xf32, #tpu.memory_space<vmem>>, vector<1x1x16xf32>,
      %get3A_152 = vector.shape_cast %get3A_151 : vector<1x1x16xf32> to vector<16xf32>
      %neg3A = arith.constant 0.000000e+00 : f32
      %neg3A_153 = vector.broadcast %neg3A : f32 to vector<16xf32>
      %neg3A_154 = arith.subf %neg3A_153, %get3A_152 : vector<16xf32>
      %swap3A = arith.constant 0 : i32
      %swap3A_155 = arith.constant 0 : i32
      %swap3A_156 = arith.index_cast %swap3A : i32 to index
      %swap3A_157 = arith.index_cast %swap3A_155 : i32 to index
      %swap3A_158 = arith.constant 0 : index
      %swap3A_159 = tpu.vector_load %arg7[%swap3A_156, %swap3A_157, %swap3A_158] {strides = array<i32>} : memref<4x2x128xf32, #tpu.memory_space<vmem>>, vector<1x1x16xf32>,
      %swap3A_160 = vector.shape_cast %swap3A_159 : vector<1x1x16xf32> to vector<16xf32>
      %swap3A_161 = vector.shape_cast %neg3A_154 : vector<16xf32> to vector<1x1x16xf32>
      tpu.vector_store %arg7[%swap3A_156, %swap3A_157, %swap3A_158], %swap3A_161 {strides = array<i32>} : memref<4x2x128xf32, #tpu.memory_space<vmem>>, vector<1x1x16xf32>,
      %get3A_162 = arith.constant 0 : i32
      %get3A_163 = arith.constant 0 : i32
      %get3A_164 = arith.index_cast %get3A_162 : i32 to index
      %get3A_165 = arith.index_cast %get3A_163 : i32 to index
      %get3A_166 = arith.constant 16 : index
      %get3A_167 = tpu.vector_load %arg6[%get3A_164, %get3A_165, %get3A_166] {strides = array<i32>} : memref<4x2x128xf32, #tpu.memory_space<vmem>>, vector<1x1x16xf32>,
      %get3A_168 = vector.shape_cast %get3A_167 : vector<1x1x16xf32> to vector<16xf32>
      %neg3A_169 = arith.constant 0.000000e+00 : f32
      %neg3A_170 = vector.broadcast %neg3A_169 : f32 to vector<16xf32>
      %neg3A_171 = arith.subf %neg3A_170, %get3A_168 : vector<16xf32>
      %swap3A_172 = arith.constant 0 : i32
      %swap3A_173 = arith.constant 0 : i32
      %swap3A_174 = arith.index_cast %swap3A_172 : i32 to index
      %swap3A_175 = arith.index_cast %swap3A_173 : i32 to index
      %swap3A_176 = arith.constant 16 : index
      %swap3A_177 = tpu.vector_load %arg7[%swap3A_174, %swap3A_175, %swap3A_176] {strides = array<i32>} : memref<4x2x128xf32, #tpu.memory_space<vmem>>, vector<1x1x16xf32>,
      %swap3A_178 = vector.shape_cast %swap3A_177 : vector<1x1x16xf32> to vector<16xf32>
      %swap3A_179 = vector.shape_cast %neg3A_171 : vector<16xf32> to vector<1x1x16xf32>
      tpu.vector_store %arg7[%swap3A_174, %swap3A_175, %swap3A_176], %swap3A_179 {strides = array<i32>} : memref<4x2x128xf32, #tpu.memory_space<vmem>>, vector<1x1x16xf32>,
      %get3A_180 = arith.constant 0 : i32
      %get3A_181 = arith.constant 0 : i32
      %get3A_182 = arith.index_cast %get3A_180 : i32 to index
      %get3A_183 = arith.index_cast %get3A_181 : i32 to index
      %get3A_184 = arith.constant 32 : index
      %get3A_185 = tpu.vector_load %arg6[%get3A_182, %get3A_183, %get3A_184] {strides = array<i32>} : memref<4x2x128xf32, #tpu.memory_space<vmem>>, vector<1x1x16xf32>,
      %get3A_186 = vector.shape_cast %get3A_185 : vector<1x1x16xf32> to vector<16xf32>
      %neg3A_187 = arith.constant 0.000000e+00 : f32
      %neg3A_188 = vector.broadcast %neg3A_187 : f32 to vector<16xf32>
      %neg3A_189 = arith.subf %neg3A_188, %get3A_186 : vector<16xf32>
      %swap3A_190 = arith.constant 0 : i32
      %swap3A_191 = arith.constant 0 : i32
      %swap3A_192 = arith.index_cast %swap3A_190 : i32 to index
      %swap3A_193 = arith.index_cast %swap3A_191 : i32 to index
      %swap3A_194 = arith.constant 32 : index
      %swap3A_195 = tpu.vector_load %arg7[%swap3A_192, %swap3A_193, %swap3A_194] {strides = array<i32>} : memref<4x2x128xf32, #tpu.memory_space<vmem>>, vector<1x1x16xf32>,
      %swap3A_196 = vector.shape_cast %swap3A_195 : vector<1x1x16xf32> to vector<16xf32>
      %swap3A_197 = vector.shape_cast %neg3A_189 : vector<16xf32> to vector<1x1x16xf32>
      tpu.vector_store %arg7[%swap3A_192, %swap3A_193, %swap3A_194], %swap3A_197 {strides = array<i32>} : memref<4x2x128xf32, #tpu.memory_space<vmem>>, vector<1x1x16xf32>,
      %get3A_198 = arith.constant 0 : i32
      %get3A_199 = arith.constant 0 : i32
      %get3A_200 = arith.index_cast %get3A_198 : i32 to index
      %get3A_201 = arith.index_cast %get3A_199 : i32 to index
      %get3A_202 = arith.constant 48 : index
      %get3A_203 = tpu.vector_load %arg6[%get3A_200, %get3A_201, %get3A_202] {strides = array<i32>} : memref<4x2x128xf32, #tpu.memory_space<vmem>>, vector<1x1x16xf32>,
      %get3A_204 = vector.shape_cast %get3A_203 : vector<1x1x16xf32> to vector<16xf32>
      %neg3A_205 = arith.constant 0.000000e+00 : f32
      %neg3A_206 = vector.broadcast %neg3A_205 : f32 to vector<16xf32>
      %neg3A_207 = arith.subf %neg3A_206, %get3A_204 : vector<16xf32>
      %swap3A_208 = arith.constant 0 : i32
      %swap3A_209 = arith.constant 0 : i32
      %swap3A_210 = arith.index_cast %swap3A_208 : i32 to index
      %swap3A_211 = arith.index_cast %swap3A_209 : i32 to index
      %swap3A_212 = arith.constant 48 : index
      %swap3A_213 = tpu.vector_load %arg7[%swap3A_210, %swap3A_211, %swap3A_212] {strides = array<i32>} : memref<4x2x128xf32, #tpu.memory_space<vmem>>, vector<1x1x16xf32>,
      %swap3A_214 = vector.shape_cast %swap3A_213 : vector<1x1x16xf32> to vector<16xf32>
      %swap3A_215 = vector.shape_cast %neg3A_207 : vector<16xf32> to vector<1x1x16xf32>
      tpu.vector_store %arg7[%swap3A_210, %swap3A_211, %swap3A_212], %swap3A_215 {strides = array<i32>} : memref<4x2x128xf32, #tpu.memory_space<vmem>>, vector<1x1x16xf32>,
      %get3A_216 = arith.constant 0 : i32
      %get3A_217 = arith.constant 0 : i32
      %get3A_218 = arith.index_cast %get3A_216 : i32 to index
      %get3A_219 = arith.index_cast %get3A_217 : i32 to index
      %get3A_220 = arith.constant 64 : index
      %get3A_221 = tpu.vector_load %arg6[%get3A_218, %get3A_219, %get3A_220] {strides = array<i32>} : memref<4x2x128xf32, #tpu.memory_space<vmem>>, vector<1x1x16xf32>,
      %get3A_222 = vector.shape_cast %get3A_221 : vector<1x1x16xf32> to vector<16xf32>
      %neg3A_223 = arith.constant 0.000000e+00 : f32
      %neg3A_224 = vector.broadcast %neg3A_223 : f32 to vector<16xf32>
      %neg3A_225 = arith.subf %neg3A_224, %get3A_222 : vector<16xf32>
      %swap3A_226 = arith.constant 0 : i32
      %swap3A_227 = arith.constant 0 : i32
      %swap3A_228 = arith.index_cast %swap3A_226 : i32 to index
      %swap3A_229 = arith.index_cast %swap3A_227 : i32 to index
      %swap3A_230 = arith.constant 64 : index
      %swap3A_231 = tpu.vector_load %arg7[%swap3A_228, %swap3A_229, %swap3A_230] {strides = array<i32>} : memref<4x2x128xf32, #tpu.memory_space<vmem>>, vector<1x1x16xf32>,
      %swap3A_232 = vector.shape_cast %swap3A_231 : vector<1x1x16xf32> to vector<16xf32>
      %swap3A_233 = vector.shape_cast %neg3A_225 : vector<16xf32> to vector<1x1x16xf32>
      tpu.vector_store %arg7[%swap3A_228, %swap3A_229, %swap3A_230], %swap3A_233 {strides = array<i32>} : memref<4x2x128xf32, #tpu.memory_space<vmem>>, vector<1x1x16xf32>,
      %get3A_234 = arith.constant 0 : i32
      %get3A_235 = arith.constant 0 : i32
      %get3A_236 = arith.index_cast %get3A_234 : i32 to index
      %get3A_237 = arith.index_cast %get3A_235 : i32 to index
      %get3A_238 = arith.constant 80 : index
      %get3A_239 = tpu.vector_load %arg6[%get3A_236, %get3A_237, %get3A_238] {strides = array<i32>} : memref<4x2x128xf32, #tpu.memory_space<vmem>>, vector<1x1x16xf32>,
      %get3A_240 = vector.shape_cast %get3A_239 : vector<1x1x16xf32> to vector<16xf32>
      %neg3A_241 = arith.constant 0.000000e+00 : f32
      %neg3A_242 = vector.broadcast %neg3A_241 : f32 to vector<16xf32>
      %neg3A_243 = arith.subf %neg3A_242, %get3A_240 : vector<16xf32>
      %swap3A_244 = arith.constant 0 : i32
      %swap3A_245 = arith.constant 0 : i32
      %swap3A_246 = arith.index_cast %swap3A_244 : i32 to index
      %swap3A_247 = arith.index_cast %swap3A_245 : i32 to index
      %swap3A_248 = arith.constant 80 : index
      %swap3A_249 = tpu.vector_load %arg7[%swap3A_246, %swap3A_247, %swap3A_248] {strides = array<i32>} : memref<4x2x128xf32, #tpu.memory_space<vmem>>, vector<1x1x16xf32>,
      %swap3A_250 = vector.shape_cast %swap3A_249 : vector<1x1x16xf32> to vector<16xf32>
      %swap3A_251 = vector.shape_cast %neg3A_243 : vector<16xf32> to vector<1x1x16xf32>
      tpu.vector_store %arg7[%swap3A_246, %swap3A_247, %swap3A_248], %swap3A_251 {strides = array<i32>} : memref<4x2x128xf32, #tpu.memory_space<vmem>>, vector<1x1x16xf32>,
      %get3A_252 = arith.constant 0 : i32
      %get3A_253 = arith.constant 0 : i32
      %get3A_254 = arith.index_cast %get3A_252 : i32 to index
      %get3A_255 = arith.index_cast %get3A_253 : i32 to index
      %get3A_256 = arith.constant 96 : index
      %get3A_257 = tpu.vector_load %arg6[%get3A_254, %get3A_255, %get3A_256] {strides = array<i32>} : memref<4x2x128xf32, #tpu.memory_space<vmem>>, vector<1x1x16xf32>,
      %get3A_258 = vector.shape_cast %get3A_257 : vector<1x1x16xf32> to vector<16xf32>
      %neg3A_259 = arith.constant 0.000000e+00 : f32
      %neg3A_260 = vector.broadcast %neg3A_259 : f32 to vector<16xf32>
      %neg3A_261 = arith.subf %neg3A_260, %get3A_258 : vector<16xf32>
      %swap3A_262 = arith.constant 0 : i32
      %swap3A_263 = arith.constant 0 : i32
      %swap3A_264 = arith.index_cast %swap3A_262 : i32 to index
      %swap3A_265 = arith.index_cast %swap3A_263 : i32 to index
      %swap3A_266 = arith.constant 96 : index
      %swap3A_267 = tpu.vector_load %arg7[%swap3A_264, %swap3A_265, %swap3A_266] {strides = array<i32>} : memref<4x2x128xf32, #tpu.memory_space<vmem>>, vector<1x1x16xf32>,
      %swap3A_268 = vector.shape_cast %swap3A_267 : vector<1x1x16xf32> to vector<16xf32>
      %swap3A_269 = vector.shape_cast %neg3A_261 : vector<16xf32> to vector<1x1x16xf32>
      tpu.vector_store %arg7[%swap3A_264, %swap3A_265, %swap3A_266], %swap3A_269 {strides = array<i32>} : memref<4x2x128xf32, #tpu.memory_space<vmem>>, vector<1x1x16xf32>,
      %get3A_270 = arith.constant 0 : i32
      %get3A_271 = arith.constant 0 : i32
      %get3A_272 = arith.index_cast %get3A_270 : i32 to index
      %get3A_273 = arith.index_cast %get3A_271 : i32 to index
      %get3A_274 = arith.constant 112 : index
      %get3A_275 = tpu.vector_load %arg6[%get3A_272, %get3A_273, %get3A_274] {strides = array<i32>} : memref<4x2x128xf32, #tpu.memory_space<vmem>>, vector<1x1x16xf32>,
      %get3A_276 = vector.shape_cast %get3A_275 : vector<1x1x16xf32> to vector<16xf32>
      %neg3A_277 = arith.constant 0.000000e+00 : f32
      %neg3A_278 = vector.broadcast %neg3A_277 : f32 to vector<16xf32>
      %neg3A_279 = arith.subf %neg3A_278, %get3A_276 : vector<16xf32>
      %swap3A_280 = arith.constant 0 : i32
      %swap3A_281 = arith.constant 0 : i32
      %swap3A_282 = arith.index_cast %swap3A_280 : i32 to index
      %swap3A_283 = arith.index_cast %swap3A_281 : i32 to index
      %swap3A_284 = arith.constant 112 : index
      %swap3A_285 = tpu.vector_load %arg7[%swap3A_282, %swap3A_283, %swap3A_284] {strides = array<i32>} : memref<4x2x128xf32, #tpu.memory_space<vmem>>, vector<1x1x16xf32>,
      %swap3A_286 = vector.shape_cast %swap3A_285 : vector<1x1x16xf32> to vector<16xf32>
      %swap3A_287 = vector.shape_cast %neg3A_279 : vector<16xf32> to vector<1x1x16xf32>
      tpu.vector_store %arg7[%swap3A_282, %swap3A_283, %swap3A_284], %swap3A_287 {strides = array<i32>} : memref<4x2x128xf32, #tpu.memory_space<vmem>>, vector<1x1x16xf32>,
      %get3A_288 = arith.constant 0 : i32
      %get3A_289 = arith.constant 1 : i32
      %get3A_290 = arith.index_cast %get3A_288 : i32 to index
      %get3A_291 = arith.index_cast %get3A_289 : i32 to index
      %get3A_292 = arith.constant 0 : index
      %get3A_293 = tpu.vector_load %arg6[%get3A_290, %get3A_291, %get3A_292] {strides = array<i32>} : memref<4x2x128xf32, #tpu.memory_space<vmem>>, vector<1x1x16xf32>,
      %get3A_294 = vector.shape_cast %get3A_293 : vector<1x1x16xf32> to vector<16xf32>
      %neg3A_295 = arith.constant 0.000000e+00 : f32
      %neg3A_296 = vector.broadcast %neg3A_295 : f32 to vector<16xf32>
      %neg3A_297 = arith.subf %neg3A_296, %get3A_294 : vector<16xf32>
      %swap3A_298 = arith.constant 0 : i32
      %swap3A_299 = arith.constant 1 : i32
      %swap3A_300 = arith.index_cast %swap3A_298 : i32 to index
      %swap3A_301 = arith.index_cast %swap3A_299 : i32 to index
      %swap3A_302 = arith.constant 0 : index
      %swap3A_303 = tpu.vector_load %arg7[%swap3A_300, %swap3A_301, %swap3A_302] {strides = array<i32>} : memref<4x2x128xf32, #tpu.memory_space<vmem>>, vector<1x1x16xf32>,
      %swap3A_304 = vector.shape_cast %swap3A_303 : vector<1x1x16xf32> to vector<16xf32>
      %swap3A_305 = vector.shape_cast %neg3A_297 : vector<16xf32> to vector<1x1x16xf32>
      tpu.vector_store %arg7[%swap3A_300, %swap3A_301, %swap3A_302], %swap3A_305 {strides = array<i32>} : memref<4x2x128xf32, #tpu.memory_space<vmem>>, vector<1x1x16xf32>,
      %get3A_306 = arith.constant 0 : i32
      %get3A_307 = arith.constant 1 : i32
      %get3A_308 = arith.index_cast %get3A_306 : i32 to index
      %get3A_309 = arith.index_cast %get3A_307 : i32 to index
      %get3A_310 = arith.constant 16 : index
      %get3A_311 = tpu.vector_load %arg6[%get3A_308, %get3A_309, %get3A_310] {strides = array<i32>} : memref<4x2x128xf32, #tpu.memory_space<vmem>>, vector<1x1x16xf32>,
      %get3A_312 = vector.shape_cast %get3A_311 : vector<1x1x16xf32> to vector<16xf32>
      %neg3A_313 = arith.constant 0.000000e+00 : f32
      %neg3A_314 = vector.broadcast %neg3A_313 : f32 to vector<16xf32>
      %neg3A_315 = arith.subf %neg3A_314, %get3A_312 : vector<16xf32>
      %swap3A_316 = arith.constant 0 : i32
      %swap3A_317 = arith.constant 1 : i32
      %swap3A_318 = arith.index_cast %swap3A_316 : i32 to index
      %swap3A_319 = arith.index_cast %swap3A_317 : i32 to index
      %swap3A_320 = arith.constant 16 : index
      %swap3A_321 = tpu.vector_load %arg7[%swap3A_318, %swap3A_319, %swap3A_320] {strides = array<i32>} : memref<4x2x128xf32, #tpu.memory_space<vmem>>, vector<1x1x16xf32>,
      %swap3A_322 = vector.shape_cast %swap3A_321 : vector<1x1x16xf32> to vector<16xf32>
      %swap3A_323 = vector.shape_cast %neg3A_315 : vector<16xf32> to vector<1x1x16xf32>
      tpu.vector_store %arg7[%swap3A_318, %swap3A_319, %swap3A_320], %swap3A_323 {strides = array<i32>} : memref<4x2x128xf32, #tpu.memory_space<vmem>>, vector<1x1x16xf32>,
      %get3A_324 = arith.constant 0 : i32
      %get3A_325 = arith.constant 1 : i32
      %get3A_326 = arith.index_cast %get3A_324 : i32 to index
      %get3A_327 = arith.index_cast %get3A_325 : i32 to index
      %get3A_328 = arith.constant 32 : index
      %get3A_329 = tpu.vector_load %arg6[%get3A_326, %get3A_327, %get3A_328] {strides = array<i32>} : memref<4x2x128xf32, #tpu.memory_space<vmem>>, vector<1x1x16xf32>,
      %get3A_330 = vector.shape_cast %get3A_329 : vector<1x1x16xf32> to vector<16xf32>
      %neg3A_331 = arith.constant 0.000000e+00 : f32
      %neg3A_332 = vector.broadcast %neg3A_331 : f32 to vector<16xf32>
      %neg3A_333 = arith.subf %neg3A_332, %get3A_330 : vector<16xf32>
      %swap3A_334 = arith.constant 0 : i32
      %swap3A_335 = arith.constant 1 : i32
      %swap3A_336 = arith.index_cast %swap3A_334 : i32 to index
      %swap3A_337 = arith.index_cast %swap3A_335 : i32 to index
      %swap3A_338 = arith.constant 32 : index
      %swap3A_339 = tpu.vector_load %arg7[%swap3A_336, %swap3A_337, %swap3A_338] {strides = array<i32>} : memref<4x2x128xf32, #tpu.memory_space<vmem>>, vector<1x1x16xf32>,
      %swap3A_340 = vector.shape_cast %swap3A_339 : vector<1x1x16xf32> to vector<16xf32>
      %swap3A_341 = vector.shape_cast %neg3A_333 : vector<16xf32> to vector<1x1x16xf32>
      tpu.vector_store %arg7[%swap3A_336, %swap3A_337, %swap3A_338], %swap3A_341 {strides = array<i32>} : memref<4x2x128xf32, #tpu.memory_space<vmem>>, vector<1x1x16xf32>,
      %get3A_342 = arith.constant 0 : i32
      %get3A_343 = arith.constant 1 : i32
      %get3A_344 = arith.index_cast %get3A_342 : i32 to index
      %get3A_345 = arith.index_cast %get3A_343 : i32 to index
      %get3A_346 = arith.constant 48 : index
      %get3A_347 = tpu.vector_load %arg6[%get3A_344, %get3A_345, %get3A_346] {strides = array<i32>} : memref<4x2x128xf32, #tpu.memory_space<vmem>>, vector<1x1x16xf32>,
      %get3A_348 = vector.shape_cast %get3A_347 : vector<1x1x16xf32> to vector<16xf32>
      %neg3A_349 = arith.constant 0.000000e+00 : f32
      %neg3A_350 = vector.broadcast %neg3A_349 : f32 to vector<16xf32>
      %neg3A_351 = arith.subf %neg3A_350, %get3A_348 : vector<16xf32>
      %swap3A_352 = arith.constant 0 : i32
      %swap3A_353 = arith.constant 1 : i32
      %swap3A_354 = arith.index_cast %swap3A_352 : i32 to index
      %swap3A_355 = arith.index_cast %swap3A_353 : i32 to index
      %swap3A_356 = arith.constant 48 : index
      %swap3A_357 = tpu.vector_load %arg7[%swap3A_354, %swap3A_355, %swap3A_356] {strides = array<i32>} : memref<4x2x128xf32, #tpu.memory_space<vmem>>, vector<1x1x16xf32>,
      %swap3A_358 = vector.shape_cast %swap3A_357 : vector<1x1x16xf32> to vector<16xf32>
      %swap3A_359 = vector.shape_cast %neg3A_351 : vector<16xf32> to vector<1x1x16xf32>
      tpu.vector_store %arg7[%swap3A_354, %swap3A_355, %swap3A_356], %swap3A_359 {strides = array<i32>} : memref<4x2x128xf32, #tpu.memory_space<vmem>>, vector<1x1x16xf32>,
      %get3A_360 = arith.constant 0 : i32
      %get3A_361 = arith.constant 1 : i32
      %get3A_362 = arith.index_cast %get3A_360 : i32 to index
      %get3A_363 = arith.index_cast %get3A_361 : i32 to index
      %get3A_364 = arith.constant 64 : index
      %get3A_365 = tpu.vector_load %arg6[%get3A_362, %get3A_363, %get3A_364] {strides = array<i32>} : memref<4x2x128xf32, #tpu.memory_space<vmem>>, vector<1x1x16xf32>,
      %get3A_366 = vector.shape_cast %get3A_365 : vector<1x1x16xf32> to vector<16xf32>
      %neg3A_367 = arith.constant 0.000000e+00 : f32
      %neg3A_368 = vector.broadcast %neg3A_367 : f32 to vector<16xf32>
      %neg3A_369 = arith.subf %neg3A_368, %get3A_366 : vector<16xf32>
      %swap3A_370 = arith.constant 0 : i32
      %swap3A_371 = arith.constant 1 : i32
      %swap3A_372 = arith.index_cast %swap3A_370 : i32 to index
      %swap3A_373 = arith.index_cast %swap3A_371 : i32 to index
      %swap3A_374 = arith.constant 64 : index
      %swap3A_375 = tpu.vector_load %arg7[%swap3A_372, %swap3A_373, %swap3A_374] {strides = array<i32>} : memref<4x2x128xf32, #tpu.memory_space<vmem>>, vector<1x1x16xf32>,
      %swap3A_376 = vector.shape_cast %swap3A_375 : vector<1x1x16xf32> to vector<16xf32>
      %swap3A_377 = vector.shape_cast %neg3A_369 : vector<16xf32> to vector<1x1x16xf32>
      tpu.vector_store %arg7[%swap3A_372, %swap3A_373, %swap3A_374], %swap3A_377 {strides = array<i32>} : memref<4x2x128xf32, #tpu.memory_space<vmem>>, vector<1x1x16xf32>,
      %get3A_378 = arith.constant 0 : i32
      %get3A_379 = arith.constant 1 : i32
      %get3A_380 = arith.index_cast %get3A_378 : i32 to index
      %get3A_381 = arith.index_cast %get3A_379 : i32 to index
      %get3A_382 = arith.constant 80 : index
      %get3A_383 = tpu.vector_load %arg6[%get3A_380, %get3A_381, %get3A_382] {strides = array<i32>} : memref<4x2x128xf32, #tpu.memory_space<vmem>>, vector<1x1x16xf32>,
      %get3A_384 = vector.shape_cast %get3A_383 : vector<1x1x16xf32> to vector<16xf32>
      %neg3A_385 = arith.constant 0.000000e+00 : f32
      %neg3A_386 = vector.broadcast %neg3A_385 : f32 to vector<16xf32>
      %neg3A_387 = arith.subf %neg3A_386, %get3A_384 : vector<16xf32>
      %swap3A_388 = arith.constant 0 : i32
      %swap3A_389 = arith.constant 1 : i32
      %swap3A_390 = arith.index_cast %swap3A_388 : i32 to index
      %swap3A_391 = arith.index_cast %swap3A_389 : i32 to index
      %swap3A_392 = arith.constant 80 : index
      %swap3A_393 = tpu.vector_load %arg7[%swap3A_390, %swap3A_391, %swap3A_392] {strides = array<i32>} : memref<4x2x128xf32, #tpu.memory_space<vmem>>, vector<1x1x16xf32>,
      %swap3A_394 = vector.shape_cast %swap3A_393 : vector<1x1x16xf32> to vector<16xf32>
      %swap3A_395 = vector.shape_cast %neg3A_387 : vector<16xf32> to vector<1x1x16xf32>
      tpu.vector_store %arg7[%swap3A_390, %swap3A_391, %swap3A_392], %swap3A_395 {strides = array<i32>} : memref<4x2x128xf32, #tpu.memory_space<vmem>>, vector<1x1x16xf32>,
      %get3A_396 = arith.constant 0 : i32
      %get3A_397 = arith.constant 1 : i32
      %get3A_398 = arith.index_cast %get3A_396 : i32 to index
      %get3A_399 = arith.index_cast %get3A_397 : i32 to index
      %get3A_400 = arith.constant 96 : index
      %get3A_401 = tpu.vector_load %arg6[%get3A_398, %get3A_399, %get3A_400] {strides = array<i32>} : memref<4x2x128xf32, #tpu.memory_space<vmem>>, vector<1x1x16xf32>,
      %get3A_402 = vector.shape_cast %get3A_401 : vector<1x1x16xf32> to vector<16xf32>
      %neg3A_403 = arith.constant 0.000000e+00 : f32
      %neg3A_404 = vector.broadcast %neg3A_403 : f32 to vector<16xf32>
      %neg3A_405 = arith.subf %neg3A_404, %get3A_402 : vector<16xf32>
      %swap3A_406 = arith.constant 0 : i32
      %swap3A_407 = arith.constant 1 : i32
      %swap3A_408 = arith.index_cast %swap3A_406 : i32 to index
      %swap3A_409 = arith.index_cast %swap3A_407 : i32 to index
      %swap3A_410 = arith.constant 96 : index
      %swap3A_411 = tpu.vector_load %arg7[%swap3A_408, %swap3A_409, %swap3A_410] {strides = array<i32>} : memref<4x2x128xf32, #tpu.memory_space<vmem>>, vector<1x1x16xf32>,
      %swap3A_412 = vector.shape_cast %swap3A_411 : vector<1x1x16xf32> to vector<16xf32>
      %swap3A_413 = vector.shape_cast %neg3A_405 : vector<16xf32> to vector<1x1x16xf32>
      tpu.vector_store %arg7[%swap3A_408, %swap3A_409, %swap3A_410], %swap3A_413 {strides = array<i32>} : memref<4x2x128xf32, #tpu.memory_space<vmem>>, vector<1x1x16xf32>,
      %get3A_414 = arith.constant 0 : i32
      %get3A_415 = arith.constant 1 : i32
      %get3A_416 = arith.index_cast %get3A_414 : i32 to index
      %get3A_417 = arith.index_cast %get3A_415 : i32 to index
      %get3A_418 = arith.constant 112 : index
      %get3A_419 = tpu.vector_load %arg6[%get3A_416, %get3A_417, %get3A_418] {strides = array<i32>} : memref<4x2x128xf32, #tpu.memory_space<vmem>>, vector<1x1x16xf32>,
      %get3A_420 = vector.shape_cast %get3A_419 : vector<1x1x16xf32> to vector<16xf32>
      %neg3A_421 = arith.constant 0.000000e+00 : f32
      %neg3A_422 = vector.broadcast %neg3A_421 : f32 to vector<16xf32>
      %neg3A_423 = arith.subf %neg3A_422, %get3A_420 : vector<16xf32>
      %swap3A_424 = arith.constant 0 : i32
      %swap3A_425 = arith.constant 1 : i32
      %swap3A_426 = arith.index_cast %swap3A_424 : i32 to index
      %swap3A_427 = arith.index_cast %swap3A_425 : i32 to index
      %swap3A_428 = arith.constant 112 : index
      %swap3A_429 = tpu.vector_load %arg7[%swap3A_426, %swap3A_427, %swap3A_428] {strides = array<i32>} : memref<4x2x128xf32, #tpu.memory_space<vmem>>, vector<1x1x16xf32>,
      %swap3A_430 = vector.shape_cast %swap3A_429 : vector<1x1x16xf32> to vector<16xf32>
      %swap3A_431 = vector.shape_cast %neg3A_423 : vector<16xf32> to vector<1x1x16xf32>
      tpu.vector_store %arg7[%swap3A_426, %swap3A_427, %swap3A_428], %swap3A_431 {strides = array<i32>} : memref<4x2x128xf32, #tpu.memory_space<vmem>>, vector<1x1x16xf32>,
      %convert_element_type3A = arith.extui %gt3A_76 : i1 to i32
      %cond3A_432 = arith.constant 0 : i32
      %cond3A_433 = arith.cmpi ne, %convert_element_type3A, %cond3A_432 : i32
      scf.if %cond3A_433 {
        %sub3A_1848 = arith.constant 2 : i32
        %sub3A_1849 = arith.subi %add3A_75, %sub3A_1848 : i32
        %mul3A_1850 = arith.constant 358400 : i32
        %mul3A_1851 = arith.muli %sub3A_1849, %mul3A_1850 : i32
        %mul3A_1852 = arith.constant 22400 : i32
        %mul3A_1853 = arith.muli %arg1, %mul3A_1852 : i32
        %add3A_1854 = arith.addi %mul3A_1851, %mul3A_1853 : i32
        %dma_wait3A_1855 = tpu.memref_slice %arg4[%add3A_1854] : memref<45875200xf32, #tpu.memory_space<hbm>> -> memref<22400xf32, #tpu.memory_space<hbm>>
        %dma_wait3A_1856 = tpu.memref_slice %arg9[%mul3A_0] : memref<358400xf32, #tpu.memory_space<vmem_shared>> -> memref<22400xf32, #tpu.memory_space<vmem_shared>>
        tpu.wait_dma2 semaphore(%arg15 : memref<!tpu.dma_semaphore, #tpu.memory_space<semaphore_mem>>) src(%dma_wait3A_1856 : memref<22400xf32, #tpu.memory_space<vmem_shared>>) dst(%dma_wait3A_1855 : memref<22400xf32, #tpu.memory_space<hbm>>)
      } else {
      }
      %barrier3A = arith.constant 0 : index
      tpu.barrier barrier_id(%barrier3A)
      %convert_element_type3A_434 = arith.extui %gt3A_76 : i1 to i32
      %cond3A_435 = arith.constant 0 : i32
      %cond3A_436 = arith.cmpi ne, %convert_element_type3A_434, %cond3A_435 : i32
      scf.if %cond3A_436 {
        %dma_start3A_1848 = arith.constant 2 : i32
        %dma_start3A_1849 = arith.constant 0 : i32
        %dma_start3A_1850 = arith.constant 2 : i32
        %dma_start3A_1851 = arith.constant 0 : i32
        %dma_start3A_1852 = arith.constant 0 : i32
        %dma_start3A_1853 = tpu.memref_slice %arg7[%dma_start3A_1848, %dma_start3A_1849, %dma_start3A_1852] : memref<4x2x128xf32, #tpu.memory_space<vmem>> -> memref<1x1x128xf32, #tpu.memory_space<vmem>>
        %dma_start3A_1854 = tpu.memref_squeeze %dma_start3A_1853 : memref<1x1x128xf32, #tpu.memory_space<vmem>> -> memref<128xf32, #tpu.memory_space<vmem>>
        %dma_start3A_1855 = arith.constant 0 : i32
        %dma_start3A_1856 = tpu.memref_slice %arg5[%dma_start3A_1850, %dma_start3A_1851, %dma_start3A_1855] : memref<4x2x128xi32, #tpu.memory_space<vmem>> -> memref<1x1x128xi32, #tpu.memory_space<vmem>>
        %dma_start3A_1857 = tpu.memref_squeeze %dma_start3A_1856 : memref<1x1x128xi32, #tpu.memory_space<vmem>> -> memref<128xi32, #tpu.memory_space<vmem>>
        %dma_start3A_1858 = arith.constant 0 : i32
        %dma_start3A_1859 = tpu.memref_slice %arg9[%dma_start3A_1858] : memref<358400xf32, #tpu.memory_space<vmem_shared>> -> memref<358400xf32, #tpu.memory_space<vmem_shared>>
        tpu.enqueue_indirect_dma source(%dma_start3A_1854 : memref<128xf32, #tpu.memory_space<vmem>>) target(%dma_start3A_1859 : memref<358400xf32, #tpu.memory_space<vmem_shared>>) offsets(%dma_start3A_1857 : memref<128xi32, #tpu.memory_space<vmem>>) semaphore(%arg18 : memref<!tpu.dma_semaphore, #tpu.memory_space<semaphore_mem>>) {add = true}
        %dma_start3A_1860 = arith.constant 2 : i32
        %dma_start3A_1861 = arith.constant 1 : i32
        %dma_start3A_1862 = arith.constant 2 : i32
        %dma_start3A_1863 = arith.constant 1 : i32
        %dma_start3A_1864 = arith.constant 0 : i32
        %dma_start3A_1865 = tpu.memref_slice %arg7[%dma_start3A_1860, %dma_start3A_1861, %dma_start3A_1864] : memref<4x2x128xf32, #tpu.memory_space<vmem>> -> memref<1x1x128xf32, #tpu.memory_space<vmem>>
        %dma_start3A_1866 = tpu.memref_squeeze %dma_start3A_1865 : memref<1x1x128xf32, #tpu.memory_space<vmem>> -> memref<128xf32, #tpu.memory_space<vmem>>
        %dma_start3A_1867 = arith.constant 0 : i32
        %dma_start3A_1868 = tpu.memref_slice %arg5[%dma_start3A_1862, %dma_start3A_1863, %dma_start3A_1867] : memref<4x2x128xi32, #tpu.memory_space<vmem>> -> memref<1x1x128xi32, #tpu.memory_space<vmem>>
        %dma_start3A_1869 = tpu.memref_squeeze %dma_start3A_1868 : memref<1x1x128xi32, #tpu.memory_space<vmem>> -> memref<128xi32, #tpu.memory_space<vmem>>
        %dma_start3A_1870 = arith.constant 0 : i32
        %dma_start3A_1871 = tpu.memref_slice %arg9[%dma_start3A_1870] : memref<358400xf32, #tpu.memory_space<vmem_shared>> -> memref<358400xf32, #tpu.memory_space<vmem_shared>>
        tpu.enqueue_indirect_dma source(%dma_start3A_1866 : memref<128xf32, #tpu.memory_space<vmem>>) target(%dma_start3A_1871 : memref<358400xf32, #tpu.memory_space<vmem_shared>>) offsets(%dma_start3A_1869 : memref<128xi32, #tpu.memory_space<vmem>>) semaphore(%arg18 : memref<!tpu.dma_semaphore, #tpu.memory_space<semaphore_mem>>) {add = true}
      } else {
      }
      %dma_start3A_437 = arith.constant 0 : i32
      %dma_start3A_438 = arith.constant 0 : i32
      %dma_start3A_439 = arith.constant 0 : i32
      %dma_start3A_440 = arith.constant 0 : i32
      %dma_start3A_441 = arith.constant 0 : i32
      %dma_start3A_442 = tpu.memref_slice %arg6[%dma_start3A_437, %dma_start3A_438, %dma_start3A_441] : memref<4x2x128xf32, #tpu.memory_space<vmem>> -> memref<1x1x128xf32, #tpu.memory_space<vmem>>
      %dma_start3A_443 = tpu.memref_squeeze %dma_start3A_442 : memref<1x1x128xf32, #tpu.memory_space<vmem>> -> memref<128xf32, #tpu.memory_space<vmem>>
      %dma_start3A_444 = arith.constant 0 : i32
      %dma_start3A_445 = tpu.memref_slice %arg5[%dma_start3A_439, %dma_start3A_440, %dma_start3A_444] : memref<4x2x128xi32, #tpu.memory_space<vmem>> -> memref<1x1x128xi32, #tpu.memory_space<vmem>>
      %dma_start3A_446 = tpu.memref_squeeze %dma_start3A_445 : memref<1x1x128xi32, #tpu.memory_space<vmem>> -> memref<128xi32, #tpu.memory_space<vmem>>
      %dma_start3A_447 = arith.constant 0 : i32
      %dma_start3A_448 = tpu.memref_slice %arg9[%dma_start3A_447] : memref<358400xf32, #tpu.memory_space<vmem_shared>> -> memref<358400xf32, #tpu.memory_space<vmem_shared>>
      tpu.enqueue_indirect_dma source(%dma_start3A_443 : memref<128xf32, #tpu.memory_space<vmem>>) target(%dma_start3A_448 : memref<358400xf32, #tpu.memory_space<vmem_shared>>) offsets(%dma_start3A_446 : memref<128xi32, #tpu.memory_space<vmem>>) semaphore(%arg17 : memref<!tpu.dma_semaphore, #tpu.memory_space<semaphore_mem>>) {add = true}
      %dma_start3A_449 = arith.constant 0 : i32
      %dma_start3A_450 = arith.constant 1 : i32
      %dma_start3A_451 = arith.constant 0 : i32
      %dma_start3A_452 = arith.constant 1 : i32
      %dma_start3A_453 = arith.constant 0 : i32
      %dma_start3A_454 = tpu.memref_slice %arg6[%dma_start3A_449, %dma_start3A_450, %dma_start3A_453] : memref<4x2x128xf32, #tpu.memory_space<vmem>> -> memref<1x1x128xf32, #tpu.memory_space<vmem>>
      %dma_start3A_455 = tpu.memref_squeeze %dma_start3A_454 : memref<1x1x128xf32, #tpu.memory_space<vmem>> -> memref<128xf32, #tpu.memory_space<vmem>>
      %dma_start3A_456 = arith.constant 0 : i32
      %dma_start3A_457 = tpu.memref_slice %arg5[%dma_start3A_451, %dma_start3A_452, %dma_start3A_456] : memref<4x2x128xi32, #tpu.memory_space<vmem>> -> memref<1x1x128xi32, #tpu.memory_space<vmem>>
      %dma_start3A_458 = tpu.memref_squeeze %dma_start3A_457 : memref<1x1x128xi32, #tpu.memory_space<vmem>> -> memref<128xi32, #tpu.memory_space<vmem>>
      %dma_start3A_459 = arith.constant 0 : i32
      %dma_start3A_460 = tpu.memref_slice %arg9[%dma_start3A_459] : memref<358400xf32, #tpu.memory_space<vmem_shared>> -> memref<358400xf32, #tpu.memory_space<vmem_shared>>
      tpu.enqueue_indirect_dma source(%dma_start3A_455 : memref<128xf32, #tpu.memory_space<vmem>>) target(%dma_start3A_460 : memref<358400xf32, #tpu.memory_space<vmem_shared>>) offsets(%dma_start3A_458 : memref<128xi32, #tpu.memory_space<vmem>>) semaphore(%arg17 : memref<!tpu.dma_semaphore, #tpu.memory_space<semaphore_mem>>) {add = true}
      %dma_wait3A_461 = arith.constant 0 : i32
      %dma_wait3A_462 = arith.constant 0 : i32
      %dma_wait3A_463 = arith.constant 0 : i32
      %dma_wait3A_464 = arith.constant 0 : i32
      %dma_wait3A_465 = arith.constant 0 : i32
      %dma_wait3A_466 = tpu.memref_slice %arg6[%dma_wait3A_461, %dma_wait3A_462, %dma_wait3A_465] : memref<4x2x128xf32, #tpu.memory_space<vmem>> -> memref<1x1x128xf32, #tpu.memory_space<vmem>>
      %dma_wait3A_467 = tpu.memref_squeeze %dma_wait3A_466 : memref<1x1x128xf32, #tpu.memory_space<vmem>> -> memref<128xf32, #tpu.memory_space<vmem>>
      %dma_wait3A_468 = arith.constant 0 : i32
      %dma_wait3A_469 = tpu.memref_slice %arg5[%dma_wait3A_463, %dma_wait3A_464, %dma_wait3A_468] : memref<4x2x128xi32, #tpu.memory_space<vmem>> -> memref<1x1x128xi32, #tpu.memory_space<vmem>>
      %dma_wait3A_470 = tpu.memref_squeeze %dma_wait3A_469 : memref<1x1x128xi32, #tpu.memory_space<vmem>> -> memref<128xi32, #tpu.memory_space<vmem>>
      %dma_wait3A_471 = arith.constant 0 : i32
      %dma_wait3A_472 = tpu.memref_slice %arg9[%dma_wait3A_471] : memref<358400xf32, #tpu.memory_space<vmem_shared>> -> memref<358400xf32, #tpu.memory_space<vmem_shared>>
      tpu.wait_indirect_dma semaphore(%arg17 : memref<!tpu.dma_semaphore, #tpu.memory_space<semaphore_mem>>) src(%dma_wait3A_467 : memref<128xf32, #tpu.memory_space<vmem>>) dst(%dma_wait3A_472 : memref<358400xf32, #tpu.memory_space<vmem_shared>>)
      %dma_wait3A_473 = arith.constant 0 : i32
      %dma_wait3A_474 = arith.constant 1 : i32
      %dma_wait3A_475 = arith.constant 0 : i32
      %dma_wait3A_476 = arith.constant 1 : i32
      %dma_wait3A_477 = arith.constant 0 : i32
      %dma_wait3A_478 = tpu.memref_slice %arg6[%dma_wait3A_473, %dma_wait3A_474, %dma_wait3A_477] : memref<4x2x128xf32, #tpu.memory_space<vmem>> -> memref<1x1x128xf32, #tpu.memory_space<vmem>>
      %dma_wait3A_479 = tpu.memref_squeeze %dma_wait3A_478 : memref<1x1x128xf32, #tpu.memory_space<vmem>> -> memref<128xf32, #tpu.memory_space<vmem>>
      %dma_wait3A_480 = arith.constant 0 : i32
      %dma_wait3A_481 = tpu.memref_slice %arg5[%dma_wait3A_475, %dma_wait3A_476, %dma_wait3A_480] : memref<4x2x128xi32, #tpu.memory_space<vmem>> -> memref<1x1x128xi32, #tpu.memory_space<vmem>>
      %dma_wait3A_482 = tpu.memref_squeeze %dma_wait3A_481 : memref<1x1x128xi32, #tpu.memory_space<vmem>> -> memref<128xi32, #tpu.memory_space<vmem>>
      %dma_wait3A_483 = arith.constant 0 : i32
      %dma_wait3A_484 = tpu.memref_slice %arg9[%dma_wait3A_483] : memref<358400xf32, #tpu.memory_space<vmem_shared>> -> memref<358400xf32, #tpu.memory_space<vmem_shared>>
      tpu.wait_indirect_dma semaphore(%arg17 : memref<!tpu.dma_semaphore, #tpu.memory_space<semaphore_mem>>) src(%dma_wait3A_479 : memref<128xf32, #tpu.memory_space<vmem>>) dst(%dma_wait3A_484 : memref<358400xf32, #tpu.memory_space<vmem_shared>>)
      %convert_element_type3A_485 = arith.extui %gt3A_76 : i1 to i32
      %cond3A_486 = arith.constant 0 : i32
      %cond3A_487 = arith.cmpi ne, %convert_element_type3A_485, %cond3A_486 : i32
      scf.if %cond3A_487 {
        %dma_wait3A_1848 = arith.constant 2 : i32
        %dma_wait3A_1849 = arith.constant 0 : i32
        %dma_wait3A_1850 = arith.constant 2 : i32
        %dma_wait3A_1851 = arith.constant 0 : i32
        %dma_wait3A_1852 = arith.constant 0 : i32
        %dma_wait3A_1853 = tpu.memref_slice %arg7[%dma_wait3A_1848, %dma_wait3A_1849, %dma_wait3A_1852] : memref<4x2x128xf32, #tpu.memory_space<vmem>> -> memref<1x1x128xf32, #tpu.memory_space<vmem>>
        %dma_wait3A_1854 = tpu.memref_squeeze %dma_wait3A_1853 : memref<1x1x128xf32, #tpu.memory_space<vmem>> -> memref<128xf32, #tpu.memory_space<vmem>>
        %dma_wait3A_1855 = arith.constant 0 : i32
        %dma_wait3A_1856 = tpu.memref_slice %arg5[%dma_wait3A_1850, %dma_wait3A_1851, %dma_wait3A_1855] : memref<4x2x128xi32, #tpu.memory_space<vmem>> -> memref<1x1x128xi32, #tpu.memory_space<vmem>>
        %dma_wait3A_1857 = tpu.memref_squeeze %dma_wait3A_1856 : memref<1x1x128xi32, #tpu.memory_space<vmem>> -> memref<128xi32, #tpu.memory_space<vmem>>
        %dma_wait3A_1858 = arith.constant 0 : i32
        %dma_wait3A_1859 = tpu.memref_slice %arg9[%dma_wait3A_1858] : memref<358400xf32, #tpu.memory_space<vmem_shared>> -> memref<358400xf32, #tpu.memory_space<vmem_shared>>
        tpu.wait_indirect_dma semaphore(%arg18 : memref<!tpu.dma_semaphore, #tpu.memory_space<semaphore_mem>>) src(%dma_wait3A_1854 : memref<128xf32, #tpu.memory_space<vmem>>) dst(%dma_wait3A_1859 : memref<358400xf32, #tpu.memory_space<vmem_shared>>)
        %dma_wait3A_1860 = arith.constant 2 : i32
        %dma_wait3A_1861 = arith.constant 1 : i32
        %dma_wait3A_1862 = arith.constant 2 : i32
        %dma_wait3A_1863 = arith.constant 1 : i32
        %dma_wait3A_1864 = arith.constant 0 : i32
        %dma_wait3A_1865 = tpu.memref_slice %arg7[%dma_wait3A_1860, %dma_wait3A_1861, %dma_wait3A_1864] : memref<4x2x128xf32, #tpu.memory_space<vmem>> -> memref<1x1x128xf32, #tpu.memory_space<vmem>>
        %dma_wait3A_1866 = tpu.memref_squeeze %dma_wait3A_1865 : memref<1x1x128xf32, #tpu.memory_space<vmem>> -> memref<128xf32, #tpu.memory_space<vmem>>
        %dma_wait3A_1867 = arith.constant 0 : i32
        %dma_wait3A_1868 = tpu.memref_slice %arg5[%dma_wait3A_1862, %dma_wait3A_1863, %dma_wait3A_1867] : memref<4x2x128xi32, #tpu.memory_space<vmem>> -> memref<1x1x128xi32, #tpu.memory_space<vmem>>
        %dma_wait3A_1869 = tpu.memref_squeeze %dma_wait3A_1868 : memref<1x1x128xi32, #tpu.memory_space<vmem>> -> memref<128xi32, #tpu.memory_space<vmem>>
        %dma_wait3A_1870 = arith.constant 0 : i32
        %dma_wait3A_1871 = tpu.memref_slice %arg9[%dma_wait3A_1870] : memref<358400xf32, #tpu.memory_space<vmem_shared>> -> memref<358400xf32, #tpu.memory_space<vmem_shared>>
        tpu.wait_indirect_dma semaphore(%arg18 : memref<!tpu.dma_semaphore, #tpu.memory_space<semaphore_mem>>) src(%dma_wait3A_1866 : memref<128xf32, #tpu.memory_space<vmem>>) dst(%dma_wait3A_1871 : memref<358400xf32, #tpu.memory_space<vmem_shared>>)
      } else {
      }
      %barrier3A_488 = arith.constant 0 : index
      tpu.barrier barrier_id(%barrier3A_488)
      %mul3A_489 = arith.constant 358400 : i32
      %mul3A_490 = arith.muli %add3A_75, %mul3A_489 : i32
      %mul3A_491 = arith.constant 22400 : i32
      %mul3A_492 = arith.muli %arg1, %mul3A_491 : i32
      %add3A_493 = arith.addi %mul3A_490, %mul3A_492 : i32
      %dma_start3A_494 = tpu.memref_slice %arg4[%add3A_493] : memref<45875200xf32, #tpu.memory_space<hbm>> -> memref<22400xf32, #tpu.memory_space<hbm>>
      %dma_start3A_495 = tpu.memref_slice %arg9[%mul3A_0] : memref<358400xf32, #tpu.memory_space<vmem_shared>> -> memref<22400xf32, #tpu.memory_space<vmem_shared>>
      tpu.enqueue_dma source(%dma_start3A_495 : memref<22400xf32, #tpu.memory_space<vmem_shared>>) target(%dma_start3A_494 : memref<22400xf32, #tpu.memory_space<hbm>>) target_semaphore(%arg15 : memref<!tpu.dma_semaphore, #tpu.memory_space<semaphore_mem>>)
      %add3A_496 = arith.constant 1 : i32
      %add3A_497 = arith.addi %add3A_75, %add3A_496 : i32
      %gt3A_498 = arith.constant 0 : i32
      %gt3A_499 = arith.cmpi sgt, %scan3A_70, %gt3A_498 : i32
      %mul3A_500 = arith.constant 2 : i32
      %mul3A_501 = arith.muli %arg1, %mul3A_500 : i32
      %mul3A_502 = arith.constant 2 : i32
      %mul3A_503 = arith.muli %arg1, %mul3A_502 : i32
      %dma_wait3A_504 = arith.constant 1 : i32
      %dma_wait3A_505 = arith.constant 0 : i32
      %dma_wait3A_506 = arith.constant 0 : i32
      %dma_wait3A_507 = tpu.memref_slice %arg5[%dma_wait3A_504, %dma_wait3A_505, %dma_wait3A_506] : memref<4x2x128xi32, #tpu.memory_space<vmem>> -> memref<1x2x128xi32, #tpu.memory_space<vmem>>
      %dma_wait3A_508 = tpu.memref_squeeze %dma_wait3A_507 : memref<1x2x128xi32, #tpu.memory_space<vmem>> -> memref<2x128xi32, #tpu.memory_space<vmem>>
      %dma_wait3A_509 = arith.constant 0 : i32
      %dma_wait3A_510 = tpu.memref_slice %arg2[%add3A_497, %mul3A_501, %dma_wait3A_509] : memref<128x32x128xi32, #tpu.memory_space<hbm>> -> memref<1x2x128xi32, #tpu.memory_space<hbm>>
      %dma_wait3A_511 = tpu.memref_squeeze %dma_wait3A_510 : memref<1x2x128xi32, #tpu.memory_space<hbm>> -> memref<2x128xi32, #tpu.memory_space<hbm>>
      %dma_wait3A_512 = arith.constant 0 : i32
      %dma_wait3A_513 = arith.constant 0 : i32
      %dma_wait3A_514 = tpu.memref_slice %arg5[%dma_wait3A_504, %dma_wait3A_512, %dma_wait3A_513] : memref<4x2x128xi32, #tpu.memory_space<vmem>> -> memref<1x2x128xi32, #tpu.memory_space<vmem>>
      %dma_wait3A_515 = tpu.memref_squeeze %dma_wait3A_514 : memref<1x2x128xi32, #tpu.memory_space<vmem>> -> memref<2x128xi32, #tpu.memory_space<vmem>>
      %dma_wait3A_516 = arith.constant 0 : i32
      %dma_wait3A_517 = tpu.memref_slice %arg2[%add3A_497, %mul3A_501, %dma_wait3A_516] : memref<128x32x128xi32, #tpu.memory_space<hbm>> -> memref<1x2x128xi32, #tpu.memory_space<hbm>>
      %dma_wait3A_518 = tpu.memref_squeeze %dma_wait3A_517 : memref<1x2x128xi32, #tpu.memory_space<hbm>> -> memref<2x128xi32, #tpu.memory_space<hbm>>
      tpu.wait_dma2 semaphore(%arg12 : memref<!tpu.dma_semaphore, #tpu.memory_space<semaphore_mem>>) src(%dma_wait3A_518 : memref<2x128xi32, #tpu.memory_space<hbm>>) dst(%dma_wait3A_515 : memref<2x128xi32, #tpu.memory_space<vmem>>)
      %dma_wait3A_519 = arith.constant 1 : i32
      %dma_wait3A_520 = arith.constant 0 : i32
      %dma_wait3A_521 = arith.constant 0 : i32
      %dma_wait3A_522 = tpu.memref_slice %arg6[%dma_wait3A_519, %dma_wait3A_520, %dma_wait3A_521] : memref<4x2x128xf32, #tpu.memory_space<vmem>> -> memref<1x2x128xf32, #tpu.memory_space<vmem>>
      %dma_wait3A_523 = tpu.memref_squeeze %dma_wait3A_522 : memref<1x2x128xf32, #tpu.memory_space<vmem>> -> memref<2x128xf32, #tpu.memory_space<vmem>>
      %dma_wait3A_524 = arith.constant 0 : i32
      %dma_wait3A_525 = tpu.memref_slice %arg3[%add3A_497, %mul3A_503, %dma_wait3A_524] : memref<128x32x128xf32, #tpu.memory_space<hbm>> -> memref<1x2x128xf32, #tpu.memory_space<hbm>>
      %dma_wait3A_526 = tpu.memref_squeeze %dma_wait3A_525 : memref<1x2x128xf32, #tpu.memory_space<hbm>> -> memref<2x128xf32, #tpu.memory_space<hbm>>
      %dma_wait3A_527 = arith.constant 0 : i32
      %dma_wait3A_528 = arith.constant 0 : i32
      %dma_wait3A_529 = tpu.memref_slice %arg6[%dma_wait3A_519, %dma_wait3A_527, %dma_wait3A_528] : memref<4x2x128xf32, #tpu.memory_space<vmem>> -> memref<1x2x128xf32, #tpu.memory_space<vmem>>
      %dma_wait3A_530 = tpu.memref_squeeze %dma_wait3A_529 : memref<1x2x128xf32, #tpu.memory_space<vmem>> -> memref<2x128xf32, #tpu.memory_space<vmem>>
      %dma_wait3A_531 = arith.constant 0 : i32
      %dma_wait3A_532 = tpu.memref_slice %arg3[%add3A_497, %mul3A_503, %dma_wait3A_531] : memref<128x32x128xf32, #tpu.memory_space<hbm>> -> memref<1x2x128xf32, #tpu.memory_space<hbm>>
      %dma_wait3A_533 = tpu.memref_squeeze %dma_wait3A_532 : memref<1x2x128xf32, #tpu.memory_space<hbm>> -> memref<2x128xf32, #tpu.memory_space<hbm>>
      tpu.wait_dma2 semaphore(%arg12 : memref<!tpu.dma_semaphore, #tpu.memory_space<semaphore_mem>>) src(%dma_wait3A_533 : memref<2x128xf32, #tpu.memory_space<hbm>>) dst(%dma_wait3A_530 : memref<2x128xf32, #tpu.memory_space<vmem>>)
      %cond3A_534 = arith.constant 1 : i32
      %add3A_535 = arith.constant 1 : i32
      %add3A_536 = arith.addi %add3A_497, %add3A_535 : i32
      %mul3A_537 = arith.constant 2 : i32
      %mul3A_538 = arith.muli %arg1, %mul3A_537 : i32
      %mul3A_539 = arith.constant 2 : i32
      %mul3A_540 = arith.muli %arg1, %mul3A_539 : i32
      %dma_start3A_541 = arith.constant 2 : i32
      %dma_start3A_542 = arith.constant 0 : i32
      %dma_start3A_543 = arith.constant 0 : i32
      %dma_start3A_544 = tpu.memref_slice %arg5[%dma_start3A_541, %dma_start3A_542, %dma_start3A_543] : memref<4x2x128xi32, #tpu.memory_space<vmem>> -> memref<1x2x128xi32, #tpu.memory_space<vmem>>
      %dma_start3A_545 = tpu.memref_squeeze %dma_start3A_544 : memref<1x2x128xi32, #tpu.memory_space<vmem>> -> memref<2x128xi32, #tpu.memory_space<vmem>>
      %dma_start3A_546 = arith.constant 0 : i32
      %dma_start3A_547 = tpu.memref_slice %arg2[%add3A_536, %mul3A_538, %dma_start3A_546] : memref<128x32x128xi32, #tpu.memory_space<hbm>> -> memref<1x2x128xi32, #tpu.memory_space<hbm>>
      %dma_start3A_548 = tpu.memref_squeeze %dma_start3A_547 : memref<1x2x128xi32, #tpu.memory_space<hbm>> -> memref<2x128xi32, #tpu.memory_space<hbm>>
      %dma_start3A_549 = arith.constant 0 : i32
      %dma_start3A_550 = arith.constant 0 : i32
      %dma_start3A_551 = tpu.memref_slice %arg5[%dma_start3A_541, %dma_start3A_549, %dma_start3A_550] : memref<4x2x128xi32, #tpu.memory_space<vmem>> -> memref<1x2x128xi32, #tpu.memory_space<vmem>>
      %dma_start3A_552 = tpu.memref_squeeze %dma_start3A_551 : memref<1x2x128xi32, #tpu.memory_space<vmem>> -> memref<2x128xi32, #tpu.memory_space<vmem>>
      %dma_start3A_553 = arith.constant 0 : i32
      %dma_start3A_554 = tpu.memref_slice %arg2[%add3A_536, %mul3A_538, %dma_start3A_553] : memref<128x32x128xi32, #tpu.memory_space<hbm>> -> memref<1x2x128xi32, #tpu.memory_space<hbm>>
      %dma_start3A_555 = tpu.memref_squeeze %dma_start3A_554 : memref<1x2x128xi32, #tpu.memory_space<hbm>> -> memref<2x128xi32, #tpu.memory_space<hbm>>
      tpu.enqueue_dma source(%dma_start3A_555 : memref<2x128xi32, #tpu.memory_space<hbm>>) target(%dma_start3A_552 : memref<2x128xi32, #tpu.memory_space<vmem>>) target_semaphore(%arg13 : memref<!tpu.dma_semaphore, #tpu.memory_space<semaphore_mem>>)
      %dma_start3A_556 = arith.constant 2 : i32
      %dma_start3A_557 = arith.constant 0 : i32
      %dma_start3A_558 = arith.constant 0 : i32
      %dma_start3A_559 = tpu.memref_slice %arg6[%dma_start3A_556, %dma_start3A_557, %dma_start3A_558] : memref<4x2x128xf32, #tpu.memory_space<vmem>> -> memref<1x2x128xf32, #tpu.memory_space<vmem>>
      %dma_start3A_560 = tpu.memref_squeeze %dma_start3A_559 : memref<1x2x128xf32, #tpu.memory_space<vmem>> -> memref<2x128xf32, #tpu.memory_space<vmem>>
      %dma_start3A_561 = arith.constant 0 : i32
      %dma_start3A_562 = tpu.memref_slice %arg3[%add3A_536, %mul3A_540, %dma_start3A_561] : memref<128x32x128xf32, #tpu.memory_space<hbm>> -> memref<1x2x128xf32, #tpu.memory_space<hbm>>
      %dma_start3A_563 = tpu.memref_squeeze %dma_start3A_562 : memref<1x2x128xf32, #tpu.memory_space<hbm>> -> memref<2x128xf32, #tpu.memory_space<hbm>>
      %dma_start3A_564 = arith.constant 0 : i32
      %dma_start3A_565 = arith.constant 0 : i32
      %dma_start3A_566 = tpu.memref_slice %arg6[%dma_start3A_556, %dma_start3A_564, %dma_start3A_565] : memref<4x2x128xf32, #tpu.memory_space<vmem>> -> memref<1x2x128xf32, #tpu.memory_space<vmem>>
      %dma_start3A_567 = tpu.memref_squeeze %dma_start3A_566 : memref<1x2x128xf32, #tpu.memory_space<vmem>> -> memref<2x128xf32, #tpu.memory_space<vmem>>
      %dma_start3A_568 = arith.constant 0 : i32
      %dma_start3A_569 = tpu.memref_slice %arg3[%add3A_536, %mul3A_540, %dma_start3A_568] : memref<128x32x128xf32, #tpu.memory_space<hbm>> -> memref<1x2x128xf32, #tpu.memory_space<hbm>>
      %dma_start3A_570 = tpu.memref_squeeze %dma_start3A_569 : memref<1x2x128xf32, #tpu.memory_space<hbm>> -> memref<2x128xf32, #tpu.memory_space<hbm>>
      tpu.enqueue_dma source(%dma_start3A_570 : memref<2x128xf32, #tpu.memory_space<hbm>>) target(%dma_start3A_567 : memref<2x128xf32, #tpu.memory_space<vmem>>) target_semaphore(%arg13 : memref<!tpu.dma_semaphore, #tpu.memory_space<semaphore_mem>>)
      %get3A_571 = arith.constant 1 : i32
      %get3A_572 = arith.constant 0 : i32
      %get3A_573 = arith.index_cast %get3A_571 : i32 to index
      %get3A_574 = arith.index_cast %get3A_572 : i32 to index
      %get3A_575 = arith.constant 0 : index
      %get3A_576 = tpu.vector_load %arg6[%get3A_573, %get3A_574, %get3A_575] {strides = array<i32>} : memref<4x2x128xf32, #tpu.memory_space<vmem>>, vector<1x1x16xf32>,
      %get3A_577 = vector.shape_cast %get3A_576 : vector<1x1x16xf32> to vector<16xf32>
      %neg3A_578 = arith.constant 0.000000e+00 : f32
      %neg3A_579 = vector.broadcast %neg3A_578 : f32 to vector<16xf32>
      %neg3A_580 = arith.subf %neg3A_579, %get3A_577 : vector<16xf32>
      %swap3A_581 = arith.constant 1 : i32
      %swap3A_582 = arith.constant 0 : i32
      %swap3A_583 = arith.index_cast %swap3A_581 : i32 to index
      %swap3A_584 = arith.index_cast %swap3A_582 : i32 to index
      %swap3A_585 = arith.constant 0 : index
      %swap3A_586 = tpu.vector_load %arg7[%swap3A_583, %swap3A_584, %swap3A_585] {strides = array<i32>} : memref<4x2x128xf32, #tpu.memory_space<vmem>>, vector<1x1x16xf32>,
      %swap3A_587 = vector.shape_cast %swap3A_586 : vector<1x1x16xf32> to vector<16xf32>
      %swap3A_588 = vector.shape_cast %neg3A_580 : vector<16xf32> to vector<1x1x16xf32>
      tpu.vector_store %arg7[%swap3A_583, %swap3A_584, %swap3A_585], %swap3A_588 {strides = array<i32>} : memref<4x2x128xf32, #tpu.memory_space<vmem>>, vector<1x1x16xf32>,
      %get3A_589 = arith.constant 1 : i32
      %get3A_590 = arith.constant 0 : i32
      %get3A_591 = arith.index_cast %get3A_589 : i32 to index
      %get3A_592 = arith.index_cast %get3A_590 : i32 to index
      %get3A_593 = arith.constant 16 : index
      %get3A_594 = tpu.vector_load %arg6[%get3A_591, %get3A_592, %get3A_593] {strides = array<i32>} : memref<4x2x128xf32, #tpu.memory_space<vmem>>, vector<1x1x16xf32>,
      %get3A_595 = vector.shape_cast %get3A_594 : vector<1x1x16xf32> to vector<16xf32>
      %neg3A_596 = arith.constant 0.000000e+00 : f32
      %neg3A_597 = vector.broadcast %neg3A_596 : f32 to vector<16xf32>
      %neg3A_598 = arith.subf %neg3A_597, %get3A_595 : vector<16xf32>
      %swap3A_599 = arith.constant 1 : i32
      %swap3A_600 = arith.constant 0 : i32
      %swap3A_601 = arith.index_cast %swap3A_599 : i32 to index
      %swap3A_602 = arith.index_cast %swap3A_600 : i32 to index
      %swap3A_603 = arith.constant 16 : index
      %swap3A_604 = tpu.vector_load %arg7[%swap3A_601, %swap3A_602, %swap3A_603] {strides = array<i32>} : memref<4x2x128xf32, #tpu.memory_space<vmem>>, vector<1x1x16xf32>,
      %swap3A_605 = vector.shape_cast %swap3A_604 : vector<1x1x16xf32> to vector<16xf32>
      %swap3A_606 = vector.shape_cast %neg3A_598 : vector<16xf32> to vector<1x1x16xf32>
      tpu.vector_store %arg7[%swap3A_601, %swap3A_602, %swap3A_603], %swap3A_606 {strides = array<i32>} : memref<4x2x128xf32, #tpu.memory_space<vmem>>, vector<1x1x16xf32>,
      %get3A_607 = arith.constant 1 : i32
      %get3A_608 = arith.constant 0 : i32
      %get3A_609 = arith.index_cast %get3A_607 : i32 to index
      %get3A_610 = arith.index_cast %get3A_608 : i32 to index
      %get3A_611 = arith.constant 32 : index
      %get3A_612 = tpu.vector_load %arg6[%get3A_609, %get3A_610, %get3A_611] {strides = array<i32>} : memref<4x2x128xf32, #tpu.memory_space<vmem>>, vector<1x1x16xf32>,
      %get3A_613 = vector.shape_cast %get3A_612 : vector<1x1x16xf32> to vector<16xf32>
      %neg3A_614 = arith.constant 0.000000e+00 : f32
      %neg3A_615 = vector.broadcast %neg3A_614 : f32 to vector<16xf32>
      %neg3A_616 = arith.subf %neg3A_615, %get3A_613 : vector<16xf32>
      %swap3A_617 = arith.constant 1 : i32
      %swap3A_618 = arith.constant 0 : i32
      %swap3A_619 = arith.index_cast %swap3A_617 : i32 to index
      %swap3A_620 = arith.index_cast %swap3A_618 : i32 to index
      %swap3A_621 = arith.constant 32 : index
      %swap3A_622 = tpu.vector_load %arg7[%swap3A_619, %swap3A_620, %swap3A_621] {strides = array<i32>} : memref<4x2x128xf32, #tpu.memory_space<vmem>>, vector<1x1x16xf32>,
      %swap3A_623 = vector.shape_cast %swap3A_622 : vector<1x1x16xf32> to vector<16xf32>
      %swap3A_624 = vector.shape_cast %neg3A_616 : vector<16xf32> to vector<1x1x16xf32>
      tpu.vector_store %arg7[%swap3A_619, %swap3A_620, %swap3A_621], %swap3A_624 {strides = array<i32>} : memref<4x2x128xf32, #tpu.memory_space<vmem>>, vector<1x1x16xf32>,
      %get3A_625 = arith.constant 1 : i32
      %get3A_626 = arith.constant 0 : i32
      %get3A_627 = arith.index_cast %get3A_625 : i32 to index
      %get3A_628 = arith.index_cast %get3A_626 : i32 to index
      %get3A_629 = arith.constant 48 : index
      %get3A_630 = tpu.vector_load %arg6[%get3A_627, %get3A_628, %get3A_629] {strides = array<i32>} : memref<4x2x128xf32, #tpu.memory_space<vmem>>, vector<1x1x16xf32>,
      %get3A_631 = vector.shape_cast %get3A_630 : vector<1x1x16xf32> to vector<16xf32>
      %neg3A_632 = arith.constant 0.000000e+00 : f32
      %neg3A_633 = vector.broadcast %neg3A_632 : f32 to vector<16xf32>
      %neg3A_634 = arith.subf %neg3A_633, %get3A_631 : vector<16xf32>
      %swap3A_635 = arith.constant 1 : i32
      %swap3A_636 = arith.constant 0 : i32
      %swap3A_637 = arith.index_cast %swap3A_635 : i32 to index
      %swap3A_638 = arith.index_cast %swap3A_636 : i32 to index
      %swap3A_639 = arith.constant 48 : index
      %swap3A_640 = tpu.vector_load %arg7[%swap3A_637, %swap3A_638, %swap3A_639] {strides = array<i32>} : memref<4x2x128xf32, #tpu.memory_space<vmem>>, vector<1x1x16xf32>,
      %swap3A_641 = vector.shape_cast %swap3A_640 : vector<1x1x16xf32> to vector<16xf32>
      %swap3A_642 = vector.shape_cast %neg3A_634 : vector<16xf32> to vector<1x1x16xf32>
      tpu.vector_store %arg7[%swap3A_637, %swap3A_638, %swap3A_639], %swap3A_642 {strides = array<i32>} : memref<4x2x128xf32, #tpu.memory_space<vmem>>, vector<1x1x16xf32>,
      %get3A_643 = arith.constant 1 : i32
      %get3A_644 = arith.constant 0 : i32
      %get3A_645 = arith.index_cast %get3A_643 : i32 to index
      %get3A_646 = arith.index_cast %get3A_644 : i32 to index
      %get3A_647 = arith.constant 64 : index
      %get3A_648 = tpu.vector_load %arg6[%get3A_645, %get3A_646, %get3A_647] {strides = array<i32>} : memref<4x2x128xf32, #tpu.memory_space<vmem>>, vector<1x1x16xf32>,
      %get3A_649 = vector.shape_cast %get3A_648 : vector<1x1x16xf32> to vector<16xf32>
      %neg3A_650 = arith.constant 0.000000e+00 : f32
      %neg3A_651 = vector.broadcast %neg3A_650 : f32 to vector<16xf32>
      %neg3A_652 = arith.subf %neg3A_651, %get3A_649 : vector<16xf32>
      %swap3A_653 = arith.constant 1 : i32
      %swap3A_654 = arith.constant 0 : i32
      %swap3A_655 = arith.index_cast %swap3A_653 : i32 to index
      %swap3A_656 = arith.index_cast %swap3A_654 : i32 to index
      %swap3A_657 = arith.constant 64 : index
      %swap3A_658 = tpu.vector_load %arg7[%swap3A_655, %swap3A_656, %swap3A_657] {strides = array<i32>} : memref<4x2x128xf32, #tpu.memory_space<vmem>>, vector<1x1x16xf32>,
      %swap3A_659 = vector.shape_cast %swap3A_658 : vector<1x1x16xf32> to vector<16xf32>
      %swap3A_660 = vector.shape_cast %neg3A_652 : vector<16xf32> to vector<1x1x16xf32>
      tpu.vector_store %arg7[%swap3A_655, %swap3A_656, %swap3A_657], %swap3A_660 {strides = array<i32>} : memref<4x2x128xf32, #tpu.memory_space<vmem>>, vector<1x1x16xf32>,
      %get3A_661 = arith.constant 1 : i32
      %get3A_662 = arith.constant 0 : i32
      %get3A_663 = arith.index_cast %get3A_661 : i32 to index
      %get3A_664 = arith.index_cast %get3A_662 : i32 to index
      %get3A_665 = arith.constant 80 : index
      %get3A_666 = tpu.vector_load %arg6[%get3A_663, %get3A_664, %get3A_665] {strides = array<i32>} : memref<4x2x128xf32, #tpu.memory_space<vmem>>, vector<1x1x16xf32>,
      %get3A_667 = vector.shape_cast %get3A_666 : vector<1x1x16xf32> to vector<16xf32>
      %neg3A_668 = arith.constant 0.000000e+00 : f32
      %neg3A_669 = vector.broadcast %neg3A_668 : f32 to vector<16xf32>
      %neg3A_670 = arith.subf %neg3A_669, %get3A_667 : vector<16xf32>
      %swap3A_671 = arith.constant 1 : i32
      %swap3A_672 = arith.constant 0 : i32
      %swap3A_673 = arith.index_cast %swap3A_671 : i32 to index
      %swap3A_674 = arith.index_cast %swap3A_672 : i32 to index
      %swap3A_675 = arith.constant 80 : index
      %swap3A_676 = tpu.vector_load %arg7[%swap3A_673, %swap3A_674, %swap3A_675] {strides = array<i32>} : memref<4x2x128xf32, #tpu.memory_space<vmem>>, vector<1x1x16xf32>,
      %swap3A_677 = vector.shape_cast %swap3A_676 : vector<1x1x16xf32> to vector<16xf32>
      %swap3A_678 = vector.shape_cast %neg3A_670 : vector<16xf32> to vector<1x1x16xf32>
      tpu.vector_store %arg7[%swap3A_673, %swap3A_674, %swap3A_675], %swap3A_678 {strides = array<i32>} : memref<4x2x128xf32, #tpu.memory_space<vmem>>, vector<1x1x16xf32>,
      %get3A_679 = arith.constant 1 : i32
      %get3A_680 = arith.constant 0 : i32
      %get3A_681 = arith.index_cast %get3A_679 : i32 to index
      %get3A_682 = arith.index_cast %get3A_680 : i32 to index
      %get3A_683 = arith.constant 96 : index
      %get3A_684 = tpu.vector_load %arg6[%get3A_681, %get3A_682, %get3A_683] {strides = array<i32>} : memref<4x2x128xf32, #tpu.memory_space<vmem>>, vector<1x1x16xf32>,
      %get3A_685 = vector.shape_cast %get3A_684 : vector<1x1x16xf32> to vector<16xf32>
      %neg3A_686 = arith.constant 0.000000e+00 : f32
      %neg3A_687 = vector.broadcast %neg3A_686 : f32 to vector<16xf32>
      %neg3A_688 = arith.subf %neg3A_687, %get3A_685 : vector<16xf32>
      %swap3A_689 = arith.constant 1 : i32
      %swap3A_690 = arith.constant 0 : i32
      %swap3A_691 = arith.index_cast %swap3A_689 : i32 to index
      %swap3A_692 = arith.index_cast %swap3A_690 : i32 to index
      %swap3A_693 = arith.constant 96 : index
      %swap3A_694 = tpu.vector_load %arg7[%swap3A_691, %swap3A_692, %swap3A_693] {strides = array<i32>} : memref<4x2x128xf32, #tpu.memory_space<vmem>>, vector<1x1x16xf32>,
      %swap3A_695 = vector.shape_cast %swap3A_694 : vector<1x1x16xf32> to vector<16xf32>
      %swap3A_696 = vector.shape_cast %neg3A_688 : vector<16xf32> to vector<1x1x16xf32>
      tpu.vector_store %arg7[%swap3A_691, %swap3A_692, %swap3A_693], %swap3A_696 {strides = array<i32>} : memref<4x2x128xf32, #tpu.memory_space<vmem>>, vector<1x1x16xf32>,
      %get3A_697 = arith.constant 1 : i32
      %get3A_698 = arith.constant 0 : i32
      %get3A_699 = arith.index_cast %get3A_697 : i32 to index
      %get3A_700 = arith.index_cast %get3A_698 : i32 to index
      %get3A_701 = arith.constant 112 : index
      %get3A_702 = tpu.vector_load %arg6[%get3A_699, %get3A_700, %get3A_701] {strides = array<i32>} : memref<4x2x128xf32, #tpu.memory_space<vmem>>, vector<1x1x16xf32>,
      %get3A_703 = vector.shape_cast %get3A_702 : vector<1x1x16xf32> to vector<16xf32>
      %neg3A_704 = arith.constant 0.000000e+00 : f32
      %neg3A_705 = vector.broadcast %neg3A_704 : f32 to vector<16xf32>
      %neg3A_706 = arith.subf %neg3A_705, %get3A_703 : vector<16xf32>
      %swap3A_707 = arith.constant 1 : i32
      %swap3A_708 = arith.constant 0 : i32
      %swap3A_709 = arith.index_cast %swap3A_707 : i32 to index
      %swap3A_710 = arith.index_cast %swap3A_708 : i32 to index
      %swap3A_711 = arith.constant 112 : index
      %swap3A_712 = tpu.vector_load %arg7[%swap3A_709, %swap3A_710, %swap3A_711] {strides = array<i32>} : memref<4x2x128xf32, #tpu.memory_space<vmem>>, vector<1x1x16xf32>,
      %swap3A_713 = vector.shape_cast %swap3A_712 : vector<1x1x16xf32> to vector<16xf32>
      %swap3A_714 = vector.shape_cast %neg3A_706 : vector<16xf32> to vector<1x1x16xf32>
      tpu.vector_store %arg7[%swap3A_709, %swap3A_710, %swap3A_711], %swap3A_714 {strides = array<i32>} : memref<4x2x128xf32, #tpu.memory_space<vmem>>, vector<1x1x16xf32>,
      %get3A_715 = arith.constant 1 : i32
      %get3A_716 = arith.constant 1 : i32
      %get3A_717 = arith.index_cast %get3A_715 : i32 to index
      %get3A_718 = arith.index_cast %get3A_716 : i32 to index
      %get3A_719 = arith.constant 0 : index
      %get3A_720 = tpu.vector_load %arg6[%get3A_717, %get3A_718, %get3A_719] {strides = array<i32>} : memref<4x2x128xf32, #tpu.memory_space<vmem>>, vector<1x1x16xf32>,
      %get3A_721 = vector.shape_cast %get3A_720 : vector<1x1x16xf32> to vector<16xf32>
      %neg3A_722 = arith.constant 0.000000e+00 : f32
      %neg3A_723 = vector.broadcast %neg3A_722 : f32 to vector<16xf32>
      %neg3A_724 = arith.subf %neg3A_723, %get3A_721 : vector<16xf32>
      %swap3A_725 = arith.constant 1 : i32
      %swap3A_726 = arith.constant 1 : i32
      %swap3A_727 = arith.index_cast %swap3A_725 : i32 to index
      %swap3A_728 = arith.index_cast %swap3A_726 : i32 to index
      %swap3A_729 = arith.constant 0 : index
      %swap3A_730 = tpu.vector_load %arg7[%swap3A_727, %swap3A_728, %swap3A_729] {strides = array<i32>} : memref<4x2x128xf32, #tpu.memory_space<vmem>>, vector<1x1x16xf32>,
      %swap3A_731 = vector.shape_cast %swap3A_730 : vector<1x1x16xf32> to vector<16xf32>
      %swap3A_732 = vector.shape_cast %neg3A_724 : vector<16xf32> to vector<1x1x16xf32>
      tpu.vector_store %arg7[%swap3A_727, %swap3A_728, %swap3A_729], %swap3A_732 {strides = array<i32>} : memref<4x2x128xf32, #tpu.memory_space<vmem>>, vector<1x1x16xf32>,
      %get3A_733 = arith.constant 1 : i32
      %get3A_734 = arith.constant 1 : i32
      %get3A_735 = arith.index_cast %get3A_733 : i32 to index
      %get3A_736 = arith.index_cast %get3A_734 : i32 to index
      %get3A_737 = arith.constant 16 : index
      %get3A_738 = tpu.vector_load %arg6[%get3A_735, %get3A_736, %get3A_737] {strides = array<i32>} : memref<4x2x128xf32, #tpu.memory_space<vmem>>, vector<1x1x16xf32>,
      %get3A_739 = vector.shape_cast %get3A_738 : vector<1x1x16xf32> to vector<16xf32>
      %neg3A_740 = arith.constant 0.000000e+00 : f32
      %neg3A_741 = vector.broadcast %neg3A_740 : f32 to vector<16xf32>
      %neg3A_742 = arith.subf %neg3A_741, %get3A_739 : vector<16xf32>
      %swap3A_743 = arith.constant 1 : i32
      %swap3A_744 = arith.constant 1 : i32
      %swap3A_745 = arith.index_cast %swap3A_743 : i32 to index
      %swap3A_746 = arith.index_cast %swap3A_744 : i32 to index
      %swap3A_747 = arith.constant 16 : index
      %swap3A_748 = tpu.vector_load %arg7[%swap3A_745, %swap3A_746, %swap3A_747] {strides = array<i32>} : memref<4x2x128xf32, #tpu.memory_space<vmem>>, vector<1x1x16xf32>,
      %swap3A_749 = vector.shape_cast %swap3A_748 : vector<1x1x16xf32> to vector<16xf32>
      %swap3A_750 = vector.shape_cast %neg3A_742 : vector<16xf32> to vector<1x1x16xf32>
      tpu.vector_store %arg7[%swap3A_745, %swap3A_746, %swap3A_747], %swap3A_750 {strides = array<i32>} : memref<4x2x128xf32, #tpu.memory_space<vmem>>, vector<1x1x16xf32>,
      %get3A_751 = arith.constant 1 : i32
      %get3A_752 = arith.constant 1 : i32
      %get3A_753 = arith.index_cast %get3A_751 : i32 to index
      %get3A_754 = arith.index_cast %get3A_752 : i32 to index
      %get3A_755 = arith.constant 32 : index
      %get3A_756 = tpu.vector_load %arg6[%get3A_753, %get3A_754, %get3A_755] {strides = array<i32>} : memref<4x2x128xf32, #tpu.memory_space<vmem>>, vector<1x1x16xf32>,
      %get3A_757 = vector.shape_cast %get3A_756 : vector<1x1x16xf32> to vector<16xf32>
      %neg3A_758 = arith.constant 0.000000e+00 : f32
      %neg3A_759 = vector.broadcast %neg3A_758 : f32 to vector<16xf32>
      %neg3A_760 = arith.subf %neg3A_759, %get3A_757 : vector<16xf32>
      %swap3A_761 = arith.constant 1 : i32
      %swap3A_762 = arith.constant 1 : i32
      %swap3A_763 = arith.index_cast %swap3A_761 : i32 to index
      %swap3A_764 = arith.index_cast %swap3A_762 : i32 to index
      %swap3A_765 = arith.constant 32 : index
      %swap3A_766 = tpu.vector_load %arg7[%swap3A_763, %swap3A_764, %swap3A_765] {strides = array<i32>} : memref<4x2x128xf32, #tpu.memory_space<vmem>>, vector<1x1x16xf32>,
      %swap3A_767 = vector.shape_cast %swap3A_766 : vector<1x1x16xf32> to vector<16xf32>
      %swap3A_768 = vector.shape_cast %neg3A_760 : vector<16xf32> to vector<1x1x16xf32>
      tpu.vector_store %arg7[%swap3A_763, %swap3A_764, %swap3A_765], %swap3A_768 {strides = array<i32>} : memref<4x2x128xf32, #tpu.memory_space<vmem>>, vector<1x1x16xf32>,
      %get3A_769 = arith.constant 1 : i32
      %get3A_770 = arith.constant 1 : i32
      %get3A_771 = arith.index_cast %get3A_769 : i32 to index
      %get3A_772 = arith.index_cast %get3A_770 : i32 to index
      %get3A_773 = arith.constant 48 : index
      %get3A_774 = tpu.vector_load %arg6[%get3A_771, %get3A_772, %get3A_773] {strides = array<i32>} : memref<4x2x128xf32, #tpu.memory_space<vmem>>, vector<1x1x16xf32>,
      %get3A_775 = vector.shape_cast %get3A_774 : vector<1x1x16xf32> to vector<16xf32>
      %neg3A_776 = arith.constant 0.000000e+00 : f32
      %neg3A_777 = vector.broadcast %neg3A_776 : f32 to vector<16xf32>
      %neg3A_778 = arith.subf %neg3A_777, %get3A_775 : vector<16xf32>
      %swap3A_779 = arith.constant 1 : i32
      %swap3A_780 = arith.constant 1 : i32
      %swap3A_781 = arith.index_cast %swap3A_779 : i32 to index
      %swap3A_782 = arith.index_cast %swap3A_780 : i32 to index
      %swap3A_783 = arith.constant 48 : index
      %swap3A_784 = tpu.vector_load %arg7[%swap3A_781, %swap3A_782, %swap3A_783] {strides = array<i32>} : memref<4x2x128xf32, #tpu.memory_space<vmem>>, vector<1x1x16xf32>,
      %swap3A_785 = vector.shape_cast %swap3A_784 : vector<1x1x16xf32> to vector<16xf32>
      %swap3A_786 = vector.shape_cast %neg3A_778 : vector<16xf32> to vector<1x1x16xf32>
      tpu.vector_store %arg7[%swap3A_781, %swap3A_782, %swap3A_783], %swap3A_786 {strides = array<i32>} : memref<4x2x128xf32, #tpu.memory_space<vmem>>, vector<1x1x16xf32>,
      %get3A_787 = arith.constant 1 : i32
      %get3A_788 = arith.constant 1 : i32
      %get3A_789 = arith.index_cast %get3A_787 : i32 to index
      %get3A_790 = arith.index_cast %get3A_788 : i32 to index
      %get3A_791 = arith.constant 64 : index
      %get3A_792 = tpu.vector_load %arg6[%get3A_789, %get3A_790, %get3A_791] {strides = array<i32>} : memref<4x2x128xf32, #tpu.memory_space<vmem>>, vector<1x1x16xf32>,
      %get3A_793 = vector.shape_cast %get3A_792 : vector<1x1x16xf32> to vector<16xf32>
      %neg3A_794 = arith.constant 0.000000e+00 : f32
      %neg3A_795 = vector.broadcast %neg3A_794 : f32 to vector<16xf32>
      %neg3A_796 = arith.subf %neg3A_795, %get3A_793 : vector<16xf32>
      %swap3A_797 = arith.constant 1 : i32
      %swap3A_798 = arith.constant 1 : i32
      %swap3A_799 = arith.index_cast %swap3A_797 : i32 to index
      %swap3A_800 = arith.index_cast %swap3A_798 : i32 to index
      %swap3A_801 = arith.constant 64 : index
      %swap3A_802 = tpu.vector_load %arg7[%swap3A_799, %swap3A_800, %swap3A_801] {strides = array<i32>} : memref<4x2x128xf32, #tpu.memory_space<vmem>>, vector<1x1x16xf32>,
      %swap3A_803 = vector.shape_cast %swap3A_802 : vector<1x1x16xf32> to vector<16xf32>
      %swap3A_804 = vector.shape_cast %neg3A_796 : vector<16xf32> to vector<1x1x16xf32>
      tpu.vector_store %arg7[%swap3A_799, %swap3A_800, %swap3A_801], %swap3A_804 {strides = array<i32>} : memref<4x2x128xf32, #tpu.memory_space<vmem>>, vector<1x1x16xf32>,
      %get3A_805 = arith.constant 1 : i32
      %get3A_806 = arith.constant 1 : i32
      %get3A_807 = arith.index_cast %get3A_805 : i32 to index
      %get3A_808 = arith.index_cast %get3A_806 : i32 to index
      %get3A_809 = arith.constant 80 : index
      %get3A_810 = tpu.vector_load %arg6[%get3A_807, %get3A_808, %get3A_809] {strides = array<i32>} : memref<4x2x128xf32, #tpu.memory_space<vmem>>, vector<1x1x16xf32>,
      %get3A_811 = vector.shape_cast %get3A_810 : vector<1x1x16xf32> to vector<16xf32>
      %neg3A_812 = arith.constant 0.000000e+00 : f32
      %neg3A_813 = vector.broadcast %neg3A_812 : f32 to vector<16xf32>
      %neg3A_814 = arith.subf %neg3A_813, %get3A_811 : vector<16xf32>
      %swap3A_815 = arith.constant 1 : i32
      %swap3A_816 = arith.constant 1 : i32
      %swap3A_817 = arith.index_cast %swap3A_815 : i32 to index
      %swap3A_818 = arith.index_cast %swap3A_816 : i32 to index
      %swap3A_819 = arith.constant 80 : index
      %swap3A_820 = tpu.vector_load %arg7[%swap3A_817, %swap3A_818, %swap3A_819] {strides = array<i32>} : memref<4x2x128xf32, #tpu.memory_space<vmem>>, vector<1x1x16xf32>,
      %swap3A_821 = vector.shape_cast %swap3A_820 : vector<1x1x16xf32> to vector<16xf32>
      %swap3A_822 = vector.shape_cast %neg3A_814 : vector<16xf32> to vector<1x1x16xf32>
      tpu.vector_store %arg7[%swap3A_817, %swap3A_818, %swap3A_819], %swap3A_822 {strides = array<i32>} : memref<4x2x128xf32, #tpu.memory_space<vmem>>, vector<1x1x16xf32>,
      %get3A_823 = arith.constant 1 : i32
      %get3A_824 = arith.constant 1 : i32
      %get3A_825 = arith.index_cast %get3A_823 : i32 to index
      %get3A_826 = arith.index_cast %get3A_824 : i32 to index
      %get3A_827 = arith.constant 96 : index
      %get3A_828 = tpu.vector_load %arg6[%get3A_825, %get3A_826, %get3A_827] {strides = array<i32>} : memref<4x2x128xf32, #tpu.memory_space<vmem>>, vector<1x1x16xf32>,
      %get3A_829 = vector.shape_cast %get3A_828 : vector<1x1x16xf32> to vector<16xf32>
      %neg3A_830 = arith.constant 0.000000e+00 : f32
      %neg3A_831 = vector.broadcast %neg3A_830 : f32 to vector<16xf32>
      %neg3A_832 = arith.subf %neg3A_831, %get3A_829 : vector<16xf32>
      %swap3A_833 = arith.constant 1 : i32
      %swap3A_834 = arith.constant 1 : i32
      %swap3A_835 = arith.index_cast %swap3A_833 : i32 to index
      %swap3A_836 = arith.index_cast %swap3A_834 : i32 to index
      %swap3A_837 = arith.constant 96 : index
      %swap3A_838 = tpu.vector_load %arg7[%swap3A_835, %swap3A_836, %swap3A_837] {strides = array<i32>} : memref<4x2x128xf32, #tpu.memory_space<vmem>>, vector<1x1x16xf32>,
      %swap3A_839 = vector.shape_cast %swap3A_838 : vector<1x1x16xf32> to vector<16xf32>
      %swap3A_840 = vector.shape_cast %neg3A_832 : vector<16xf32> to vector<1x1x16xf32>
      tpu.vector_store %arg7[%swap3A_835, %swap3A_836, %swap3A_837], %swap3A_840 {strides = array<i32>} : memref<4x2x128xf32, #tpu.memory_space<vmem>>, vector<1x1x16xf32>,
      %get3A_841 = arith.constant 1 : i32
      %get3A_842 = arith.constant 1 : i32
      %get3A_843 = arith.index_cast %get3A_841 : i32 to index
      %get3A_844 = arith.index_cast %get3A_842 : i32 to index
      %get3A_845 = arith.constant 112 : index
      %get3A_846 = tpu.vector_load %arg6[%get3A_843, %get3A_844, %get3A_845] {strides = array<i32>} : memref<4x2x128xf32, #tpu.memory_space<vmem>>, vector<1x1x16xf32>,
      %get3A_847 = vector.shape_cast %get3A_846 : vector<1x1x16xf32> to vector<16xf32>
      %neg3A_848 = arith.constant 0.000000e+00 : f32
      %neg3A_849 = vector.broadcast %neg3A_848 : f32 to vector<16xf32>
      %neg3A_850 = arith.subf %neg3A_849, %get3A_847 : vector<16xf32>
      %swap3A_851 = arith.constant 1 : i32
      %swap3A_852 = arith.constant 1 : i32
      %swap3A_853 = arith.index_cast %swap3A_851 : i32 to index
      %swap3A_854 = arith.index_cast %swap3A_852 : i32 to index
      %swap3A_855 = arith.constant 112 : index
      %swap3A_856 = tpu.vector_load %arg7[%swap3A_853, %swap3A_854, %swap3A_855] {strides = array<i32>} : memref<4x2x128xf32, #tpu.memory_space<vmem>>, vector<1x1x16xf32>,
      %swap3A_857 = vector.shape_cast %swap3A_856 : vector<1x1x16xf32> to vector<16xf32>
      %swap3A_858 = vector.shape_cast %neg3A_850 : vector<16xf32> to vector<1x1x16xf32>
      tpu.vector_store %arg7[%swap3A_853, %swap3A_854, %swap3A_855], %swap3A_858 {strides = array<i32>} : memref<4x2x128xf32, #tpu.memory_space<vmem>>, vector<1x1x16xf32>,
      %convert_element_type3A_859 = arith.extui %gt3A_499 : i1 to i32
      %cond3A_860 = arith.constant 0 : i32
      %cond3A_861 = arith.cmpi ne, %convert_element_type3A_859, %cond3A_860 : i32
      scf.if %cond3A_861 {
        %sub3A_1848 = arith.constant 2 : i32
        %sub3A_1849 = arith.subi %add3A_497, %sub3A_1848 : i32
        %mul3A_1850 = arith.constant 358400 : i32
        %mul3A_1851 = arith.muli %sub3A_1849, %mul3A_1850 : i32
        %mul3A_1852 = arith.constant 22400 : i32
        %mul3A_1853 = arith.muli %arg1, %mul3A_1852 : i32
        %add3A_1854 = arith.addi %mul3A_1851, %mul3A_1853 : i32
        %dma_wait3A_1855 = tpu.memref_slice %arg4[%add3A_1854] : memref<45875200xf32, #tpu.memory_space<hbm>> -> memref<22400xf32, #tpu.memory_space<hbm>>
        %dma_wait3A_1856 = tpu.memref_slice %arg10[%mul3A_0] : memref<358400xf32, #tpu.memory_space<vmem_shared>> -> memref<22400xf32, #tpu.memory_space<vmem_shared>>
        tpu.wait_dma2 semaphore(%arg16 : memref<!tpu.dma_semaphore, #tpu.memory_space<semaphore_mem>>) src(%dma_wait3A_1856 : memref<22400xf32, #tpu.memory_space<vmem_shared>>) dst(%dma_wait3A_1855 : memref<22400xf32, #tpu.memory_space<hbm>>)
      } else {
      }
      %barrier3A_862 = arith.constant 0 : index
      tpu.barrier barrier_id(%barrier3A_862)
      %convert_element_type3A_863 = arith.extui %gt3A_499 : i1 to i32
      %cond3A_864 = arith.constant 0 : i32
      %cond3A_865 = arith.cmpi ne, %convert_element_type3A_863, %cond3A_864 : i32
      scf.if %cond3A_865 {
        %dma_start3A_1848 = arith.constant 3 : i32
        %dma_start3A_1849 = arith.constant 0 : i32
        %dma_start3A_1850 = arith.constant 3 : i32
        %dma_start3A_1851 = arith.constant 0 : i32
        %dma_start3A_1852 = arith.constant 0 : i32
        %dma_start3A_1853 = tpu.memref_slice %arg7[%dma_start3A_1848, %dma_start3A_1849, %dma_start3A_1852] : memref<4x2x128xf32, #tpu.memory_space<vmem>> -> memref<1x1x128xf32, #tpu.memory_space<vmem>>
        %dma_start3A_1854 = tpu.memref_squeeze %dma_start3A_1853 : memref<1x1x128xf32, #tpu.memory_space<vmem>> -> memref<128xf32, #tpu.memory_space<vmem>>
        %dma_start3A_1855 = arith.constant 0 : i32
        %dma_start3A_1856 = tpu.memref_slice %arg5[%dma_start3A_1850, %dma_start3A_1851, %dma_start3A_1855] : memref<4x2x128xi32, #tpu.memory_space<vmem>> -> memref<1x1x128xi32, #tpu.memory_space<vmem>>
        %dma_start3A_1857 = tpu.memref_squeeze %dma_start3A_1856 : memref<1x1x128xi32, #tpu.memory_space<vmem>> -> memref<128xi32, #tpu.memory_space<vmem>>
        %dma_start3A_1858 = arith.constant 0 : i32
        %dma_start3A_1859 = tpu.memref_slice %arg10[%dma_start3A_1858] : memref<358400xf32, #tpu.memory_space<vmem_shared>> -> memref<358400xf32, #tpu.memory_space<vmem_shared>>
        tpu.enqueue_indirect_dma source(%dma_start3A_1854 : memref<128xf32, #tpu.memory_space<vmem>>) target(%dma_start3A_1859 : memref<358400xf32, #tpu.memory_space<vmem_shared>>) offsets(%dma_start3A_1857 : memref<128xi32, #tpu.memory_space<vmem>>) semaphore(%arg18 : memref<!tpu.dma_semaphore, #tpu.memory_space<semaphore_mem>>) {add = true}
        %dma_start3A_1860 = arith.constant 3 : i32
        %dma_start3A_1861 = arith.constant 1 : i32
        %dma_start3A_1862 = arith.constant 3 : i32
        %dma_start3A_1863 = arith.constant 1 : i32
        %dma_start3A_1864 = arith.constant 0 : i32
        %dma_start3A_1865 = tpu.memref_slice %arg7[%dma_start3A_1860, %dma_start3A_1861, %dma_start3A_1864] : memref<4x2x128xf32, #tpu.memory_space<vmem>> -> memref<1x1x128xf32, #tpu.memory_space<vmem>>
        %dma_start3A_1866 = tpu.memref_squeeze %dma_start3A_1865 : memref<1x1x128xf32, #tpu.memory_space<vmem>> -> memref<128xf32, #tpu.memory_space<vmem>>
        %dma_start3A_1867 = arith.constant 0 : i32
        %dma_start3A_1868 = tpu.memref_slice %arg5[%dma_start3A_1862, %dma_start3A_1863, %dma_start3A_1867] : memref<4x2x128xi32, #tpu.memory_space<vmem>> -> memref<1x1x128xi32, #tpu.memory_space<vmem>>
        %dma_start3A_1869 = tpu.memref_squeeze %dma_start3A_1868 : memref<1x1x128xi32, #tpu.memory_space<vmem>> -> memref<128xi32, #tpu.memory_space<vmem>>
        %dma_start3A_1870 = arith.constant 0 : i32
        %dma_start3A_1871 = tpu.memref_slice %arg10[%dma_start3A_1870] : memref<358400xf32, #tpu.memory_space<vmem_shared>> -> memref<358400xf32, #tpu.memory_space<vmem_shared>>
        tpu.enqueue_indirect_dma source(%dma_start3A_1866 : memref<128xf32, #tpu.memory_space<vmem>>) target(%dma_start3A_1871 : memref<358400xf32, #tpu.memory_space<vmem_shared>>) offsets(%dma_start3A_1869 : memref<128xi32, #tpu.memory_space<vmem>>) semaphore(%arg18 : memref<!tpu.dma_semaphore, #tpu.memory_space<semaphore_mem>>) {add = true}
      } else {
      }
      %dma_start3A_866 = arith.constant 1 : i32
      %dma_start3A_867 = arith.constant 0 : i32
      %dma_start3A_868 = arith.constant 1 : i32
      %dma_start3A_869 = arith.constant 0 : i32
      %dma_start3A_870 = arith.constant 0 : i32
      %dma_start3A_871 = tpu.memref_slice %arg6[%dma_start3A_866, %dma_start3A_867, %dma_start3A_870] : memref<4x2x128xf32, #tpu.memory_space<vmem>> -> memref<1x1x128xf32, #tpu.memory_space<vmem>>
      %dma_start3A_872 = tpu.memref_squeeze %dma_start3A_871 : memref<1x1x128xf32, #tpu.memory_space<vmem>> -> memref<128xf32, #tpu.memory_space<vmem>>
      %dma_start3A_873 = arith.constant 0 : i32
      %dma_start3A_874 = tpu.memref_slice %arg5[%dma_start3A_868, %dma_start3A_869, %dma_start3A_873] : memref<4x2x128xi32, #tpu.memory_space<vmem>> -> memref<1x1x128xi32, #tpu.memory_space<vmem>>
      %dma_start3A_875 = tpu.memref_squeeze %dma_start3A_874 : memref<1x1x128xi32, #tpu.memory_space<vmem>> -> memref<128xi32, #tpu.memory_space<vmem>>
      %dma_start3A_876 = arith.constant 0 : i32
      %dma_start3A_877 = tpu.memref_slice %arg10[%dma_start3A_876] : memref<358400xf32, #tpu.memory_space<vmem_shared>> -> memref<358400xf32, #tpu.memory_space<vmem_shared>>
      tpu.enqueue_indirect_dma source(%dma_start3A_872 : memref<128xf32, #tpu.memory_space<vmem>>) target(%dma_start3A_877 : memref<358400xf32, #tpu.memory_space<vmem_shared>>) offsets(%dma_start3A_875 : memref<128xi32, #tpu.memory_space<vmem>>) semaphore(%arg17 : memref<!tpu.dma_semaphore, #tpu.memory_space<semaphore_mem>>) {add = true}
      %dma_start3A_878 = arith.constant 1 : i32
      %dma_start3A_879 = arith.constant 1 : i32
      %dma_start3A_880 = arith.constant 1 : i32
      %dma_start3A_881 = arith.constant 1 : i32
      %dma_start3A_882 = arith.constant 0 : i32
      %dma_start3A_883 = tpu.memref_slice %arg6[%dma_start3A_878, %dma_start3A_879, %dma_start3A_882] : memref<4x2x128xf32, #tpu.memory_space<vmem>> -> memref<1x1x128xf32, #tpu.memory_space<vmem>>
      %dma_start3A_884 = tpu.memref_squeeze %dma_start3A_883 : memref<1x1x128xf32, #tpu.memory_space<vmem>> -> memref<128xf32, #tpu.memory_space<vmem>>
      %dma_start3A_885 = arith.constant 0 : i32
      %dma_start3A_886 = tpu.memref_slice %arg5[%dma_start3A_880, %dma_start3A_881, %dma_start3A_885] : memref<4x2x128xi32, #tpu.memory_space<vmem>> -> memref<1x1x128xi32, #tpu.memory_space<vmem>>
      %dma_start3A_887 = tpu.memref_squeeze %dma_start3A_886 : memref<1x1x128xi32, #tpu.memory_space<vmem>> -> memref<128xi32, #tpu.memory_space<vmem>>
      %dma_start3A_888 = arith.constant 0 : i32
      %dma_start3A_889 = tpu.memref_slice %arg10[%dma_start3A_888] : memref<358400xf32, #tpu.memory_space<vmem_shared>> -> memref<358400xf32, #tpu.memory_space<vmem_shared>>
      tpu.enqueue_indirect_dma source(%dma_start3A_884 : memref<128xf32, #tpu.memory_space<vmem>>) target(%dma_start3A_889 : memref<358400xf32, #tpu.memory_space<vmem_shared>>) offsets(%dma_start3A_887 : memref<128xi32, #tpu.memory_space<vmem>>) semaphore(%arg17 : memref<!tpu.dma_semaphore, #tpu.memory_space<semaphore_mem>>) {add = true}
      %dma_wait3A_890 = arith.constant 1 : i32
      %dma_wait3A_891 = arith.constant 0 : i32
      %dma_wait3A_892 = arith.constant 1 : i32
      %dma_wait3A_893 = arith.constant 0 : i32
      %dma_wait3A_894 = arith.constant 0 : i32
      %dma_wait3A_895 = tpu.memref_slice %arg6[%dma_wait3A_890, %dma_wait3A_891, %dma_wait3A_894] : memref<4x2x128xf32, #tpu.memory_space<vmem>> -> memref<1x1x128xf32, #tpu.memory_space<vmem>>
      %dma_wait3A_896 = tpu.memref_squeeze %dma_wait3A_895 : memref<1x1x128xf32, #tpu.memory_space<vmem>> -> memref<128xf32, #tpu.memory_space<vmem>>
      %dma_wait3A_897 = arith.constant 0 : i32
      %dma_wait3A_898 = tpu.memref_slice %arg5[%dma_wait3A_892, %dma_wait3A_893, %dma_wait3A_897] : memref<4x2x128xi32, #tpu.memory_space<vmem>> -> memref<1x1x128xi32, #tpu.memory_space<vmem>>
      %dma_wait3A_899 = tpu.memref_squeeze %dma_wait3A_898 : memref<1x1x128xi32, #tpu.memory_space<vmem>> -> memref<128xi32, #tpu.memory_space<vmem>>
      %dma_wait3A_900 = arith.constant 0 : i32
      %dma_wait3A_901 = tpu.memref_slice %arg10[%dma_wait3A_900] : memref<358400xf32, #tpu.memory_space<vmem_shared>> -> memref<358400xf32, #tpu.memory_space<vmem_shared>>
      tpu.wait_indirect_dma semaphore(%arg17 : memref<!tpu.dma_semaphore, #tpu.memory_space<semaphore_mem>>) src(%dma_wait3A_896 : memref<128xf32, #tpu.memory_space<vmem>>) dst(%dma_wait3A_901 : memref<358400xf32, #tpu.memory_space<vmem_shared>>)
      %dma_wait3A_902 = arith.constant 1 : i32
      %dma_wait3A_903 = arith.constant 1 : i32
      %dma_wait3A_904 = arith.constant 1 : i32
      %dma_wait3A_905 = arith.constant 1 : i32
      %dma_wait3A_906 = arith.constant 0 : i32
      %dma_wait3A_907 = tpu.memref_slice %arg6[%dma_wait3A_902, %dma_wait3A_903, %dma_wait3A_906] : memref<4x2x128xf32, #tpu.memory_space<vmem>> -> memref<1x1x128xf32, #tpu.memory_space<vmem>>
      %dma_wait3A_908 = tpu.memref_squeeze %dma_wait3A_907 : memref<1x1x128xf32, #tpu.memory_space<vmem>> -> memref<128xf32, #tpu.memory_space<vmem>>
      %dma_wait3A_909 = arith.constant 0 : i32
      %dma_wait3A_910 = tpu.memref_slice %arg5[%dma_wait3A_904, %dma_wait3A_905, %dma_wait3A_909] : memref<4x2x128xi32, #tpu.memory_space<vmem>> -> memref<1x1x128xi32, #tpu.memory_space<vmem>>
      %dma_wait3A_911 = tpu.memref_squeeze %dma_wait3A_910 : memref<1x1x128xi32, #tpu.memory_space<vmem>> -> memref<128xi32, #tpu.memory_space<vmem>>
      %dma_wait3A_912 = arith.constant 0 : i32
      %dma_wait3A_913 = tpu.memref_slice %arg10[%dma_wait3A_912] : memref<358400xf32, #tpu.memory_space<vmem_shared>> -> memref<358400xf32, #tpu.memory_space<vmem_shared>>
      tpu.wait_indirect_dma semaphore(%arg17 : memref<!tpu.dma_semaphore, #tpu.memory_space<semaphore_mem>>) src(%dma_wait3A_908 : memref<128xf32, #tpu.memory_space<vmem>>) dst(%dma_wait3A_913 : memref<358400xf32, #tpu.memory_space<vmem_shared>>)
      %convert_element_type3A_914 = arith.extui %gt3A_499 : i1 to i32
      %cond3A_915 = arith.constant 0 : i32
      %cond3A_916 = arith.cmpi ne, %convert_element_type3A_914, %cond3A_915 : i32
      scf.if %cond3A_916 {
        %dma_wait3A_1848 = arith.constant 3 : i32
        %dma_wait3A_1849 = arith.constant 0 : i32
        %dma_wait3A_1850 = arith.constant 3 : i32
        %dma_wait3A_1851 = arith.constant 0 : i32
        %dma_wait3A_1852 = arith.constant 0 : i32
        %dma_wait3A_1853 = tpu.memref_slice %arg7[%dma_wait3A_1848, %dma_wait3A_1849, %dma_wait3A_1852] : memref<4x2x128xf32, #tpu.memory_space<vmem>> -> memref<1x1x128xf32, #tpu.memory_space<vmem>>
        %dma_wait3A_1854 = tpu.memref_squeeze %dma_wait3A_1853 : memref<1x1x128xf32, #tpu.memory_space<vmem>> -> memref<128xf32, #tpu.memory_space<vmem>>
        %dma_wait3A_1855 = arith.constant 0 : i32
        %dma_wait3A_1856 = tpu.memref_slice %arg5[%dma_wait3A_1850, %dma_wait3A_1851, %dma_wait3A_1855] : memref<4x2x128xi32, #tpu.memory_space<vmem>> -> memref<1x1x128xi32, #tpu.memory_space<vmem>>
        %dma_wait3A_1857 = tpu.memref_squeeze %dma_wait3A_1856 : memref<1x1x128xi32, #tpu.memory_space<vmem>> -> memref<128xi32, #tpu.memory_space<vmem>>
        %dma_wait3A_1858 = arith.constant 0 : i32
        %dma_wait3A_1859 = tpu.memref_slice %arg10[%dma_wait3A_1858] : memref<358400xf32, #tpu.memory_space<vmem_shared>> -> memref<358400xf32, #tpu.memory_space<vmem_shared>>
        tpu.wait_indirect_dma semaphore(%arg18 : memref<!tpu.dma_semaphore, #tpu.memory_space<semaphore_mem>>) src(%dma_wait3A_1854 : memref<128xf32, #tpu.memory_space<vmem>>) dst(%dma_wait3A_1859 : memref<358400xf32, #tpu.memory_space<vmem_shared>>)
        %dma_wait3A_1860 = arith.constant 3 : i32
        %dma_wait3A_1861 = arith.constant 1 : i32
        %dma_wait3A_1862 = arith.constant 3 : i32
        %dma_wait3A_1863 = arith.constant 1 : i32
        %dma_wait3A_1864 = arith.constant 0 : i32
        %dma_wait3A_1865 = tpu.memref_slice %arg7[%dma_wait3A_1860, %dma_wait3A_1861, %dma_wait3A_1864] : memref<4x2x128xf32, #tpu.memory_space<vmem>> -> memref<1x1x128xf32, #tpu.memory_space<vmem>>
        %dma_wait3A_1866 = tpu.memref_squeeze %dma_wait3A_1865 : memref<1x1x128xf32, #tpu.memory_space<vmem>> -> memref<128xf32, #tpu.memory_space<vmem>>
        %dma_wait3A_1867 = arith.constant 0 : i32
        %dma_wait3A_1868 = tpu.memref_slice %arg5[%dma_wait3A_1862, %dma_wait3A_1863, %dma_wait3A_1867] : memref<4x2x128xi32, #tpu.memory_space<vmem>> -> memref<1x1x128xi32, #tpu.memory_space<vmem>>
        %dma_wait3A_1869 = tpu.memref_squeeze %dma_wait3A_1868 : memref<1x1x128xi32, #tpu.memory_space<vmem>> -> memref<128xi32, #tpu.memory_space<vmem>>
        %dma_wait3A_1870 = arith.constant 0 : i32
        %dma_wait3A_1871 = tpu.memref_slice %arg10[%dma_wait3A_1870] : memref<358400xf32, #tpu.memory_space<vmem_shared>> -> memref<358400xf32, #tpu.memory_space<vmem_shared>>
        tpu.wait_indirect_dma semaphore(%arg18 : memref<!tpu.dma_semaphore, #tpu.memory_space<semaphore_mem>>) src(%dma_wait3A_1866 : memref<128xf32, #tpu.memory_space<vmem>>) dst(%dma_wait3A_1871 : memref<358400xf32, #tpu.memory_space<vmem_shared>>)
      } else {
      }
      %barrier3A_917 = arith.constant 0 : index
      tpu.barrier barrier_id(%barrier3A_917)
      %mul3A_918 = arith.constant 358400 : i32
      %mul3A_919 = arith.muli %add3A_497, %mul3A_918 : i32
      %mul3A_920 = arith.constant 22400 : i32
      %mul3A_921 = arith.muli %arg1, %mul3A_920 : i32
      %add3A_922 = arith.addi %mul3A_919, %mul3A_921 : i32
      %dma_start3A_923 = tpu.memref_slice %arg4[%add3A_922] : memref<45875200xf32, #tpu.memory_space<hbm>> -> memref<22400xf32, #tpu.memory_space<hbm>>
      %dma_start3A_924 = tpu.memref_slice %arg10[%mul3A_0] : memref<358400xf32, #tpu.memory_space<vmem_shared>> -> memref<22400xf32, #tpu.memory_space<vmem_shared>>
      tpu.enqueue_dma source(%dma_start3A_924 : memref<22400xf32, #tpu.memory_space<vmem_shared>>) target(%dma_start3A_923 : memref<22400xf32, #tpu.memory_space<hbm>>) target_semaphore(%arg16 : memref<!tpu.dma_semaphore, #tpu.memory_space<semaphore_mem>>)
      %add3A_925 = arith.constant 2 : i32
      %add3A_926 = arith.addi %add3A_75, %add3A_925 : i32
      %mul3A_927 = arith.constant 2 : i32
      %mul3A_928 = arith.muli %arg1, %mul3A_927 : i32
      %mul3A_929 = arith.constant 2 : i32
      %mul3A_930 = arith.muli %arg1, %mul3A_929 : i32
      %dma_wait3A_931 = arith.constant 2 : i32
      %dma_wait3A_932 = arith.constant 0 : i32
      %dma_wait3A_933 = arith.constant 0 : i32
      %dma_wait3A_934 = tpu.memref_slice %arg5[%dma_wait3A_931, %dma_wait3A_932, %dma_wait3A_933] : memref<4x2x128xi32, #tpu.memory_space<vmem>> -> memref<1x2x128xi32, #tpu.memory_space<vmem>>
      %dma_wait3A_935 = tpu.memref_squeeze %dma_wait3A_934 : memref<1x2x128xi32, #tpu.memory_space<vmem>> -> memref<2x128xi32, #tpu.memory_space<vmem>>
      %dma_wait3A_936 = arith.constant 0 : i32
      %dma_wait3A_937 = tpu.memref_slice %arg2[%add3A_926, %mul3A_928, %dma_wait3A_936] : memref<128x32x128xi32, #tpu.memory_space<hbm>> -> memref<1x2x128xi32, #tpu.memory_space<hbm>>
      %dma_wait3A_938 = tpu.memref_squeeze %dma_wait3A_937 : memref<1x2x128xi32, #tpu.memory_space<hbm>> -> memref<2x128xi32, #tpu.memory_space<hbm>>
      %dma_wait3A_939 = arith.constant 0 : i32
      %dma_wait3A_940 = arith.constant 0 : i32
      %dma_wait3A_941 = tpu.memref_slice %arg5[%dma_wait3A_931, %dma_wait3A_939, %dma_wait3A_940] : memref<4x2x128xi32, #tpu.memory_space<vmem>> -> memref<1x2x128xi32, #tpu.memory_space<vmem>>
      %dma_wait3A_942 = tpu.memref_squeeze %dma_wait3A_941 : memref<1x2x128xi32, #tpu.memory_space<vmem>> -> memref<2x128xi32, #tpu.memory_space<vmem>>
      %dma_wait3A_943 = arith.constant 0 : i32
      %dma_wait3A_944 = tpu.memref_slice %arg2[%add3A_926, %mul3A_928, %dma_wait3A_943] : memref<128x32x128xi32, #tpu.memory_space<hbm>> -> memref<1x2x128xi32, #tpu.memory_space<hbm>>
      %dma_wait3A_945 = tpu.memref_squeeze %dma_wait3A_944 : memref<1x2x128xi32, #tpu.memory_space<hbm>> -> memref<2x128xi32, #tpu.memory_space<hbm>>
      tpu.wait_dma2 semaphore(%arg13 : memref<!tpu.dma_semaphore, #tpu.memory_space<semaphore_mem>>) src(%dma_wait3A_945 : memref<2x128xi32, #tpu.memory_space<hbm>>) dst(%dma_wait3A_942 : memref<2x128xi32, #tpu.memory_space<vmem>>)
      %dma_wait3A_946 = arith.constant 2 : i32
      %dma_wait3A_947 = arith.constant 0 : i32
      %dma_wait3A_948 = arith.constant 0 : i32
      %dma_wait3A_949 = tpu.memref_slice %arg6[%dma_wait3A_946, %dma_wait3A_947, %dma_wait3A_948] : memref<4x2x128xf32, #tpu.memory_space<vmem>> -> memref<1x2x128xf32, #tpu.memory_space<vmem>>
      %dma_wait3A_950 = tpu.memref_squeeze %dma_wait3A_949 : memref<1x2x128xf32, #tpu.memory_space<vmem>> -> memref<2x128xf32, #tpu.memory_space<vmem>>
      %dma_wait3A_951 = arith.constant 0 : i32
      %dma_wait3A_952 = tpu.memref_slice %arg3[%add3A_926, %mul3A_930, %dma_wait3A_951] : memref<128x32x128xf32, #tpu.memory_space<hbm>> -> memref<1x2x128xf32, #tpu.memory_space<hbm>>
      %dma_wait3A_953 = tpu.memref_squeeze %dma_wait3A_952 : memref<1x2x128xf32, #tpu.memory_space<hbm>> -> memref<2x128xf32, #tpu.memory_space<hbm>>
      %dma_wait3A_954 = arith.constant 0 : i32
      %dma_wait3A_955 = arith.constant 0 : i32
      %dma_wait3A_956 = tpu.memref_slice %arg6[%dma_wait3A_946, %dma_wait3A_954, %dma_wait3A_955] : memref<4x2x128xf32, #tpu.memory_space<vmem>> -> memref<1x2x128xf32, #tpu.memory_space<vmem>>
      %dma_wait3A_957 = tpu.memref_squeeze %dma_wait3A_956 : memref<1x2x128xf32, #tpu.memory_space<vmem>> -> memref<2x128xf32, #tpu.memory_space<vmem>>
      %dma_wait3A_958 = arith.constant 0 : i32
      %dma_wait3A_959 = tpu.memref_slice %arg3[%add3A_926, %mul3A_930, %dma_wait3A_958] : memref<128x32x128xf32, #tpu.memory_space<hbm>> -> memref<1x2x128xf32, #tpu.memory_space<hbm>>
      %dma_wait3A_960 = tpu.memref_squeeze %dma_wait3A_959 : memref<1x2x128xf32, #tpu.memory_space<hbm>> -> memref<2x128xf32, #tpu.memory_space<hbm>>
      tpu.wait_dma2 semaphore(%arg13 : memref<!tpu.dma_semaphore, #tpu.memory_space<semaphore_mem>>) src(%dma_wait3A_960 : memref<2x128xf32, #tpu.memory_space<hbm>>) dst(%dma_wait3A_957 : memref<2x128xf32, #tpu.memory_space<vmem>>)
      %cond3A_961 = arith.constant 1 : i32
      %add3A_962 = arith.constant 1 : i32
      %add3A_963 = arith.addi %add3A_926, %add3A_962 : i32
      %mul3A_964 = arith.constant 2 : i32
      %mul3A_965 = arith.muli %arg1, %mul3A_964 : i32
      %mul3A_966 = arith.constant 2 : i32
      %mul3A_967 = arith.muli %arg1, %mul3A_966 : i32
      %dma_start3A_968 = arith.constant 3 : i32
      %dma_start3A_969 = arith.constant 0 : i32
      %dma_start3A_970 = arith.constant 0 : i32
      %dma_start3A_971 = tpu.memref_slice %arg5[%dma_start3A_968, %dma_start3A_969, %dma_start3A_970] : memref<4x2x128xi32, #tpu.memory_space<vmem>> -> memref<1x2x128xi32, #tpu.memory_space<vmem>>
      %dma_start3A_972 = tpu.memref_squeeze %dma_start3A_971 : memref<1x2x128xi32, #tpu.memory_space<vmem>> -> memref<2x128xi32, #tpu.memory_space<vmem>>
      %dma_start3A_973 = arith.constant 0 : i32
      %dma_start3A_974 = tpu.memref_slice %arg2[%add3A_963, %mul3A_965, %dma_start3A_973] : memref<128x32x128xi32, #tpu.memory_space<hbm>> -> memref<1x2x128xi32, #tpu.memory_space<hbm>>
      %dma_start3A_975 = tpu.memref_squeeze %dma_start3A_974 : memref<1x2x128xi32, #tpu.memory_space<hbm>> -> memref<2x128xi32, #tpu.memory_space<hbm>>
      %dma_start3A_976 = arith.constant 0 : i32
      %dma_start3A_977 = arith.constant 0 : i32
      %dma_start3A_978 = tpu.memref_slice %arg5[%dma_start3A_968, %dma_start3A_976, %dma_start3A_977] : memref<4x2x128xi32, #tpu.memory_space<vmem>> -> memref<1x2x128xi32, #tpu.memory_space<vmem>>
      %dma_start3A_979 = tpu.memref_squeeze %dma_start3A_978 : memref<1x2x128xi32, #tpu.memory_space<vmem>> -> memref<2x128xi32, #tpu.memory_space<vmem>>
      %dma_start3A_980 = arith.constant 0 : i32
      %dma_start3A_981 = tpu.memref_slice %arg2[%add3A_963, %mul3A_965, %dma_start3A_980] : memref<128x32x128xi32, #tpu.memory_space<hbm>> -> memref<1x2x128xi32, #tpu.memory_space<hbm>>
      %dma_start3A_982 = tpu.memref_squeeze %dma_start3A_981 : memref<1x2x128xi32, #tpu.memory_space<hbm>> -> memref<2x128xi32, #tpu.memory_space<hbm>>
      tpu.enqueue_dma source(%dma_start3A_982 : memref<2x128xi32, #tpu.memory_space<hbm>>) target(%dma_start3A_979 : memref<2x128xi32, #tpu.memory_space<vmem>>) target_semaphore(%arg14 : memref<!tpu.dma_semaphore, #tpu.memory_space<semaphore_mem>>)
      %dma_start3A_983 = arith.constant 3 : i32
      %dma_start3A_984 = arith.constant 0 : i32
      %dma_start3A_985 = arith.constant 0 : i32
      %dma_start3A_986 = tpu.memref_slice %arg6[%dma_start3A_983, %dma_start3A_984, %dma_start3A_985] : memref<4x2x128xf32, #tpu.memory_space<vmem>> -> memref<1x2x128xf32, #tpu.memory_space<vmem>>
      %dma_start3A_987 = tpu.memref_squeeze %dma_start3A_986 : memref<1x2x128xf32, #tpu.memory_space<vmem>> -> memref<2x128xf32, #tpu.memory_space<vmem>>
      %dma_start3A_988 = arith.constant 0 : i32
      %dma_start3A_989 = tpu.memref_slice %arg3[%add3A_963, %mul3A_967, %dma_start3A_988] : memref<128x32x128xf32, #tpu.memory_space<hbm>> -> memref<1x2x128xf32, #tpu.memory_space<hbm>>
      %dma_start3A_990 = tpu.memref_squeeze %dma_start3A_989 : memref<1x2x128xf32, #tpu.memory_space<hbm>> -> memref<2x128xf32, #tpu.memory_space<hbm>>
      %dma_start3A_991 = arith.constant 0 : i32
      %dma_start3A_992 = arith.constant 0 : i32
      %dma_start3A_993 = tpu.memref_slice %arg6[%dma_start3A_983, %dma_start3A_991, %dma_start3A_992] : memref<4x2x128xf32, #tpu.memory_space<vmem>> -> memref<1x2x128xf32, #tpu.memory_space<vmem>>
      %dma_start3A_994 = tpu.memref_squeeze %dma_start3A_993 : memref<1x2x128xf32, #tpu.memory_space<vmem>> -> memref<2x128xf32, #tpu.memory_space<vmem>>
      %dma_start3A_995 = arith.constant 0 : i32
      %dma_start3A_996 = tpu.memref_slice %arg3[%add3A_963, %mul3A_967, %dma_start3A_995] : memref<128x32x128xf32, #tpu.memory_space<hbm>> -> memref<1x2x128xf32, #tpu.memory_space<hbm>>
      %dma_start3A_997 = tpu.memref_squeeze %dma_start3A_996 : memref<1x2x128xf32, #tpu.memory_space<hbm>> -> memref<2x128xf32, #tpu.memory_space<hbm>>
      tpu.enqueue_dma source(%dma_start3A_997 : memref<2x128xf32, #tpu.memory_space<hbm>>) target(%dma_start3A_994 : memref<2x128xf32, #tpu.memory_space<vmem>>) target_semaphore(%arg14 : memref<!tpu.dma_semaphore, #tpu.memory_space<semaphore_mem>>)
      %get3A_998 = arith.constant 2 : i32
      %get3A_999 = arith.constant 0 : i32
      %get3A_1000 = arith.index_cast %get3A_998 : i32 to index
      %get3A_1001 = arith.index_cast %get3A_999 : i32 to index
      %get3A_1002 = arith.constant 0 : index
      %get3A_1003 = tpu.vector_load %arg6[%get3A_1000, %get3A_1001, %get3A_1002] {strides = array<i32>} : memref<4x2x128xf32, #tpu.memory_space<vmem>>, vector<1x1x16xf32>,
      %get3A_1004 = vector.shape_cast %get3A_1003 : vector<1x1x16xf32> to vector<16xf32>
      %neg3A_1005 = arith.constant 0.000000e+00 : f32
      %neg3A_1006 = vector.broadcast %neg3A_1005 : f32 to vector<16xf32>
      %neg3A_1007 = arith.subf %neg3A_1006, %get3A_1004 : vector<16xf32>
      %swap3A_1008 = arith.constant 2 : i32
      %swap3A_1009 = arith.constant 0 : i32
      %swap3A_1010 = arith.index_cast %swap3A_1008 : i32 to index
      %swap3A_1011 = arith.index_cast %swap3A_1009 : i32 to index
      %swap3A_1012 = arith.constant 0 : index
      %swap3A_1013 = tpu.vector_load %arg7[%swap3A_1010, %swap3A_1011, %swap3A_1012] {strides = array<i32>} : memref<4x2x128xf32, #tpu.memory_space<vmem>>, vector<1x1x16xf32>,
      %swap3A_1014 = vector.shape_cast %swap3A_1013 : vector<1x1x16xf32> to vector<16xf32>
      %swap3A_1015 = vector.shape_cast %neg3A_1007 : vector<16xf32> to vector<1x1x16xf32>
      tpu.vector_store %arg7[%swap3A_1010, %swap3A_1011, %swap3A_1012], %swap3A_1015 {strides = array<i32>} : memref<4x2x128xf32, #tpu.memory_space<vmem>>, vector<1x1x16xf32>,
      %get3A_1016 = arith.constant 2 : i32
      %get3A_1017 = arith.constant 0 : i32
      %get3A_1018 = arith.index_cast %get3A_1016 : i32 to index
      %get3A_1019 = arith.index_cast %get3A_1017 : i32 to index
      %get3A_1020 = arith.constant 16 : index
      %get3A_1021 = tpu.vector_load %arg6[%get3A_1018, %get3A_1019, %get3A_1020] {strides = array<i32>} : memref<4x2x128xf32, #tpu.memory_space<vmem>>, vector<1x1x16xf32>,
      %get3A_1022 = vector.shape_cast %get3A_1021 : vector<1x1x16xf32> to vector<16xf32>
      %neg3A_1023 = arith.constant 0.000000e+00 : f32
      %neg3A_1024 = vector.broadcast %neg3A_1023 : f32 to vector<16xf32>
      %neg3A_1025 = arith.subf %neg3A_1024, %get3A_1022 : vector<16xf32>
      %swap3A_1026 = arith.constant 2 : i32
      %swap3A_1027 = arith.constant 0 : i32
      %swap3A_1028 = arith.index_cast %swap3A_1026 : i32 to index
      %swap3A_1029 = arith.index_cast %swap3A_1027 : i32 to index
      %swap3A_1030 = arith.constant 16 : index
      %swap3A_1031 = tpu.vector_load %arg7[%swap3A_1028, %swap3A_1029, %swap3A_1030] {strides = array<i32>} : memref<4x2x128xf32, #tpu.memory_space<vmem>>, vector<1x1x16xf32>,
      %swap3A_1032 = vector.shape_cast %swap3A_1031 : vector<1x1x16xf32> to vector<16xf32>
      %swap3A_1033 = vector.shape_cast %neg3A_1025 : vector<16xf32> to vector<1x1x16xf32>
      tpu.vector_store %arg7[%swap3A_1028, %swap3A_1029, %swap3A_1030], %swap3A_1033 {strides = array<i32>} : memref<4x2x128xf32, #tpu.memory_space<vmem>>, vector<1x1x16xf32>,
      %get3A_1034 = arith.constant 2 : i32
      %get3A_1035 = arith.constant 0 : i32
      %get3A_1036 = arith.index_cast %get3A_1034 : i32 to index
      %get3A_1037 = arith.index_cast %get3A_1035 : i32 to index
      %get3A_1038 = arith.constant 32 : index
      %get3A_1039 = tpu.vector_load %arg6[%get3A_1036, %get3A_1037, %get3A_1038] {strides = array<i32>} : memref<4x2x128xf32, #tpu.memory_space<vmem>>, vector<1x1x16xf32>,
      %get3A_1040 = vector.shape_cast %get3A_1039 : vector<1x1x16xf32> to vector<16xf32>
      %neg3A_1041 = arith.constant 0.000000e+00 : f32
      %neg3A_1042 = vector.broadcast %neg3A_1041 : f32 to vector<16xf32>
      %neg3A_1043 = arith.subf %neg3A_1042, %get3A_1040 : vector<16xf32>
      %swap3A_1044 = arith.constant 2 : i32
      %swap3A_1045 = arith.constant 0 : i32
      %swap3A_1046 = arith.index_cast %swap3A_1044 : i32 to index
      %swap3A_1047 = arith.index_cast %swap3A_1045 : i32 to index
      %swap3A_1048 = arith.constant 32 : index
      %swap3A_1049 = tpu.vector_load %arg7[%swap3A_1046, %swap3A_1047, %swap3A_1048] {strides = array<i32>} : memref<4x2x128xf32, #tpu.memory_space<vmem>>, vector<1x1x16xf32>,
      %swap3A_1050 = vector.shape_cast %swap3A_1049 : vector<1x1x16xf32> to vector<16xf32>
      %swap3A_1051 = vector.shape_cast %neg3A_1043 : vector<16xf32> to vector<1x1x16xf32>
      tpu.vector_store %arg7[%swap3A_1046, %swap3A_1047, %swap3A_1048], %swap3A_1051 {strides = array<i32>} : memref<4x2x128xf32, #tpu.memory_space<vmem>>, vector<1x1x16xf32>,
      %get3A_1052 = arith.constant 2 : i32
      %get3A_1053 = arith.constant 0 : i32
      %get3A_1054 = arith.index_cast %get3A_1052 : i32 to index
      %get3A_1055 = arith.index_cast %get3A_1053 : i32 to index
      %get3A_1056 = arith.constant 48 : index
      %get3A_1057 = tpu.vector_load %arg6[%get3A_1054, %get3A_1055, %get3A_1056] {strides = array<i32>} : memref<4x2x128xf32, #tpu.memory_space<vmem>>, vector<1x1x16xf32>,
      %get3A_1058 = vector.shape_cast %get3A_1057 : vector<1x1x16xf32> to vector<16xf32>
      %neg3A_1059 = arith.constant 0.000000e+00 : f32
      %neg3A_1060 = vector.broadcast %neg3A_1059 : f32 to vector<16xf32>
      %neg3A_1061 = arith.subf %neg3A_1060, %get3A_1058 : vector<16xf32>
      %swap3A_1062 = arith.constant 2 : i32
      %swap3A_1063 = arith.constant 0 : i32
      %swap3A_1064 = arith.index_cast %swap3A_1062 : i32 to index
      %swap3A_1065 = arith.index_cast %swap3A_1063 : i32 to index
      %swap3A_1066 = arith.constant 48 : index
      %swap3A_1067 = tpu.vector_load %arg7[%swap3A_1064, %swap3A_1065, %swap3A_1066] {strides = array<i32>} : memref<4x2x128xf32, #tpu.memory_space<vmem>>, vector<1x1x16xf32>,
      %swap3A_1068 = vector.shape_cast %swap3A_1067 : vector<1x1x16xf32> to vector<16xf32>
      %swap3A_1069 = vector.shape_cast %neg3A_1061 : vector<16xf32> to vector<1x1x16xf32>
      tpu.vector_store %arg7[%swap3A_1064, %swap3A_1065, %swap3A_1066], %swap3A_1069 {strides = array<i32>} : memref<4x2x128xf32, #tpu.memory_space<vmem>>, vector<1x1x16xf32>,
      %get3A_1070 = arith.constant 2 : i32
      %get3A_1071 = arith.constant 0 : i32
      %get3A_1072 = arith.index_cast %get3A_1070 : i32 to index
      %get3A_1073 = arith.index_cast %get3A_1071 : i32 to index
      %get3A_1074 = arith.constant 64 : index
      %get3A_1075 = tpu.vector_load %arg6[%get3A_1072, %get3A_1073, %get3A_1074] {strides = array<i32>} : memref<4x2x128xf32, #tpu.memory_space<vmem>>, vector<1x1x16xf32>,
      %get3A_1076 = vector.shape_cast %get3A_1075 : vector<1x1x16xf32> to vector<16xf32>
      %neg3A_1077 = arith.constant 0.000000e+00 : f32
      %neg3A_1078 = vector.broadcast %neg3A_1077 : f32 to vector<16xf32>
      %neg3A_1079 = arith.subf %neg3A_1078, %get3A_1076 : vector<16xf32>
      %swap3A_1080 = arith.constant 2 : i32
      %swap3A_1081 = arith.constant 0 : i32
      %swap3A_1082 = arith.index_cast %swap3A_1080 : i32 to index
      %swap3A_1083 = arith.index_cast %swap3A_1081 : i32 to index
      %swap3A_1084 = arith.constant 64 : index
      %swap3A_1085 = tpu.vector_load %arg7[%swap3A_1082, %swap3A_1083, %swap3A_1084] {strides = array<i32>} : memref<4x2x128xf32, #tpu.memory_space<vmem>>, vector<1x1x16xf32>,
      %swap3A_1086 = vector.shape_cast %swap3A_1085 : vector<1x1x16xf32> to vector<16xf32>
      %swap3A_1087 = vector.shape_cast %neg3A_1079 : vector<16xf32> to vector<1x1x16xf32>
      tpu.vector_store %arg7[%swap3A_1082, %swap3A_1083, %swap3A_1084], %swap3A_1087 {strides = array<i32>} : memref<4x2x128xf32, #tpu.memory_space<vmem>>, vector<1x1x16xf32>,
      %get3A_1088 = arith.constant 2 : i32
      %get3A_1089 = arith.constant 0 : i32
      %get3A_1090 = arith.index_cast %get3A_1088 : i32 to index
      %get3A_1091 = arith.index_cast %get3A_1089 : i32 to index
      %get3A_1092 = arith.constant 80 : index
      %get3A_1093 = tpu.vector_load %arg6[%get3A_1090, %get3A_1091, %get3A_1092] {strides = array<i32>} : memref<4x2x128xf32, #tpu.memory_space<vmem>>, vector<1x1x16xf32>,
      %get3A_1094 = vector.shape_cast %get3A_1093 : vector<1x1x16xf32> to vector<16xf32>
      %neg3A_1095 = arith.constant 0.000000e+00 : f32
      %neg3A_1096 = vector.broadcast %neg3A_1095 : f32 to vector<16xf32>
      %neg3A_1097 = arith.subf %neg3A_1096, %get3A_1094 : vector<16xf32>
      %swap3A_1098 = arith.constant 2 : i32
      %swap3A_1099 = arith.constant 0 : i32
      %swap3A_1100 = arith.index_cast %swap3A_1098 : i32 to index
      %swap3A_1101 = arith.index_cast %swap3A_1099 : i32 to index
      %swap3A_1102 = arith.constant 80 : index
      %swap3A_1103 = tpu.vector_load %arg7[%swap3A_1100, %swap3A_1101, %swap3A_1102] {strides = array<i32>} : memref<4x2x128xf32, #tpu.memory_space<vmem>>, vector<1x1x16xf32>,
      %swap3A_1104 = vector.shape_cast %swap3A_1103 : vector<1x1x16xf32> to vector<16xf32>
      %swap3A_1105 = vector.shape_cast %neg3A_1097 : vector<16xf32> to vector<1x1x16xf32>
      tpu.vector_store %arg7[%swap3A_1100, %swap3A_1101, %swap3A_1102], %swap3A_1105 {strides = array<i32>} : memref<4x2x128xf32, #tpu.memory_space<vmem>>, vector<1x1x16xf32>,
      %get3A_1106 = arith.constant 2 : i32
      %get3A_1107 = arith.constant 0 : i32
      %get3A_1108 = arith.index_cast %get3A_1106 : i32 to index
      %get3A_1109 = arith.index_cast %get3A_1107 : i32 to index
      %get3A_1110 = arith.constant 96 : index
      %get3A_1111 = tpu.vector_load %arg6[%get3A_1108, %get3A_1109, %get3A_1110] {strides = array<i32>} : memref<4x2x128xf32, #tpu.memory_space<vmem>>, vector<1x1x16xf32>,
      %get3A_1112 = vector.shape_cast %get3A_1111 : vector<1x1x16xf32> to vector<16xf32>
      %neg3A_1113 = arith.constant 0.000000e+00 : f32
      %neg3A_1114 = vector.broadcast %neg3A_1113 : f32 to vector<16xf32>
      %neg3A_1115 = arith.subf %neg3A_1114, %get3A_1112 : vector<16xf32>
      %swap3A_1116 = arith.constant 2 : i32
      %swap3A_1117 = arith.constant 0 : i32
      %swap3A_1118 = arith.index_cast %swap3A_1116 : i32 to index
      %swap3A_1119 = arith.index_cast %swap3A_1117 : i32 to index
      %swap3A_1120 = arith.constant 96 : index
      %swap3A_1121 = tpu.vector_load %arg7[%swap3A_1118, %swap3A_1119, %swap3A_1120] {strides = array<i32>} : memref<4x2x128xf32, #tpu.memory_space<vmem>>, vector<1x1x16xf32>,
      %swap3A_1122 = vector.shape_cast %swap3A_1121 : vector<1x1x16xf32> to vector<16xf32>
      %swap3A_1123 = vector.shape_cast %neg3A_1115 : vector<16xf32> to vector<1x1x16xf32>
      tpu.vector_store %arg7[%swap3A_1118, %swap3A_1119, %swap3A_1120], %swap3A_1123 {strides = array<i32>} : memref<4x2x128xf32, #tpu.memory_space<vmem>>, vector<1x1x16xf32>,
      %get3A_1124 = arith.constant 2 : i32
      %get3A_1125 = arith.constant 0 : i32
      %get3A_1126 = arith.index_cast %get3A_1124 : i32 to index
      %get3A_1127 = arith.index_cast %get3A_1125 : i32 to index
      %get3A_1128 = arith.constant 112 : index
      %get3A_1129 = tpu.vector_load %arg6[%get3A_1126, %get3A_1127, %get3A_1128] {strides = array<i32>} : memref<4x2x128xf32, #tpu.memory_space<vmem>>, vector<1x1x16xf32>,
      %get3A_1130 = vector.shape_cast %get3A_1129 : vector<1x1x16xf32> to vector<16xf32>
      %neg3A_1131 = arith.constant 0.000000e+00 : f32
      %neg3A_1132 = vector.broadcast %neg3A_1131 : f32 to vector<16xf32>
      %neg3A_1133 = arith.subf %neg3A_1132, %get3A_1130 : vector<16xf32>
      %swap3A_1134 = arith.constant 2 : i32
      %swap3A_1135 = arith.constant 0 : i32
      %swap3A_1136 = arith.index_cast %swap3A_1134 : i32 to index
      %swap3A_1137 = arith.index_cast %swap3A_1135 : i32 to index
      %swap3A_1138 = arith.constant 112 : index
      %swap3A_1139 = tpu.vector_load %arg7[%swap3A_1136, %swap3A_1137, %swap3A_1138] {strides = array<i32>} : memref<4x2x128xf32, #tpu.memory_space<vmem>>, vector<1x1x16xf32>,
      %swap3A_1140 = vector.shape_cast %swap3A_1139 : vector<1x1x16xf32> to vector<16xf32>
      %swap3A_1141 = vector.shape_cast %neg3A_1133 : vector<16xf32> to vector<1x1x16xf32>
      tpu.vector_store %arg7[%swap3A_1136, %swap3A_1137, %swap3A_1138], %swap3A_1141 {strides = array<i32>} : memref<4x2x128xf32, #tpu.memory_space<vmem>>, vector<1x1x16xf32>,
      %get3A_1142 = arith.constant 2 : i32
      %get3A_1143 = arith.constant 1 : i32
      %get3A_1144 = arith.index_cast %get3A_1142 : i32 to index
      %get3A_1145 = arith.index_cast %get3A_1143 : i32 to index
      %get3A_1146 = arith.constant 0 : index
      %get3A_1147 = tpu.vector_load %arg6[%get3A_1144, %get3A_1145, %get3A_1146] {strides = array<i32>} : memref<4x2x128xf32, #tpu.memory_space<vmem>>, vector<1x1x16xf32>,
      %get3A_1148 = vector.shape_cast %get3A_1147 : vector<1x1x16xf32> to vector<16xf32>
      %neg3A_1149 = arith.constant 0.000000e+00 : f32
      %neg3A_1150 = vector.broadcast %neg3A_1149 : f32 to vector<16xf32>
      %neg3A_1151 = arith.subf %neg3A_1150, %get3A_1148 : vector<16xf32>
      %swap3A_1152 = arith.constant 2 : i32
      %swap3A_1153 = arith.constant 1 : i32
      %swap3A_1154 = arith.index_cast %swap3A_1152 : i32 to index
      %swap3A_1155 = arith.index_cast %swap3A_1153 : i32 to index
      %swap3A_1156 = arith.constant 0 : index
      %swap3A_1157 = tpu.vector_load %arg7[%swap3A_1154, %swap3A_1155, %swap3A_1156] {strides = array<i32>} : memref<4x2x128xf32, #tpu.memory_space<vmem>>, vector<1x1x16xf32>,
      %swap3A_1158 = vector.shape_cast %swap3A_1157 : vector<1x1x16xf32> to vector<16xf32>
      %swap3A_1159 = vector.shape_cast %neg3A_1151 : vector<16xf32> to vector<1x1x16xf32>
      tpu.vector_store %arg7[%swap3A_1154, %swap3A_1155, %swap3A_1156], %swap3A_1159 {strides = array<i32>} : memref<4x2x128xf32, #tpu.memory_space<vmem>>, vector<1x1x16xf32>,
      %get3A_1160 = arith.constant 2 : i32
      %get3A_1161 = arith.constant 1 : i32
      %get3A_1162 = arith.index_cast %get3A_1160 : i32 to index
      %get3A_1163 = arith.index_cast %get3A_1161 : i32 to index
      %get3A_1164 = arith.constant 16 : index
      %get3A_1165 = tpu.vector_load %arg6[%get3A_1162, %get3A_1163, %get3A_1164] {strides = array<i32>} : memref<4x2x128xf32, #tpu.memory_space<vmem>>, vector<1x1x16xf32>,
      %get3A_1166 = vector.shape_cast %get3A_1165 : vector<1x1x16xf32> to vector<16xf32>
      %neg3A_1167 = arith.constant 0.000000e+00 : f32
      %neg3A_1168 = vector.broadcast %neg3A_1167 : f32 to vector<16xf32>
      %neg3A_1169 = arith.subf %neg3A_1168, %get3A_1166 : vector<16xf32>
      %swap3A_1170 = arith.constant 2 : i32
      %swap3A_1171 = arith.constant 1 : i32
      %swap3A_1172 = arith.index_cast %swap3A_1170 : i32 to index
      %swap3A_1173 = arith.index_cast %swap3A_1171 : i32 to index
      %swap3A_1174 = arith.constant 16 : index
      %swap3A_1175 = tpu.vector_load %arg7[%swap3A_1172, %swap3A_1173, %swap3A_1174] {strides = array<i32>} : memref<4x2x128xf32, #tpu.memory_space<vmem>>, vector<1x1x16xf32>,
      %swap3A_1176 = vector.shape_cast %swap3A_1175 : vector<1x1x16xf32> to vector<16xf32>
      %swap3A_1177 = vector.shape_cast %neg3A_1169 : vector<16xf32> to vector<1x1x16xf32>
      tpu.vector_store %arg7[%swap3A_1172, %swap3A_1173, %swap3A_1174], %swap3A_1177 {strides = array<i32>} : memref<4x2x128xf32, #tpu.memory_space<vmem>>, vector<1x1x16xf32>,
      %get3A_1178 = arith.constant 2 : i32
      %get3A_1179 = arith.constant 1 : i32
      %get3A_1180 = arith.index_cast %get3A_1178 : i32 to index
      %get3A_1181 = arith.index_cast %get3A_1179 : i32 to index
      %get3A_1182 = arith.constant 32 : index
      %get3A_1183 = tpu.vector_load %arg6[%get3A_1180, %get3A_1181, %get3A_1182] {strides = array<i32>} : memref<4x2x128xf32, #tpu.memory_space<vmem>>, vector<1x1x16xf32>,
      %get3A_1184 = vector.shape_cast %get3A_1183 : vector<1x1x16xf32> to vector<16xf32>
      %neg3A_1185 = arith.constant 0.000000e+00 : f32
      %neg3A_1186 = vector.broadcast %neg3A_1185 : f32 to vector<16xf32>
      %neg3A_1187 = arith.subf %neg3A_1186, %get3A_1184 : vector<16xf32>
      %swap3A_1188 = arith.constant 2 : i32
      %swap3A_1189 = arith.constant 1 : i32
      %swap3A_1190 = arith.index_cast %swap3A_1188 : i32 to index
      %swap3A_1191 = arith.index_cast %swap3A_1189 : i32 to index
      %swap3A_1192 = arith.constant 32 : index
      %swap3A_1193 = tpu.vector_load %arg7[%swap3A_1190, %swap3A_1191, %swap3A_1192] {strides = array<i32>} : memref<4x2x128xf32, #tpu.memory_space<vmem>>, vector<1x1x16xf32>,
      %swap3A_1194 = vector.shape_cast %swap3A_1193 : vector<1x1x16xf32> to vector<16xf32>
      %swap3A_1195 = vector.shape_cast %neg3A_1187 : vector<16xf32> to vector<1x1x16xf32>
      tpu.vector_store %arg7[%swap3A_1190, %swap3A_1191, %swap3A_1192], %swap3A_1195 {strides = array<i32>} : memref<4x2x128xf32, #tpu.memory_space<vmem>>, vector<1x1x16xf32>,
      %get3A_1196 = arith.constant 2 : i32
      %get3A_1197 = arith.constant 1 : i32
      %get3A_1198 = arith.index_cast %get3A_1196 : i32 to index
      %get3A_1199 = arith.index_cast %get3A_1197 : i32 to index
      %get3A_1200 = arith.constant 48 : index
      %get3A_1201 = tpu.vector_load %arg6[%get3A_1198, %get3A_1199, %get3A_1200] {strides = array<i32>} : memref<4x2x128xf32, #tpu.memory_space<vmem>>, vector<1x1x16xf32>,
      %get3A_1202 = vector.shape_cast %get3A_1201 : vector<1x1x16xf32> to vector<16xf32>
      %neg3A_1203 = arith.constant 0.000000e+00 : f32
      %neg3A_1204 = vector.broadcast %neg3A_1203 : f32 to vector<16xf32>
      %neg3A_1205 = arith.subf %neg3A_1204, %get3A_1202 : vector<16xf32>
      %swap3A_1206 = arith.constant 2 : i32
      %swap3A_1207 = arith.constant 1 : i32
      %swap3A_1208 = arith.index_cast %swap3A_1206 : i32 to index
      %swap3A_1209 = arith.index_cast %swap3A_1207 : i32 to index
      %swap3A_1210 = arith.constant 48 : index
      %swap3A_1211 = tpu.vector_load %arg7[%swap3A_1208, %swap3A_1209, %swap3A_1210] {strides = array<i32>} : memref<4x2x128xf32, #tpu.memory_space<vmem>>, vector<1x1x16xf32>,
      %swap3A_1212 = vector.shape_cast %swap3A_1211 : vector<1x1x16xf32> to vector<16xf32>
      %swap3A_1213 = vector.shape_cast %neg3A_1205 : vector<16xf32> to vector<1x1x16xf32>
      tpu.vector_store %arg7[%swap3A_1208, %swap3A_1209, %swap3A_1210], %swap3A_1213 {strides = array<i32>} : memref<4x2x128xf32, #tpu.memory_space<vmem>>, vector<1x1x16xf32>,
      %get3A_1214 = arith.constant 2 : i32
      %get3A_1215 = arith.constant 1 : i32
      %get3A_1216 = arith.index_cast %get3A_1214 : i32 to index
      %get3A_1217 = arith.index_cast %get3A_1215 : i32 to index
      %get3A_1218 = arith.constant 64 : index
      %get3A_1219 = tpu.vector_load %arg6[%get3A_1216, %get3A_1217, %get3A_1218] {strides = array<i32>} : memref<4x2x128xf32, #tpu.memory_space<vmem>>, vector<1x1x16xf32>,
      %get3A_1220 = vector.shape_cast %get3A_1219 : vector<1x1x16xf32> to vector<16xf32>
      %neg3A_1221 = arith.constant 0.000000e+00 : f32
      %neg3A_1222 = vector.broadcast %neg3A_1221 : f32 to vector<16xf32>
      %neg3A_1223 = arith.subf %neg3A_1222, %get3A_1220 : vector<16xf32>
      %swap3A_1224 = arith.constant 2 : i32
      %swap3A_1225 = arith.constant 1 : i32
      %swap3A_1226 = arith.index_cast %swap3A_1224 : i32 to index
      %swap3A_1227 = arith.index_cast %swap3A_1225 : i32 to index
      %swap3A_1228 = arith.constant 64 : index
      %swap3A_1229 = tpu.vector_load %arg7[%swap3A_1226, %swap3A_1227, %swap3A_1228] {strides = array<i32>} : memref<4x2x128xf32, #tpu.memory_space<vmem>>, vector<1x1x16xf32>,
      %swap3A_1230 = vector.shape_cast %swap3A_1229 : vector<1x1x16xf32> to vector<16xf32>
      %swap3A_1231 = vector.shape_cast %neg3A_1223 : vector<16xf32> to vector<1x1x16xf32>
      tpu.vector_store %arg7[%swap3A_1226, %swap3A_1227, %swap3A_1228], %swap3A_1231 {strides = array<i32>} : memref<4x2x128xf32, #tpu.memory_space<vmem>>, vector<1x1x16xf32>,
      %get3A_1232 = arith.constant 2 : i32
      %get3A_1233 = arith.constant 1 : i32
      %get3A_1234 = arith.index_cast %get3A_1232 : i32 to index
      %get3A_1235 = arith.index_cast %get3A_1233 : i32 to index
      %get3A_1236 = arith.constant 80 : index
      %get3A_1237 = tpu.vector_load %arg6[%get3A_1234, %get3A_1235, %get3A_1236] {strides = array<i32>} : memref<4x2x128xf32, #tpu.memory_space<vmem>>, vector<1x1x16xf32>,
      %get3A_1238 = vector.shape_cast %get3A_1237 : vector<1x1x16xf32> to vector<16xf32>
      %neg3A_1239 = arith.constant 0.000000e+00 : f32
      %neg3A_1240 = vector.broadcast %neg3A_1239 : f32 to vector<16xf32>
      %neg3A_1241 = arith.subf %neg3A_1240, %get3A_1238 : vector<16xf32>
      %swap3A_1242 = arith.constant 2 : i32
      %swap3A_1243 = arith.constant 1 : i32
      %swap3A_1244 = arith.index_cast %swap3A_1242 : i32 to index
      %swap3A_1245 = arith.index_cast %swap3A_1243 : i32 to index
      %swap3A_1246 = arith.constant 80 : index
      %swap3A_1247 = tpu.vector_load %arg7[%swap3A_1244, %swap3A_1245, %swap3A_1246] {strides = array<i32>} : memref<4x2x128xf32, #tpu.memory_space<vmem>>, vector<1x1x16xf32>,
      %swap3A_1248 = vector.shape_cast %swap3A_1247 : vector<1x1x16xf32> to vector<16xf32>
      %swap3A_1249 = vector.shape_cast %neg3A_1241 : vector<16xf32> to vector<1x1x16xf32>
      tpu.vector_store %arg7[%swap3A_1244, %swap3A_1245, %swap3A_1246], %swap3A_1249 {strides = array<i32>} : memref<4x2x128xf32, #tpu.memory_space<vmem>>, vector<1x1x16xf32>,
      %get3A_1250 = arith.constant 2 : i32
      %get3A_1251 = arith.constant 1 : i32
      %get3A_1252 = arith.index_cast %get3A_1250 : i32 to index
      %get3A_1253 = arith.index_cast %get3A_1251 : i32 to index
      %get3A_1254 = arith.constant 96 : index
      %get3A_1255 = tpu.vector_load %arg6[%get3A_1252, %get3A_1253, %get3A_1254] {strides = array<i32>} : memref<4x2x128xf32, #tpu.memory_space<vmem>>, vector<1x1x16xf32>,
      %get3A_1256 = vector.shape_cast %get3A_1255 : vector<1x1x16xf32> to vector<16xf32>
      %neg3A_1257 = arith.constant 0.000000e+00 : f32
      %neg3A_1258 = vector.broadcast %neg3A_1257 : f32 to vector<16xf32>
      %neg3A_1259 = arith.subf %neg3A_1258, %get3A_1256 : vector<16xf32>
      %swap3A_1260 = arith.constant 2 : i32
      %swap3A_1261 = arith.constant 1 : i32
      %swap3A_1262 = arith.index_cast %swap3A_1260 : i32 to index
      %swap3A_1263 = arith.index_cast %swap3A_1261 : i32 to index
      %swap3A_1264 = arith.constant 96 : index
      %swap3A_1265 = tpu.vector_load %arg7[%swap3A_1262, %swap3A_1263, %swap3A_1264] {strides = array<i32>} : memref<4x2x128xf32, #tpu.memory_space<vmem>>, vector<1x1x16xf32>,
      %swap3A_1266 = vector.shape_cast %swap3A_1265 : vector<1x1x16xf32> to vector<16xf32>
      %swap3A_1267 = vector.shape_cast %neg3A_1259 : vector<16xf32> to vector<1x1x16xf32>
      tpu.vector_store %arg7[%swap3A_1262, %swap3A_1263, %swap3A_1264], %swap3A_1267 {strides = array<i32>} : memref<4x2x128xf32, #tpu.memory_space<vmem>>, vector<1x1x16xf32>,
      %get3A_1268 = arith.constant 2 : i32
      %get3A_1269 = arith.constant 1 : i32
      %get3A_1270 = arith.index_cast %get3A_1268 : i32 to index
      %get3A_1271 = arith.index_cast %get3A_1269 : i32 to index
      %get3A_1272 = arith.constant 112 : index
      %get3A_1273 = tpu.vector_load %arg6[%get3A_1270, %get3A_1271, %get3A_1272] {strides = array<i32>} : memref<4x2x128xf32, #tpu.memory_space<vmem>>, vector<1x1x16xf32>,
      %get3A_1274 = vector.shape_cast %get3A_1273 : vector<1x1x16xf32> to vector<16xf32>
      %neg3A_1275 = arith.constant 0.000000e+00 : f32
      %neg3A_1276 = vector.broadcast %neg3A_1275 : f32 to vector<16xf32>
      %neg3A_1277 = arith.subf %neg3A_1276, %get3A_1274 : vector<16xf32>
      %swap3A_1278 = arith.constant 2 : i32
      %swap3A_1279 = arith.constant 1 : i32
      %swap3A_1280 = arith.index_cast %swap3A_1278 : i32 to index
      %swap3A_1281 = arith.index_cast %swap3A_1279 : i32 to index
      %swap3A_1282 = arith.constant 112 : index
      %swap3A_1283 = tpu.vector_load %arg7[%swap3A_1280, %swap3A_1281, %swap3A_1282] {strides = array<i32>} : memref<4x2x128xf32, #tpu.memory_space<vmem>>, vector<1x1x16xf32>,
      %swap3A_1284 = vector.shape_cast %swap3A_1283 : vector<1x1x16xf32> to vector<16xf32>
      %swap3A_1285 = vector.shape_cast %neg3A_1277 : vector<16xf32> to vector<1x1x16xf32>
      tpu.vector_store %arg7[%swap3A_1280, %swap3A_1281, %swap3A_1282], %swap3A_1285 {strides = array<i32>} : memref<4x2x128xf32, #tpu.memory_space<vmem>>, vector<1x1x16xf32>,
      %cond3A_1286 = arith.constant 1 : i32
      %sub3A_1287 = arith.constant 2 : i32
      %sub3A_1288 = arith.subi %add3A_926, %sub3A_1287 : i32
      %mul3A_1289 = arith.constant 358400 : i32
      %mul3A_1290 = arith.muli %sub3A_1288, %mul3A_1289 : i32
      %mul3A_1291 = arith.constant 22400 : i32
      %mul3A_1292 = arith.muli %arg1, %mul3A_1291 : i32
      %add3A_1293 = arith.addi %mul3A_1290, %mul3A_1292 : i32
      %dma_wait3A_1294 = tpu.memref_slice %arg4[%add3A_1293] : memref<45875200xf32, #tpu.memory_space<hbm>> -> memref<22400xf32, #tpu.memory_space<hbm>>
      %dma_wait3A_1295 = tpu.memref_slice %arg9[%mul3A_0] : memref<358400xf32, #tpu.memory_space<vmem_shared>> -> memref<22400xf32, #tpu.memory_space<vmem_shared>>
      tpu.wait_dma2 semaphore(%arg15 : memref<!tpu.dma_semaphore, #tpu.memory_space<semaphore_mem>>) src(%dma_wait3A_1295 : memref<22400xf32, #tpu.memory_space<vmem_shared>>) dst(%dma_wait3A_1294 : memref<22400xf32, #tpu.memory_space<hbm>>)
      %barrier3A_1296 = arith.constant 0 : index
      tpu.barrier barrier_id(%barrier3A_1296)
      %cond3A_1297 = arith.constant 1 : i32
      %dma_start3A_1298 = arith.constant 0 : i32
      %dma_start3A_1299 = arith.constant 0 : i32
      %dma_start3A_1300 = arith.constant 0 : i32
      %dma_start3A_1301 = arith.constant 0 : i32
      %dma_start3A_1302 = arith.constant 0 : i32
      %dma_start3A_1303 = tpu.memref_slice %arg7[%dma_start3A_1298, %dma_start3A_1299, %dma_start3A_1302] : memref<4x2x128xf32, #tpu.memory_space<vmem>> -> memref<1x1x128xf32, #tpu.memory_space<vmem>>
      %dma_start3A_1304 = tpu.memref_squeeze %dma_start3A_1303 : memref<1x1x128xf32, #tpu.memory_space<vmem>> -> memref<128xf32, #tpu.memory_space<vmem>>
      %dma_start3A_1305 = arith.constant 0 : i32
      %dma_start3A_1306 = tpu.memref_slice %arg5[%dma_start3A_1300, %dma_start3A_1301, %dma_start3A_1305] : memref<4x2x128xi32, #tpu.memory_space<vmem>> -> memref<1x1x128xi32, #tpu.memory_space<vmem>>
      %dma_start3A_1307 = tpu.memref_squeeze %dma_start3A_1306 : memref<1x1x128xi32, #tpu.memory_space<vmem>> -> memref<128xi32, #tpu.memory_space<vmem>>
      %dma_start3A_1308 = arith.constant 0 : i32
      %dma_start3A_1309 = tpu.memref_slice %arg9[%dma_start3A_1308] : memref<358400xf32, #tpu.memory_space<vmem_shared>> -> memref<358400xf32, #tpu.memory_space<vmem_shared>>
      tpu.enqueue_indirect_dma source(%dma_start3A_1304 : memref<128xf32, #tpu.memory_space<vmem>>) target(%dma_start3A_1309 : memref<358400xf32, #tpu.memory_space<vmem_shared>>) offsets(%dma_start3A_1307 : memref<128xi32, #tpu.memory_space<vmem>>) semaphore(%arg18 : memref<!tpu.dma_semaphore, #tpu.memory_space<semaphore_mem>>) {add = true}
      %dma_start3A_1310 = arith.constant 0 : i32
      %dma_start3A_1311 = arith.constant 1 : i32
      %dma_start3A_1312 = arith.constant 0 : i32
      %dma_start3A_1313 = arith.constant 1 : i32
      %dma_start3A_1314 = arith.constant 0 : i32
      %dma_start3A_1315 = tpu.memref_slice %arg7[%dma_start3A_1310, %dma_start3A_1311, %dma_start3A_1314] : memref<4x2x128xf32, #tpu.memory_space<vmem>> -> memref<1x1x128xf32, #tpu.memory_space<vmem>>
      %dma_start3A_1316 = tpu.memref_squeeze %dma_start3A_1315 : memref<1x1x128xf32, #tpu.memory_space<vmem>> -> memref<128xf32, #tpu.memory_space<vmem>>
      %dma_start3A_1317 = arith.constant 0 : i32
      %dma_start3A_1318 = tpu.memref_slice %arg5[%dma_start3A_1312, %dma_start3A_1313, %dma_start3A_1317] : memref<4x2x128xi32, #tpu.memory_space<vmem>> -> memref<1x1x128xi32, #tpu.memory_space<vmem>>
      %dma_start3A_1319 = tpu.memref_squeeze %dma_start3A_1318 : memref<1x1x128xi32, #tpu.memory_space<vmem>> -> memref<128xi32, #tpu.memory_space<vmem>>
      %dma_start3A_1320 = arith.constant 0 : i32
      %dma_start3A_1321 = tpu.memref_slice %arg9[%dma_start3A_1320] : memref<358400xf32, #tpu.memory_space<vmem_shared>> -> memref<358400xf32, #tpu.memory_space<vmem_shared>>
      tpu.enqueue_indirect_dma source(%dma_start3A_1316 : memref<128xf32, #tpu.memory_space<vmem>>) target(%dma_start3A_1321 : memref<358400xf32, #tpu.memory_space<vmem_shared>>) offsets(%dma_start3A_1319 : memref<128xi32, #tpu.memory_space<vmem>>) semaphore(%arg18 : memref<!tpu.dma_semaphore, #tpu.memory_space<semaphore_mem>>) {add = true}
      %dma_start3A_1322 = arith.constant 2 : i32
      %dma_start3A_1323 = arith.constant 0 : i32
      %dma_start3A_1324 = arith.constant 2 : i32
      %dma_start3A_1325 = arith.constant 0 : i32
      %dma_start3A_1326 = arith.constant 0 : i32
      %dma_start3A_1327 = tpu.memref_slice %arg6[%dma_start3A_1322, %dma_start3A_1323, %dma_start3A_1326] : memref<4x2x128xf32, #tpu.memory_space<vmem>> -> memref<1x1x128xf32, #tpu.memory_space<vmem>>
      %dma_start3A_1328 = tpu.memref_squeeze %dma_start3A_1327 : memref<1x1x128xf32, #tpu.memory_space<vmem>> -> memref<128xf32, #tpu.memory_space<vmem>>
      %dma_start3A_1329 = arith.constant 0 : i32
      %dma_start3A_1330 = tpu.memref_slice %arg5[%dma_start3A_1324, %dma_start3A_1325, %dma_start3A_1329] : memref<4x2x128xi32, #tpu.memory_space<vmem>> -> memref<1x1x128xi32, #tpu.memory_space<vmem>>
      %dma_start3A_1331 = tpu.memref_squeeze %dma_start3A_1330 : memref<1x1x128xi32, #tpu.memory_space<vmem>> -> memref<128xi32, #tpu.memory_space<vmem>>
      %dma_start3A_1332 = arith.constant 0 : i32
      %dma_start3A_1333 = tpu.memref_slice %arg9[%dma_start3A_1332] : memref<358400xf32, #tpu.memory_space<vmem_shared>> -> memref<358400xf32, #tpu.memory_space<vmem_shared>>
      tpu.enqueue_indirect_dma source(%dma_start3A_1328 : memref<128xf32, #tpu.memory_space<vmem>>) target(%dma_start3A_1333 : memref<358400xf32, #tpu.memory_space<vmem_shared>>) offsets(%dma_start3A_1331 : memref<128xi32, #tpu.memory_space<vmem>>) semaphore(%arg17 : memref<!tpu.dma_semaphore, #tpu.memory_space<semaphore_mem>>) {add = true}
      %dma_start3A_1334 = arith.constant 2 : i32
      %dma_start3A_1335 = arith.constant 1 : i32
      %dma_start3A_1336 = arith.constant 2 : i32
      %dma_start3A_1337 = arith.constant 1 : i32
      %dma_start3A_1338 = arith.constant 0 : i32
      %dma_start3A_1339 = tpu.memref_slice %arg6[%dma_start3A_1334, %dma_start3A_1335, %dma_start3A_1338] : memref<4x2x128xf32, #tpu.memory_space<vmem>> -> memref<1x1x128xf32, #tpu.memory_space<vmem>>
      %dma_start3A_1340 = tpu.memref_squeeze %dma_start3A_1339 : memref<1x1x128xf32, #tpu.memory_space<vmem>> -> memref<128xf32, #tpu.memory_space<vmem>>
      %dma_start3A_1341 = arith.constant 0 : i32
      %dma_start3A_1342 = tpu.memref_slice %arg5[%dma_start3A_1336, %dma_start3A_1337, %dma_start3A_1341] : memref<4x2x128xi32, #tpu.memory_space<vmem>> -> memref<1x1x128xi32, #tpu.memory_space<vmem>>
      %dma_start3A_1343 = tpu.memref_squeeze %dma_start3A_1342 : memref<1x1x128xi32, #tpu.memory_space<vmem>> -> memref<128xi32, #tpu.memory_space<vmem>>
      %dma_start3A_1344 = arith.constant 0 : i32
      %dma_start3A_1345 = tpu.memref_slice %arg9[%dma_start3A_1344] : memref<358400xf32, #tpu.memory_space<vmem_shared>> -> memref<358400xf32, #tpu.memory_space<vmem_shared>>
      tpu.enqueue_indirect_dma source(%dma_start3A_1340 : memref<128xf32, #tpu.memory_space<vmem>>) target(%dma_start3A_1345 : memref<358400xf32, #tpu.memory_space<vmem_shared>>) offsets(%dma_start3A_1343 : memref<128xi32, #tpu.memory_space<vmem>>) semaphore(%arg17 : memref<!tpu.dma_semaphore, #tpu.memory_space<semaphore_mem>>) {add = true}
      %dma_wait3A_1346 = arith.constant 2 : i32
      %dma_wait3A_1347 = arith.constant 0 : i32
      %dma_wait3A_1348 = arith.constant 2 : i32
      %dma_wait3A_1349 = arith.constant 0 : i32
      %dma_wait3A_1350 = arith.constant 0 : i32
      %dma_wait3A_1351 = tpu.memref_slice %arg6[%dma_wait3A_1346, %dma_wait3A_1347, %dma_wait3A_1350] : memref<4x2x128xf32, #tpu.memory_space<vmem>> -> memref<1x1x128xf32, #tpu.memory_space<vmem>>
      %dma_wait3A_1352 = tpu.memref_squeeze %dma_wait3A_1351 : memref<1x1x128xf32, #tpu.memory_space<vmem>> -> memref<128xf32, #tpu.memory_space<vmem>>
      %dma_wait3A_1353 = arith.constant 0 : i32
      %dma_wait3A_1354 = tpu.memref_slice %arg5[%dma_wait3A_1348, %dma_wait3A_1349, %dma_wait3A_1353] : memref<4x2x128xi32, #tpu.memory_space<vmem>> -> memref<1x1x128xi32, #tpu.memory_space<vmem>>
      %dma_wait3A_1355 = tpu.memref_squeeze %dma_wait3A_1354 : memref<1x1x128xi32, #tpu.memory_space<vmem>> -> memref<128xi32, #tpu.memory_space<vmem>>
      %dma_wait3A_1356 = arith.constant 0 : i32
      %dma_wait3A_1357 = tpu.memref_slice %arg9[%dma_wait3A_1356] : memref<358400xf32, #tpu.memory_space<vmem_shared>> -> memref<358400xf32, #tpu.memory_space<vmem_shared>>
      tpu.wait_indirect_dma semaphore(%arg17 : memref<!tpu.dma_semaphore, #tpu.memory_space<semaphore_mem>>) src(%dma_wait3A_1352 : memref<128xf32, #tpu.memory_space<vmem>>) dst(%dma_wait3A_1357 : memref<358400xf32, #tpu.memory_space<vmem_shared>>)
      %dma_wait3A_1358 = arith.constant 2 : i32
      %dma_wait3A_1359 = arith.constant 1 : i32
      %dma_wait3A_1360 = arith.constant 2 : i32
      %dma_wait3A_1361 = arith.constant 1 : i32
      %dma_wait3A_1362 = arith.constant 0 : i32
      %dma_wait3A_1363 = tpu.memref_slice %arg6[%dma_wait3A_1358, %dma_wait3A_1359, %dma_wait3A_1362] : memref<4x2x128xf32, #tpu.memory_space<vmem>> -> memref<1x1x128xf32, #tpu.memory_space<vmem>>
      %dma_wait3A_1364 = tpu.memref_squeeze %dma_wait3A_1363 : memref<1x1x128xf32, #tpu.memory_space<vmem>> -> memref<128xf32, #tpu.memory_space<vmem>>
      %dma_wait3A_1365 = arith.constant 0 : i32
      %dma_wait3A_1366 = tpu.memref_slice %arg5[%dma_wait3A_1360, %dma_wait3A_1361, %dma_wait3A_1365] : memref<4x2x128xi32, #tpu.memory_space<vmem>> -> memref<1x1x128xi32, #tpu.memory_space<vmem>>
      %dma_wait3A_1367 = tpu.memref_squeeze %dma_wait3A_1366 : memref<1x1x128xi32, #tpu.memory_space<vmem>> -> memref<128xi32, #tpu.memory_space<vmem>>
      %dma_wait3A_1368 = arith.constant 0 : i32
      %dma_wait3A_1369 = tpu.memref_slice %arg9[%dma_wait3A_1368] : memref<358400xf32, #tpu.memory_space<vmem_shared>> -> memref<358400xf32, #tpu.memory_space<vmem_shared>>
      tpu.wait_indirect_dma semaphore(%arg17 : memref<!tpu.dma_semaphore, #tpu.memory_space<semaphore_mem>>) src(%dma_wait3A_1364 : memref<128xf32, #tpu.memory_space<vmem>>) dst(%dma_wait3A_1369 : memref<358400xf32, #tpu.memory_space<vmem_shared>>)
      %cond3A_1370 = arith.constant 1 : i32
      %dma_wait3A_1371 = arith.constant 0 : i32
      %dma_wait3A_1372 = arith.constant 0 : i32
      %dma_wait3A_1373 = arith.constant 0 : i32
      %dma_wait3A_1374 = arith.constant 0 : i32
      %dma_wait3A_1375 = arith.constant 0 : i32
      %dma_wait3A_1376 = tpu.memref_slice %arg7[%dma_wait3A_1371, %dma_wait3A_1372, %dma_wait3A_1375] : memref<4x2x128xf32, #tpu.memory_space<vmem>> -> memref<1x1x128xf32, #tpu.memory_space<vmem>>
      %dma_wait3A_1377 = tpu.memref_squeeze %dma_wait3A_1376 : memref<1x1x128xf32, #tpu.memory_space<vmem>> -> memref<128xf32, #tpu.memory_space<vmem>>
      %dma_wait3A_1378 = arith.constant 0 : i32
      %dma_wait3A_1379 = tpu.memref_slice %arg5[%dma_wait3A_1373, %dma_wait3A_1374, %dma_wait3A_1378] : memref<4x2x128xi32, #tpu.memory_space<vmem>> -> memref<1x1x128xi32, #tpu.memory_space<vmem>>
      %dma_wait3A_1380 = tpu.memref_squeeze %dma_wait3A_1379 : memref<1x1x128xi32, #tpu.memory_space<vmem>> -> memref<128xi32, #tpu.memory_space<vmem>>
      %dma_wait3A_1381 = arith.constant 0 : i32
      %dma_wait3A_1382 = tpu.memref_slice %arg9[%dma_wait3A_1381] : memref<358400xf32, #tpu.memory_space<vmem_shared>> -> memref<358400xf32, #tpu.memory_space<vmem_shared>>
      tpu.wait_indirect_dma semaphore(%arg18 : memref<!tpu.dma_semaphore, #tpu.memory_space<semaphore_mem>>) src(%dma_wait3A_1377 : memref<128xf32, #tpu.memory_space<vmem>>) dst(%dma_wait3A_1382 : memref<358400xf32, #tpu.memory_space<vmem_shared>>)
      %dma_wait3A_1383 = arith.constant 0 : i32
      %dma_wait3A_1384 = arith.constant 1 : i32
      %dma_wait3A_1385 = arith.constant 0 : i32
      %dma_wait3A_1386 = arith.constant 1 : i32
      %dma_wait3A_1387 = arith.constant 0 : i32
      %dma_wait3A_1388 = tpu.memref_slice %arg7[%dma_wait3A_1383, %dma_wait3A_1384, %dma_wait3A_1387] : memref<4x2x128xf32, #tpu.memory_space<vmem>> -> memref<1x1x128xf32, #tpu.memory_space<vmem>>
      %dma_wait3A_1389 = tpu.memref_squeeze %dma_wait3A_1388 : memref<1x1x128xf32, #tpu.memory_space<vmem>> -> memref<128xf32, #tpu.memory_space<vmem>>
      %dma_wait3A_1390 = arith.constant 0 : i32
      %dma_wait3A_1391 = tpu.memref_slice %arg5[%dma_wait3A_1385, %dma_wait3A_1386, %dma_wait3A_1390] : memref<4x2x128xi32, #tpu.memory_space<vmem>> -> memref<1x1x128xi32, #tpu.memory_space<vmem>>
      %dma_wait3A_1392 = tpu.memref_squeeze %dma_wait3A_1391 : memref<1x1x128xi32, #tpu.memory_space<vmem>> -> memref<128xi32, #tpu.memory_space<vmem>>
      %dma_wait3A_1393 = arith.constant 0 : i32
      %dma_wait3A_1394 = tpu.memref_slice %arg9[%dma_wait3A_1393] : memref<358400xf32, #tpu.memory_space<vmem_shared>> -> memref<358400xf32, #tpu.memory_space<vmem_shared>>
      tpu.wait_indirect_dma semaphore(%arg18 : memref<!tpu.dma_semaphore, #tpu.memory_space<semaphore_mem>>) src(%dma_wait3A_1389 : memref<128xf32, #tpu.memory_space<vmem>>) dst(%dma_wait3A_1394 : memref<358400xf32, #tpu.memory_space<vmem_shared>>)
      %barrier3A_1395 = arith.constant 0 : index
      tpu.barrier barrier_id(%barrier3A_1395)
      %mul3A_1396 = arith.constant 358400 : i32
      %mul3A_1397 = arith.muli %add3A_926, %mul3A_1396 : i32
      %mul3A_1398 = arith.constant 22400 : i32
      %mul3A_1399 = arith.muli %arg1, %mul3A_1398 : i32
      %add3A_1400 = arith.addi %mul3A_1397, %mul3A_1399 : i32
      %dma_start3A_1401 = tpu.memref_slice %arg4[%add3A_1400] : memref<45875200xf32, #tpu.memory_space<hbm>> -> memref<22400xf32, #tpu.memory_space<hbm>>
      %dma_start3A_1402 = tpu.memref_slice %arg9[%mul3A_0] : memref<358400xf32, #tpu.memory_space<vmem_shared>> -> memref<22400xf32, #tpu.memory_space<vmem_shared>>
      tpu.enqueue_dma source(%dma_start3A_1402 : memref<22400xf32, #tpu.memory_space<vmem_shared>>) target(%dma_start3A_1401 : memref<22400xf32, #tpu.memory_space<hbm>>) target_semaphore(%arg15 : memref<!tpu.dma_semaphore, #tpu.memory_space<semaphore_mem>>)
      %add3A_1403 = arith.constant 3 : i32
      %add3A_1404 = arith.addi %add3A_75, %add3A_1403 : i32
      %lt3A = arith.constant 15 : i32
      %lt3A_1405 = arith.cmpi slt, %scan3A_70, %lt3A : i32
      %mul3A_1406 = arith.constant 2 : i32
      %mul3A_1407 = arith.muli %arg1, %mul3A_1406 : i32
      %mul3A_1408 = arith.constant 2 : i32
      %mul3A_1409 = arith.muli %arg1, %mul3A_1408 : i32
      %dma_wait3A_1410 = arith.constant 3 : i32
      %dma_wait3A_1411 = arith.constant 0 : i32
      %dma_wait3A_1412 = arith.constant 0 : i32
      %dma_wait3A_1413 = tpu.memref_slice %arg5[%dma_wait3A_1410, %dma_wait3A_1411, %dma_wait3A_1412] : memref<4x2x128xi32, #tpu.memory_space<vmem>> -> memref<1x2x128xi32, #tpu.memory_space<vmem>>
      %dma_wait3A_1414 = tpu.memref_squeeze %dma_wait3A_1413 : memref<1x2x128xi32, #tpu.memory_space<vmem>> -> memref<2x128xi32, #tpu.memory_space<vmem>>
      %dma_wait3A_1415 = arith.constant 0 : i32
      %dma_wait3A_1416 = tpu.memref_slice %arg2[%add3A_1404, %mul3A_1407, %dma_wait3A_1415] : memref<128x32x128xi32, #tpu.memory_space<hbm>> -> memref<1x2x128xi32, #tpu.memory_space<hbm>>
      %dma_wait3A_1417 = tpu.memref_squeeze %dma_wait3A_1416 : memref<1x2x128xi32, #tpu.memory_space<hbm>> -> memref<2x128xi32, #tpu.memory_space<hbm>>
      %dma_wait3A_1418 = arith.constant 0 : i32
      %dma_wait3A_1419 = arith.constant 0 : i32
      %dma_wait3A_1420 = tpu.memref_slice %arg5[%dma_wait3A_1410, %dma_wait3A_1418, %dma_wait3A_1419] : memref<4x2x128xi32, #tpu.memory_space<vmem>> -> memref<1x2x128xi32, #tpu.memory_space<vmem>>
      %dma_wait3A_1421 = tpu.memref_squeeze %dma_wait3A_1420 : memref<1x2x128xi32, #tpu.memory_space<vmem>> -> memref<2x128xi32, #tpu.memory_space<vmem>>
      %dma_wait3A_1422 = arith.constant 0 : i32
      %dma_wait3A_1423 = tpu.memref_slice %arg2[%add3A_1404, %mul3A_1407, %dma_wait3A_1422] : memref<128x32x128xi32, #tpu.memory_space<hbm>> -> memref<1x2x128xi32, #tpu.memory_space<hbm>>
      %dma_wait3A_1424 = tpu.memref_squeeze %dma_wait3A_1423 : memref<1x2x128xi32, #tpu.memory_space<hbm>> -> memref<2x128xi32, #tpu.memory_space<hbm>>
      tpu.wait_dma2 semaphore(%arg14 : memref<!tpu.dma_semaphore, #tpu.memory_space<semaphore_mem>>) src(%dma_wait3A_1424 : memref<2x128xi32, #tpu.memory_space<hbm>>) dst(%dma_wait3A_1421 : memref<2x128xi32, #tpu.memory_space<vmem>>)
      %dma_wait3A_1425 = arith.constant 3 : i32
      %dma_wait3A_1426 = arith.constant 0 : i32
      %dma_wait3A_1427 = arith.constant 0 : i32
      %dma_wait3A_1428 = tpu.memref_slice %arg6[%dma_wait3A_1425, %dma_wait3A_1426, %dma_wait3A_1427] : memref<4x2x128xf32, #tpu.memory_space<vmem>> -> memref<1x2x128xf32, #tpu.memory_space<vmem>>
      %dma_wait3A_1429 = tpu.memref_squeeze %dma_wait3A_1428 : memref<1x2x128xf32, #tpu.memory_space<vmem>> -> memref<2x128xf32, #tpu.memory_space<vmem>>
      %dma_wait3A_1430 = arith.constant 0 : i32
      %dma_wait3A_1431 = tpu.memref_slice %arg3[%add3A_1404, %mul3A_1409, %dma_wait3A_1430] : memref<128x32x128xf32, #tpu.memory_space<hbm>> -> memref<1x2x128xf32, #tpu.memory_space<hbm>>
      %dma_wait3A_1432 = tpu.memref_squeeze %dma_wait3A_1431 : memref<1x2x128xf32, #tpu.memory_space<hbm>> -> memref<2x128xf32, #tpu.memory_space<hbm>>
      %dma_wait3A_1433 = arith.constant 0 : i32
      %dma_wait3A_1434 = arith.constant 0 : i32
      %dma_wait3A_1435 = tpu.memref_slice %arg6[%dma_wait3A_1425, %dma_wait3A_1433, %dma_wait3A_1434] : memref<4x2x128xf32, #tpu.memory_space<vmem>> -> memref<1x2x128xf32, #tpu.memory_space<vmem>>
      %dma_wait3A_1436 = tpu.memref_squeeze %dma_wait3A_1435 : memref<1x2x128xf32, #tpu.memory_space<vmem>> -> memref<2x128xf32, #tpu.memory_space<vmem>>
      %dma_wait3A_1437 = arith.constant 0 : i32
      %dma_wait3A_1438 = tpu.memref_slice %arg3[%add3A_1404, %mul3A_1409, %dma_wait3A_1437] : memref<128x32x128xf32, #tpu.memory_space<hbm>> -> memref<1x2x128xf32, #tpu.memory_space<hbm>>
      %dma_wait3A_1439 = tpu.memref_squeeze %dma_wait3A_1438 : memref<1x2x128xf32, #tpu.memory_space<hbm>> -> memref<2x128xf32, #tpu.memory_space<hbm>>
      tpu.wait_dma2 semaphore(%arg14 : memref<!tpu.dma_semaphore, #tpu.memory_space<semaphore_mem>>) src(%dma_wait3A_1439 : memref<2x128xf32, #tpu.memory_space<hbm>>) dst(%dma_wait3A_1436 : memref<2x128xf32, #tpu.memory_space<vmem>>)
      %convert_element_type3A_1440 = arith.extui %lt3A_1405 : i1 to i32
      %cond3A_1441 = arith.constant 0 : i32
      %cond3A_1442 = arith.cmpi ne, %convert_element_type3A_1440, %cond3A_1441 : i32
      scf.if %cond3A_1442 {
        %add3A_1848 = arith.constant 1 : i32
        %add3A_1849 = arith.addi %add3A_1404, %add3A_1848 : i32
        %mul3A_1850 = arith.constant 2 : i32
        %mul3A_1851 = arith.muli %arg1, %mul3A_1850 : i32
        %mul3A_1852 = arith.constant 2 : i32
        %mul3A_1853 = arith.muli %arg1, %mul3A_1852 : i32
        %dma_start3A_1854 = arith.constant 0 : i32
        %dma_start3A_1855 = arith.constant 0 : i32
        %dma_start3A_1856 = arith.constant 0 : i32
        %dma_start3A_1857 = tpu.memref_slice %arg5[%dma_start3A_1854, %dma_start3A_1855, %dma_start3A_1856] : memref<4x2x128xi32, #tpu.memory_space<vmem>> -> memref<1x2x128xi32, #tpu.memory_space<vmem>>
        %dma_start3A_1858 = tpu.memref_squeeze %dma_start3A_1857 : memref<1x2x128xi32, #tpu.memory_space<vmem>> -> memref<2x128xi32, #tpu.memory_space<vmem>>
        %dma_start3A_1859 = arith.constant 0 : i32
        %dma_start3A_1860 = tpu.memref_slice %arg2[%add3A_1849, %mul3A_1851, %dma_start3A_1859] : memref<128x32x128xi32, #tpu.memory_space<hbm>> -> memref<1x2x128xi32, #tpu.memory_space<hbm>>
        %dma_start3A_1861 = tpu.memref_squeeze %dma_start3A_1860 : memref<1x2x128xi32, #tpu.memory_space<hbm>> -> memref<2x128xi32, #tpu.memory_space<hbm>>
        %dma_start3A_1862 = arith.constant 0 : i32
        %dma_start3A_1863 = arith.constant 0 : i32
        %dma_start3A_1864 = tpu.memref_slice %arg5[%dma_start3A_1854, %dma_start3A_1862, %dma_start3A_1863] : memref<4x2x128xi32, #tpu.memory_space<vmem>> -> memref<1x2x128xi32, #tpu.memory_space<vmem>>
        %dma_start3A_1865 = tpu.memref_squeeze %dma_start3A_1864 : memref<1x2x128xi32, #tpu.memory_space<vmem>> -> memref<2x128xi32, #tpu.memory_space<vmem>>
        %dma_start3A_1866 = arith.constant 0 : i32
        %dma_start3A_1867 = tpu.memref_slice %arg2[%add3A_1849, %mul3A_1851, %dma_start3A_1866] : memref<128x32x128xi32, #tpu.memory_space<hbm>> -> memref<1x2x128xi32, #tpu.memory_space<hbm>>
        %dma_start3A_1868 = tpu.memref_squeeze %dma_start3A_1867 : memref<1x2x128xi32, #tpu.memory_space<hbm>> -> memref<2x128xi32, #tpu.memory_space<hbm>>
        tpu.enqueue_dma source(%dma_start3A_1868 : memref<2x128xi32, #tpu.memory_space<hbm>>) target(%dma_start3A_1865 : memref<2x128xi32, #tpu.memory_space<vmem>>) target_semaphore(%arg11 : memref<!tpu.dma_semaphore, #tpu.memory_space<semaphore_mem>>)
        %dma_start3A_1869 = arith.constant 0 : i32
        %dma_start3A_1870 = arith.constant 0 : i32
        %dma_start3A_1871 = arith.constant 0 : i32
        %dma_start3A_1872 = tpu.memref_slice %arg6[%dma_start3A_1869, %dma_start3A_1870, %dma_start3A_1871] : memref<4x2x128xf32, #tpu.memory_space<vmem>> -> memref<1x2x128xf32, #tpu.memory_space<vmem>>
        %dma_start3A_1873 = tpu.memref_squeeze %dma_start3A_1872 : memref<1x2x128xf32, #tpu.memory_space<vmem>> -> memref<2x128xf32, #tpu.memory_space<vmem>>
        %dma_start3A_1874 = arith.constant 0 : i32
        %dma_start3A_1875 = tpu.memref_slice %arg3[%add3A_1849, %mul3A_1853, %dma_start3A_1874] : memref<128x32x128xf32, #tpu.memory_space<hbm>> -> memref<1x2x128xf32, #tpu.memory_space<hbm>>
        %dma_start3A_1876 = tpu.memref_squeeze %dma_start3A_1875 : memref<1x2x128xf32, #tpu.memory_space<hbm>> -> memref<2x128xf32, #tpu.memory_space<hbm>>
        %dma_start3A_1877 = arith.constant 0 : i32
        %dma_start3A_1878 = arith.constant 0 : i32
        %dma_start3A_1879 = tpu.memref_slice %arg6[%dma_start3A_1869, %dma_start3A_1877, %dma_start3A_1878] : memref<4x2x128xf32, #tpu.memory_space<vmem>> -> memref<1x2x128xf32, #tpu.memory_space<vmem>>
        %dma_start3A_1880 = tpu.memref_squeeze %dma_start3A_1879 : memref<1x2x128xf32, #tpu.memory_space<vmem>> -> memref<2x128xf32, #tpu.memory_space<vmem>>
        %dma_start3A_1881 = arith.constant 0 : i32
        %dma_start3A_1882 = tpu.memref_slice %arg3[%add3A_1849, %mul3A_1853, %dma_start3A_1881] : memref<128x32x128xf32, #tpu.memory_space<hbm>> -> memref<1x2x128xf32, #tpu.memory_space<hbm>>
        %dma_start3A_1883 = tpu.memref_squeeze %dma_start3A_1882 : memref<1x2x128xf32, #tpu.memory_space<hbm>> -> memref<2x128xf32, #tpu.memory_space<hbm>>
        tpu.enqueue_dma source(%dma_start3A_1883 : memref<2x128xf32, #tpu.memory_space<hbm>>) target(%dma_start3A_1880 : memref<2x128xf32, #tpu.memory_space<vmem>>) target_semaphore(%arg11 : memref<!tpu.dma_semaphore, #tpu.memory_space<semaphore_mem>>)
      } else {
      }
      %get3A_1443 = arith.constant 3 : i32
      %get3A_1444 = arith.constant 0 : i32
      %get3A_1445 = arith.index_cast %get3A_1443 : i32 to index
      %get3A_1446 = arith.index_cast %get3A_1444 : i32 to index
      %get3A_1447 = arith.constant 0 : index
      %get3A_1448 = tpu.vector_load %arg6[%get3A_1445, %get3A_1446, %get3A_1447] {strides = array<i32>} : memref<4x2x128xf32, #tpu.memory_space<vmem>>, vector<1x1x16xf32>,
      %get3A_1449 = vector.shape_cast %get3A_1448 : vector<1x1x16xf32> to vector<16xf32>
      %neg3A_1450 = arith.constant 0.000000e+00 : f32
      %neg3A_1451 = vector.broadcast %neg3A_1450 : f32 to vector<16xf32>
      %neg3A_1452 = arith.subf %neg3A_1451, %get3A_1449 : vector<16xf32>
      %swap3A_1453 = arith.constant 3 : i32
      %swap3A_1454 = arith.constant 0 : i32
      %swap3A_1455 = arith.index_cast %swap3A_1453 : i32 to index
      %swap3A_1456 = arith.index_cast %swap3A_1454 : i32 to index
      %swap3A_1457 = arith.constant 0 : index
      %swap3A_1458 = tpu.vector_load %arg7[%swap3A_1455, %swap3A_1456, %swap3A_1457] {strides = array<i32>} : memref<4x2x128xf32, #tpu.memory_space<vmem>>, vector<1x1x16xf32>,
      %swap3A_1459 = vector.shape_cast %swap3A_1458 : vector<1x1x16xf32> to vector<16xf32>
      %swap3A_1460 = vector.shape_cast %neg3A_1452 : vector<16xf32> to vector<1x1x16xf32>
      tpu.vector_store %arg7[%swap3A_1455, %swap3A_1456, %swap3A_1457], %swap3A_1460 {strides = array<i32>} : memref<4x2x128xf32, #tpu.memory_space<vmem>>, vector<1x1x16xf32>,
      %get3A_1461 = arith.constant 3 : i32
      %get3A_1462 = arith.constant 0 : i32
      %get3A_1463 = arith.index_cast %get3A_1461 : i32 to index
      %get3A_1464 = arith.index_cast %get3A_1462 : i32 to index
      %get3A_1465 = arith.constant 16 : index
      %get3A_1466 = tpu.vector_load %arg6[%get3A_1463, %get3A_1464, %get3A_1465] {strides = array<i32>} : memref<4x2x128xf32, #tpu.memory_space<vmem>>, vector<1x1x16xf32>,
      %get3A_1467 = vector.shape_cast %get3A_1466 : vector<1x1x16xf32> to vector<16xf32>
      %neg3A_1468 = arith.constant 0.000000e+00 : f32
      %neg3A_1469 = vector.broadcast %neg3A_1468 : f32 to vector<16xf32>
      %neg3A_1470 = arith.subf %neg3A_1469, %get3A_1467 : vector<16xf32>
      %swap3A_1471 = arith.constant 3 : i32
      %swap3A_1472 = arith.constant 0 : i32
      %swap3A_1473 = arith.index_cast %swap3A_1471 : i32 to index
      %swap3A_1474 = arith.index_cast %swap3A_1472 : i32 to index
      %swap3A_1475 = arith.constant 16 : index
      %swap3A_1476 = tpu.vector_load %arg7[%swap3A_1473, %swap3A_1474, %swap3A_1475] {strides = array<i32>} : memref<4x2x128xf32, #tpu.memory_space<vmem>>, vector<1x1x16xf32>,
      %swap3A_1477 = vector.shape_cast %swap3A_1476 : vector<1x1x16xf32> to vector<16xf32>
      %swap3A_1478 = vector.shape_cast %neg3A_1470 : vector<16xf32> to vector<1x1x16xf32>
      tpu.vector_store %arg7[%swap3A_1473, %swap3A_1474, %swap3A_1475], %swap3A_1478 {strides = array<i32>} : memref<4x2x128xf32, #tpu.memory_space<vmem>>, vector<1x1x16xf32>,
      %get3A_1479 = arith.constant 3 : i32
      %get3A_1480 = arith.constant 0 : i32
      %get3A_1481 = arith.index_cast %get3A_1479 : i32 to index
      %get3A_1482 = arith.index_cast %get3A_1480 : i32 to index
      %get3A_1483 = arith.constant 32 : index
      %get3A_1484 = tpu.vector_load %arg6[%get3A_1481, %get3A_1482, %get3A_1483] {strides = array<i32>} : memref<4x2x128xf32, #tpu.memory_space<vmem>>, vector<1x1x16xf32>,
      %get3A_1485 = vector.shape_cast %get3A_1484 : vector<1x1x16xf32> to vector<16xf32>
      %neg3A_1486 = arith.constant 0.000000e+00 : f32
      %neg3A_1487 = vector.broadcast %neg3A_1486 : f32 to vector<16xf32>
      %neg3A_1488 = arith.subf %neg3A_1487, %get3A_1485 : vector<16xf32>
      %swap3A_1489 = arith.constant 3 : i32
      %swap3A_1490 = arith.constant 0 : i32
      %swap3A_1491 = arith.index_cast %swap3A_1489 : i32 to index
      %swap3A_1492 = arith.index_cast %swap3A_1490 : i32 to index
      %swap3A_1493 = arith.constant 32 : index
      %swap3A_1494 = tpu.vector_load %arg7[%swap3A_1491, %swap3A_1492, %swap3A_1493] {strides = array<i32>} : memref<4x2x128xf32, #tpu.memory_space<vmem>>, vector<1x1x16xf32>,
      %swap3A_1495 = vector.shape_cast %swap3A_1494 : vector<1x1x16xf32> to vector<16xf32>
      %swap3A_1496 = vector.shape_cast %neg3A_1488 : vector<16xf32> to vector<1x1x16xf32>
      tpu.vector_store %arg7[%swap3A_1491, %swap3A_1492, %swap3A_1493], %swap3A_1496 {strides = array<i32>} : memref<4x2x128xf32, #tpu.memory_space<vmem>>, vector<1x1x16xf32>,
      %get3A_1497 = arith.constant 3 : i32
      %get3A_1498 = arith.constant 0 : i32
      %get3A_1499 = arith.index_cast %get3A_1497 : i32 to index
      %get3A_1500 = arith.index_cast %get3A_1498 : i32 to index
      %get3A_1501 = arith.constant 48 : index
      %get3A_1502 = tpu.vector_load %arg6[%get3A_1499, %get3A_1500, %get3A_1501] {strides = array<i32>} : memref<4x2x128xf32, #tpu.memory_space<vmem>>, vector<1x1x16xf32>,
      %get3A_1503 = vector.shape_cast %get3A_1502 : vector<1x1x16xf32> to vector<16xf32>
      %neg3A_1504 = arith.constant 0.000000e+00 : f32
      %neg3A_1505 = vector.broadcast %neg3A_1504 : f32 to vector<16xf32>
      %neg3A_1506 = arith.subf %neg3A_1505, %get3A_1503 : vector<16xf32>
      %swap3A_1507 = arith.constant 3 : i32
      %swap3A_1508 = arith.constant 0 : i32
      %swap3A_1509 = arith.index_cast %swap3A_1507 : i32 to index
      %swap3A_1510 = arith.index_cast %swap3A_1508 : i32 to index
      %swap3A_1511 = arith.constant 48 : index
      %swap3A_1512 = tpu.vector_load %arg7[%swap3A_1509, %swap3A_1510, %swap3A_1511] {strides = array<i32>} : memref<4x2x128xf32, #tpu.memory_space<vmem>>, vector<1x1x16xf32>,
      %swap3A_1513 = vector.shape_cast %swap3A_1512 : vector<1x1x16xf32> to vector<16xf32>
      %swap3A_1514 = vector.shape_cast %neg3A_1506 : vector<16xf32> to vector<1x1x16xf32>
      tpu.vector_store %arg7[%swap3A_1509, %swap3A_1510, %swap3A_1511], %swap3A_1514 {strides = array<i32>} : memref<4x2x128xf32, #tpu.memory_space<vmem>>, vector<1x1x16xf32>,
      %get3A_1515 = arith.constant 3 : i32
      %get3A_1516 = arith.constant 0 : i32
      %get3A_1517 = arith.index_cast %get3A_1515 : i32 to index
      %get3A_1518 = arith.index_cast %get3A_1516 : i32 to index
      %get3A_1519 = arith.constant 64 : index
      %get3A_1520 = tpu.vector_load %arg6[%get3A_1517, %get3A_1518, %get3A_1519] {strides = array<i32>} : memref<4x2x128xf32, #tpu.memory_space<vmem>>, vector<1x1x16xf32>,
      %get3A_1521 = vector.shape_cast %get3A_1520 : vector<1x1x16xf32> to vector<16xf32>
      %neg3A_1522 = arith.constant 0.000000e+00 : f32
      %neg3A_1523 = vector.broadcast %neg3A_1522 : f32 to vector<16xf32>
      %neg3A_1524 = arith.subf %neg3A_1523, %get3A_1521 : vector<16xf32>
      %swap3A_1525 = arith.constant 3 : i32
      %swap3A_1526 = arith.constant 0 : i32
      %swap3A_1527 = arith.index_cast %swap3A_1525 : i32 to index
      %swap3A_1528 = arith.index_cast %swap3A_1526 : i32 to index
      %swap3A_1529 = arith.constant 64 : index
      %swap3A_1530 = tpu.vector_load %arg7[%swap3A_1527, %swap3A_1528, %swap3A_1529] {strides = array<i32>} : memref<4x2x128xf32, #tpu.memory_space<vmem>>, vector<1x1x16xf32>,
      %swap3A_1531 = vector.shape_cast %swap3A_1530 : vector<1x1x16xf32> to vector<16xf32>
      %swap3A_1532 = vector.shape_cast %neg3A_1524 : vector<16xf32> to vector<1x1x16xf32>
      tpu.vector_store %arg7[%swap3A_1527, %swap3A_1528, %swap3A_1529], %swap3A_1532 {strides = array<i32>} : memref<4x2x128xf32, #tpu.memory_space<vmem>>, vector<1x1x16xf32>,
      %get3A_1533 = arith.constant 3 : i32
      %get3A_1534 = arith.constant 0 : i32
      %get3A_1535 = arith.index_cast %get3A_1533 : i32 to index
      %get3A_1536 = arith.index_cast %get3A_1534 : i32 to index
      %get3A_1537 = arith.constant 80 : index
      %get3A_1538 = tpu.vector_load %arg6[%get3A_1535, %get3A_1536, %get3A_1537] {strides = array<i32>} : memref<4x2x128xf32, #tpu.memory_space<vmem>>, vector<1x1x16xf32>,
      %get3A_1539 = vector.shape_cast %get3A_1538 : vector<1x1x16xf32> to vector<16xf32>
      %neg3A_1540 = arith.constant 0.000000e+00 : f32
      %neg3A_1541 = vector.broadcast %neg3A_1540 : f32 to vector<16xf32>
      %neg3A_1542 = arith.subf %neg3A_1541, %get3A_1539 : vector<16xf32>
      %swap3A_1543 = arith.constant 3 : i32
      %swap3A_1544 = arith.constant 0 : i32
      %swap3A_1545 = arith.index_cast %swap3A_1543 : i32 to index
      %swap3A_1546 = arith.index_cast %swap3A_1544 : i32 to index
      %swap3A_1547 = arith.constant 80 : index
      %swap3A_1548 = tpu.vector_load %arg7[%swap3A_1545, %swap3A_1546, %swap3A_1547] {strides = array<i32>} : memref<4x2x128xf32, #tpu.memory_space<vmem>>, vector<1x1x16xf32>,
      %swap3A_1549 = vector.shape_cast %swap3A_1548 : vector<1x1x16xf32> to vector<16xf32>
      %swap3A_1550 = vector.shape_cast %neg3A_1542 : vector<16xf32> to vector<1x1x16xf32>
      tpu.vector_store %arg7[%swap3A_1545, %swap3A_1546, %swap3A_1547], %swap3A_1550 {strides = array<i32>} : memref<4x2x128xf32, #tpu.memory_space<vmem>>, vector<1x1x16xf32>,
      %get3A_1551 = arith.constant 3 : i32
      %get3A_1552 = arith.constant 0 : i32
      %get3A_1553 = arith.index_cast %get3A_1551 : i32 to index
      %get3A_1554 = arith.index_cast %get3A_1552 : i32 to index
      %get3A_1555 = arith.constant 96 : index
      %get3A_1556 = tpu.vector_load %arg6[%get3A_1553, %get3A_1554, %get3A_1555] {strides = array<i32>} : memref<4x2x128xf32, #tpu.memory_space<vmem>>, vector<1x1x16xf32>,
      %get3A_1557 = vector.shape_cast %get3A_1556 : vector<1x1x16xf32> to vector<16xf32>
      %neg3A_1558 = arith.constant 0.000000e+00 : f32
      %neg3A_1559 = vector.broadcast %neg3A_1558 : f32 to vector<16xf32>
      %neg3A_1560 = arith.subf %neg3A_1559, %get3A_1557 : vector<16xf32>
      %swap3A_1561 = arith.constant 3 : i32
      %swap3A_1562 = arith.constant 0 : i32
      %swap3A_1563 = arith.index_cast %swap3A_1561 : i32 to index
      %swap3A_1564 = arith.index_cast %swap3A_1562 : i32 to index
      %swap3A_1565 = arith.constant 96 : index
      %swap3A_1566 = tpu.vector_load %arg7[%swap3A_1563, %swap3A_1564, %swap3A_1565] {strides = array<i32>} : memref<4x2x128xf32, #tpu.memory_space<vmem>>, vector<1x1x16xf32>,
      %swap3A_1567 = vector.shape_cast %swap3A_1566 : vector<1x1x16xf32> to vector<16xf32>
      %swap3A_1568 = vector.shape_cast %neg3A_1560 : vector<16xf32> to vector<1x1x16xf32>
      tpu.vector_store %arg7[%swap3A_1563, %swap3A_1564, %swap3A_1565], %swap3A_1568 {strides = array<i32>} : memref<4x2x128xf32, #tpu.memory_space<vmem>>, vector<1x1x16xf32>,
      %get3A_1569 = arith.constant 3 : i32
      %get3A_1570 = arith.constant 0 : i32
      %get3A_1571 = arith.index_cast %get3A_1569 : i32 to index
      %get3A_1572 = arith.index_cast %get3A_1570 : i32 to index
      %get3A_1573 = arith.constant 112 : index
      %get3A_1574 = tpu.vector_load %arg6[%get3A_1571, %get3A_1572, %get3A_1573] {strides = array<i32>} : memref<4x2x128xf32, #tpu.memory_space<vmem>>, vector<1x1x16xf32>,
      %get3A_1575 = vector.shape_cast %get3A_1574 : vector<1x1x16xf32> to vector<16xf32>
      %neg3A_1576 = arith.constant 0.000000e+00 : f32
      %neg3A_1577 = vector.broadcast %neg3A_1576 : f32 to vector<16xf32>
      %neg3A_1578 = arith.subf %neg3A_1577, %get3A_1575 : vector<16xf32>
      %swap3A_1579 = arith.constant 3 : i32
      %swap3A_1580 = arith.constant 0 : i32
      %swap3A_1581 = arith.index_cast %swap3A_1579 : i32 to index
      %swap3A_1582 = arith.index_cast %swap3A_1580 : i32 to index
      %swap3A_1583 = arith.constant 112 : index
      %swap3A_1584 = tpu.vector_load %arg7[%swap3A_1581, %swap3A_1582, %swap3A_1583] {strides = array<i32>} : memref<4x2x128xf32, #tpu.memory_space<vmem>>, vector<1x1x16xf32>,
      %swap3A_1585 = vector.shape_cast %swap3A_1584 : vector<1x1x16xf32> to vector<16xf32>
      %swap3A_1586 = vector.shape_cast %neg3A_1578 : vector<16xf32> to vector<1x1x16xf32>
      tpu.vector_store %arg7[%swap3A_1581, %swap3A_1582, %swap3A_1583], %swap3A_1586 {strides = array<i32>} : memref<4x2x128xf32, #tpu.memory_space<vmem>>, vector<1x1x16xf32>,
      %get3A_1587 = arith.constant 3 : i32
      %get3A_1588 = arith.constant 1 : i32
      %get3A_1589 = arith.index_cast %get3A_1587 : i32 to index
      %get3A_1590 = arith.index_cast %get3A_1588 : i32 to index
      %get3A_1591 = arith.constant 0 : index
      %get3A_1592 = tpu.vector_load %arg6[%get3A_1589, %get3A_1590, %get3A_1591] {strides = array<i32>} : memref<4x2x128xf32, #tpu.memory_space<vmem>>, vector<1x1x16xf32>,
      %get3A_1593 = vector.shape_cast %get3A_1592 : vector<1x1x16xf32> to vector<16xf32>
      %neg3A_1594 = arith.constant 0.000000e+00 : f32
      %neg3A_1595 = vector.broadcast %neg3A_1594 : f32 to vector<16xf32>
      %neg3A_1596 = arith.subf %neg3A_1595, %get3A_1593 : vector<16xf32>
      %swap3A_1597 = arith.constant 3 : i32
      %swap3A_1598 = arith.constant 1 : i32
      %swap3A_1599 = arith.index_cast %swap3A_1597 : i32 to index
      %swap3A_1600 = arith.index_cast %swap3A_1598 : i32 to index
      %swap3A_1601 = arith.constant 0 : index
      %swap3A_1602 = tpu.vector_load %arg7[%swap3A_1599, %swap3A_1600, %swap3A_1601] {strides = array<i32>} : memref<4x2x128xf32, #tpu.memory_space<vmem>>, vector<1x1x16xf32>,
      %swap3A_1603 = vector.shape_cast %swap3A_1602 : vector<1x1x16xf32> to vector<16xf32>
      %swap3A_1604 = vector.shape_cast %neg3A_1596 : vector<16xf32> to vector<1x1x16xf32>
      tpu.vector_store %arg7[%swap3A_1599, %swap3A_1600, %swap3A_1601], %swap3A_1604 {strides = array<i32>} : memref<4x2x128xf32, #tpu.memory_space<vmem>>, vector<1x1x16xf32>,
      %get3A_1605 = arith.constant 3 : i32
      %get3A_1606 = arith.constant 1 : i32
      %get3A_1607 = arith.index_cast %get3A_1605 : i32 to index
      %get3A_1608 = arith.index_cast %get3A_1606 : i32 to index
      %get3A_1609 = arith.constant 16 : index
      %get3A_1610 = tpu.vector_load %arg6[%get3A_1607, %get3A_1608, %get3A_1609] {strides = array<i32>} : memref<4x2x128xf32, #tpu.memory_space<vmem>>, vector<1x1x16xf32>,
      %get3A_1611 = vector.shape_cast %get3A_1610 : vector<1x1x16xf32> to vector<16xf32>
      %neg3A_1612 = arith.constant 0.000000e+00 : f32
      %neg3A_1613 = vector.broadcast %neg3A_1612 : f32 to vector<16xf32>
      %neg3A_1614 = arith.subf %neg3A_1613, %get3A_1611 : vector<16xf32>
      %swap3A_1615 = arith.constant 3 : i32
      %swap3A_1616 = arith.constant 1 : i32
      %swap3A_1617 = arith.index_cast %swap3A_1615 : i32 to index
      %swap3A_1618 = arith.index_cast %swap3A_1616 : i32 to index
      %swap3A_1619 = arith.constant 16 : index
      %swap3A_1620 = tpu.vector_load %arg7[%swap3A_1617, %swap3A_1618, %swap3A_1619] {strides = array<i32>} : memref<4x2x128xf32, #tpu.memory_space<vmem>>, vector<1x1x16xf32>,
      %swap3A_1621 = vector.shape_cast %swap3A_1620 : vector<1x1x16xf32> to vector<16xf32>
      %swap3A_1622 = vector.shape_cast %neg3A_1614 : vector<16xf32> to vector<1x1x16xf32>
      tpu.vector_store %arg7[%swap3A_1617, %swap3A_1618, %swap3A_1619], %swap3A_1622 {strides = array<i32>} : memref<4x2x128xf32, #tpu.memory_space<vmem>>, vector<1x1x16xf32>,
      %get3A_1623 = arith.constant 3 : i32
      %get3A_1624 = arith.constant 1 : i32
      %get3A_1625 = arith.index_cast %get3A_1623 : i32 to index
      %get3A_1626 = arith.index_cast %get3A_1624 : i32 to index
      %get3A_1627 = arith.constant 32 : index
      %get3A_1628 = tpu.vector_load %arg6[%get3A_1625, %get3A_1626, %get3A_1627] {strides = array<i32>} : memref<4x2x128xf32, #tpu.memory_space<vmem>>, vector<1x1x16xf32>,
      %get3A_1629 = vector.shape_cast %get3A_1628 : vector<1x1x16xf32> to vector<16xf32>
      %neg3A_1630 = arith.constant 0.000000e+00 : f32
      %neg3A_1631 = vector.broadcast %neg3A_1630 : f32 to vector<16xf32>
      %neg3A_1632 = arith.subf %neg3A_1631, %get3A_1629 : vector<16xf32>
      %swap3A_1633 = arith.constant 3 : i32
      %swap3A_1634 = arith.constant 1 : i32
      %swap3A_1635 = arith.index_cast %swap3A_1633 : i32 to index
      %swap3A_1636 = arith.index_cast %swap3A_1634 : i32 to index
      %swap3A_1637 = arith.constant 32 : index
      %swap3A_1638 = tpu.vector_load %arg7[%swap3A_1635, %swap3A_1636, %swap3A_1637] {strides = array<i32>} : memref<4x2x128xf32, #tpu.memory_space<vmem>>, vector<1x1x16xf32>,
      %swap3A_1639 = vector.shape_cast %swap3A_1638 : vector<1x1x16xf32> to vector<16xf32>
      %swap3A_1640 = vector.shape_cast %neg3A_1632 : vector<16xf32> to vector<1x1x16xf32>
      tpu.vector_store %arg7[%swap3A_1635, %swap3A_1636, %swap3A_1637], %swap3A_1640 {strides = array<i32>} : memref<4x2x128xf32, #tpu.memory_space<vmem>>, vector<1x1x16xf32>,
      %get3A_1641 = arith.constant 3 : i32
      %get3A_1642 = arith.constant 1 : i32
      %get3A_1643 = arith.index_cast %get3A_1641 : i32 to index
      %get3A_1644 = arith.index_cast %get3A_1642 : i32 to index
      %get3A_1645 = arith.constant 48 : index
      %get3A_1646 = tpu.vector_load %arg6[%get3A_1643, %get3A_1644, %get3A_1645] {strides = array<i32>} : memref<4x2x128xf32, #tpu.memory_space<vmem>>, vector<1x1x16xf32>,
      %get3A_1647 = vector.shape_cast %get3A_1646 : vector<1x1x16xf32> to vector<16xf32>
      %neg3A_1648 = arith.constant 0.000000e+00 : f32
      %neg3A_1649 = vector.broadcast %neg3A_1648 : f32 to vector<16xf32>
      %neg3A_1650 = arith.subf %neg3A_1649, %get3A_1647 : vector<16xf32>
      %swap3A_1651 = arith.constant 3 : i32
      %swap3A_1652 = arith.constant 1 : i32
      %swap3A_1653 = arith.index_cast %swap3A_1651 : i32 to index
      %swap3A_1654 = arith.index_cast %swap3A_1652 : i32 to index
      %swap3A_1655 = arith.constant 48 : index
      %swap3A_1656 = tpu.vector_load %arg7[%swap3A_1653, %swap3A_1654, %swap3A_1655] {strides = array<i32>} : memref<4x2x128xf32, #tpu.memory_space<vmem>>, vector<1x1x16xf32>,
      %swap3A_1657 = vector.shape_cast %swap3A_1656 : vector<1x1x16xf32> to vector<16xf32>
      %swap3A_1658 = vector.shape_cast %neg3A_1650 : vector<16xf32> to vector<1x1x16xf32>
      tpu.vector_store %arg7[%swap3A_1653, %swap3A_1654, %swap3A_1655], %swap3A_1658 {strides = array<i32>} : memref<4x2x128xf32, #tpu.memory_space<vmem>>, vector<1x1x16xf32>,
      %get3A_1659 = arith.constant 3 : i32
      %get3A_1660 = arith.constant 1 : i32
      %get3A_1661 = arith.index_cast %get3A_1659 : i32 to index
      %get3A_1662 = arith.index_cast %get3A_1660 : i32 to index
      %get3A_1663 = arith.constant 64 : index
      %get3A_1664 = tpu.vector_load %arg6[%get3A_1661, %get3A_1662, %get3A_1663] {strides = array<i32>} : memref<4x2x128xf32, #tpu.memory_space<vmem>>, vector<1x1x16xf32>,
      %get3A_1665 = vector.shape_cast %get3A_1664 : vector<1x1x16xf32> to vector<16xf32>
      %neg3A_1666 = arith.constant 0.000000e+00 : f32
      %neg3A_1667 = vector.broadcast %neg3A_1666 : f32 to vector<16xf32>
      %neg3A_1668 = arith.subf %neg3A_1667, %get3A_1665 : vector<16xf32>
      %swap3A_1669 = arith.constant 3 : i32
      %swap3A_1670 = arith.constant 1 : i32
      %swap3A_1671 = arith.index_cast %swap3A_1669 : i32 to index
      %swap3A_1672 = arith.index_cast %swap3A_1670 : i32 to index
      %swap3A_1673 = arith.constant 64 : index
      %swap3A_1674 = tpu.vector_load %arg7[%swap3A_1671, %swap3A_1672, %swap3A_1673] {strides = array<i32>} : memref<4x2x128xf32, #tpu.memory_space<vmem>>, vector<1x1x16xf32>,
      %swap3A_1675 = vector.shape_cast %swap3A_1674 : vector<1x1x16xf32> to vector<16xf32>
      %swap3A_1676 = vector.shape_cast %neg3A_1668 : vector<16xf32> to vector<1x1x16xf32>
      tpu.vector_store %arg7[%swap3A_1671, %swap3A_1672, %swap3A_1673], %swap3A_1676 {strides = array<i32>} : memref<4x2x128xf32, #tpu.memory_space<vmem>>, vector<1x1x16xf32>,
      %get3A_1677 = arith.constant 3 : i32
      %get3A_1678 = arith.constant 1 : i32
      %get3A_1679 = arith.index_cast %get3A_1677 : i32 to index
      %get3A_1680 = arith.index_cast %get3A_1678 : i32 to index
      %get3A_1681 = arith.constant 80 : index
      %get3A_1682 = tpu.vector_load %arg6[%get3A_1679, %get3A_1680, %get3A_1681] {strides = array<i32>} : memref<4x2x128xf32, #tpu.memory_space<vmem>>, vector<1x1x16xf32>,
      %get3A_1683 = vector.shape_cast %get3A_1682 : vector<1x1x16xf32> to vector<16xf32>
      %neg3A_1684 = arith.constant 0.000000e+00 : f32
      %neg3A_1685 = vector.broadcast %neg3A_1684 : f32 to vector<16xf32>
      %neg3A_1686 = arith.subf %neg3A_1685, %get3A_1683 : vector<16xf32>
      %swap3A_1687 = arith.constant 3 : i32
      %swap3A_1688 = arith.constant 1 : i32
      %swap3A_1689 = arith.index_cast %swap3A_1687 : i32 to index
      %swap3A_1690 = arith.index_cast %swap3A_1688 : i32 to index
      %swap3A_1691 = arith.constant 80 : index
      %swap3A_1692 = tpu.vector_load %arg7[%swap3A_1689, %swap3A_1690, %swap3A_1691] {strides = array<i32>} : memref<4x2x128xf32, #tpu.memory_space<vmem>>, vector<1x1x16xf32>,
      %swap3A_1693 = vector.shape_cast %swap3A_1692 : vector<1x1x16xf32> to vector<16xf32>
      %swap3A_1694 = vector.shape_cast %neg3A_1686 : vector<16xf32> to vector<1x1x16xf32>
      tpu.vector_store %arg7[%swap3A_1689, %swap3A_1690, %swap3A_1691], %swap3A_1694 {strides = array<i32>} : memref<4x2x128xf32, #tpu.memory_space<vmem>>, vector<1x1x16xf32>,
      %get3A_1695 = arith.constant 3 : i32
      %get3A_1696 = arith.constant 1 : i32
      %get3A_1697 = arith.index_cast %get3A_1695 : i32 to index
      %get3A_1698 = arith.index_cast %get3A_1696 : i32 to index
      %get3A_1699 = arith.constant 96 : index
      %get3A_1700 = tpu.vector_load %arg6[%get3A_1697, %get3A_1698, %get3A_1699] {strides = array<i32>} : memref<4x2x128xf32, #tpu.memory_space<vmem>>, vector<1x1x16xf32>,
      %get3A_1701 = vector.shape_cast %get3A_1700 : vector<1x1x16xf32> to vector<16xf32>
      %neg3A_1702 = arith.constant 0.000000e+00 : f32
      %neg3A_1703 = vector.broadcast %neg3A_1702 : f32 to vector<16xf32>
      %neg3A_1704 = arith.subf %neg3A_1703, %get3A_1701 : vector<16xf32>
      %swap3A_1705 = arith.constant 3 : i32
      %swap3A_1706 = arith.constant 1 : i32
      %swap3A_1707 = arith.index_cast %swap3A_1705 : i32 to index
      %swap3A_1708 = arith.index_cast %swap3A_1706 : i32 to index
      %swap3A_1709 = arith.constant 96 : index
      %swap3A_1710 = tpu.vector_load %arg7[%swap3A_1707, %swap3A_1708, %swap3A_1709] {strides = array<i32>} : memref<4x2x128xf32, #tpu.memory_space<vmem>>, vector<1x1x16xf32>,
      %swap3A_1711 = vector.shape_cast %swap3A_1710 : vector<1x1x16xf32> to vector<16xf32>
      %swap3A_1712 = vector.shape_cast %neg3A_1704 : vector<16xf32> to vector<1x1x16xf32>
      tpu.vector_store %arg7[%swap3A_1707, %swap3A_1708, %swap3A_1709], %swap3A_1712 {strides = array<i32>} : memref<4x2x128xf32, #tpu.memory_space<vmem>>, vector<1x1x16xf32>,
      %get3A_1713 = arith.constant 3 : i32
      %get3A_1714 = arith.constant 1 : i32
      %get3A_1715 = arith.index_cast %get3A_1713 : i32 to index
      %get3A_1716 = arith.index_cast %get3A_1714 : i32 to index
      %get3A_1717 = arith.constant 112 : index
      %get3A_1718 = tpu.vector_load %arg6[%get3A_1715, %get3A_1716, %get3A_1717] {strides = array<i32>} : memref<4x2x128xf32, #tpu.memory_space<vmem>>, vector<1x1x16xf32>,
      %get3A_1719 = vector.shape_cast %get3A_1718 : vector<1x1x16xf32> to vector<16xf32>
      %neg3A_1720 = arith.constant 0.000000e+00 : f32
      %neg3A_1721 = vector.broadcast %neg3A_1720 : f32 to vector<16xf32>
      %neg3A_1722 = arith.subf %neg3A_1721, %get3A_1719 : vector<16xf32>
      %swap3A_1723 = arith.constant 3 : i32
      %swap3A_1724 = arith.constant 1 : i32
      %swap3A_1725 = arith.index_cast %swap3A_1723 : i32 to index
      %swap3A_1726 = arith.index_cast %swap3A_1724 : i32 to index
      %swap3A_1727 = arith.constant 112 : index
      %swap3A_1728 = tpu.vector_load %arg7[%swap3A_1725, %swap3A_1726, %swap3A_1727] {strides = array<i32>} : memref<4x2x128xf32, #tpu.memory_space<vmem>>, vector<1x1x16xf32>,
      %swap3A_1729 = vector.shape_cast %swap3A_1728 : vector<1x1x16xf32> to vector<16xf32>
      %swap3A_1730 = vector.shape_cast %neg3A_1722 : vector<16xf32> to vector<1x1x16xf32>
      tpu.vector_store %arg7[%swap3A_1725, %swap3A_1726, %swap3A_1727], %swap3A_1730 {strides = array<i32>} : memref<4x2x128xf32, #tpu.memory_space<vmem>>, vector<1x1x16xf32>,
      %cond3A_1731 = arith.constant 1 : i32
      %sub3A_1732 = arith.constant 2 : i32
      %sub3A_1733 = arith.subi %add3A_1404, %sub3A_1732 : i32
      %mul3A_1734 = arith.constant 358400 : i32
      %mul3A_1735 = arith.muli %sub3A_1733, %mul3A_1734 : i32
      %mul3A_1736 = arith.constant 22400 : i32
      %mul3A_1737 = arith.muli %arg1, %mul3A_1736 : i32
      %add3A_1738 = arith.addi %mul3A_1735, %mul3A_1737 : i32
      %dma_wait3A_1739 = tpu.memref_slice %arg4[%add3A_1738] : memref<45875200xf32, #tpu.memory_space<hbm>> -> memref<22400xf32, #tpu.memory_space<hbm>>
      %dma_wait3A_1740 = tpu.memref_slice %arg10[%mul3A_0] : memref<358400xf32, #tpu.memory_space<vmem_shared>> -> memref<22400xf32, #tpu.memory_space<vmem_shared>>
      tpu.wait_dma2 semaphore(%arg16 : memref<!tpu.dma_semaphore, #tpu.memory_space<semaphore_mem>>) src(%dma_wait3A_1740 : memref<22400xf32, #tpu.memory_space<vmem_shared>>) dst(%dma_wait3A_1739 : memref<22400xf32, #tpu.memory_space<hbm>>)
      %barrier3A_1741 = arith.constant 0 : index
      tpu.barrier barrier_id(%barrier3A_1741)
      %cond3A_1742 = arith.constant 1 : i32
      %dma_start3A_1743 = arith.constant 1 : i32
      %dma_start3A_1744 = arith.constant 0 : i32
      %dma_start3A_1745 = arith.constant 1 : i32
      %dma_start3A_1746 = arith.constant 0 : i32
      %dma_start3A_1747 = arith.constant 0 : i32
      %dma_start3A_1748 = tpu.memref_slice %arg7[%dma_start3A_1743, %dma_start3A_1744, %dma_start3A_1747] : memref<4x2x128xf32, #tpu.memory_space<vmem>> -> memref<1x1x128xf32, #tpu.memory_space<vmem>>
      %dma_start3A_1749 = tpu.memref_squeeze %dma_start3A_1748 : memref<1x1x128xf32, #tpu.memory_space<vmem>> -> memref<128xf32, #tpu.memory_space<vmem>>
      %dma_start3A_1750 = arith.constant 0 : i32
      %dma_start3A_1751 = tpu.memref_slice %arg5[%dma_start3A_1745, %dma_start3A_1746, %dma_start3A_1750] : memref<4x2x128xi32, #tpu.memory_space<vmem>> -> memref<1x1x128xi32, #tpu.memory_space<vmem>>
      %dma_start3A_1752 = tpu.memref_squeeze %dma_start3A_1751 : memref<1x1x128xi32, #tpu.memory_space<vmem>> -> memref<128xi32, #tpu.memory_space<vmem>>
      %dma_start3A_1753 = arith.constant 0 : i32
      %dma_start3A_1754 = tpu.memref_slice %arg10[%dma_start3A_1753] : memref<358400xf32, #tpu.memory_space<vmem_shared>> -> memref<358400xf32, #tpu.memory_space<vmem_shared>>
      tpu.enqueue_indirect_dma source(%dma_start3A_1749 : memref<128xf32, #tpu.memory_space<vmem>>) target(%dma_start3A_1754 : memref<358400xf32, #tpu.memory_space<vmem_shared>>) offsets(%dma_start3A_1752 : memref<128xi32, #tpu.memory_space<vmem>>) semaphore(%arg18 : memref<!tpu.dma_semaphore, #tpu.memory_space<semaphore_mem>>) {add = true}
      %dma_start3A_1755 = arith.constant 1 : i32
      %dma_start3A_1756 = arith.constant 1 : i32
      %dma_start3A_1757 = arith.constant 1 : i32
      %dma_start3A_1758 = arith.constant 1 : i32
      %dma_start3A_1759 = arith.constant 0 : i32
      %dma_start3A_1760 = tpu.memref_slice %arg7[%dma_start3A_1755, %dma_start3A_1756, %dma_start3A_1759] : memref<4x2x128xf32, #tpu.memory_space<vmem>> -> memref<1x1x128xf32, #tpu.memory_space<vmem>>
      %dma_start3A_1761 = tpu.memref_squeeze %dma_start3A_1760 : memref<1x1x128xf32, #tpu.memory_space<vmem>> -> memref<128xf32, #tpu.memory_space<vmem>>
      %dma_start3A_1762 = arith.constant 0 : i32
      %dma_start3A_1763 = tpu.memref_slice %arg5[%dma_start3A_1757, %dma_start3A_1758, %dma_start3A_1762] : memref<4x2x128xi32, #tpu.memory_space<vmem>> -> memref<1x1x128xi32, #tpu.memory_space<vmem>>
      %dma_start3A_1764 = tpu.memref_squeeze %dma_start3A_1763 : memref<1x1x128xi32, #tpu.memory_space<vmem>> -> memref<128xi32, #tpu.memory_space<vmem>>
      %dma_start3A_1765 = arith.constant 0 : i32
      %dma_start3A_1766 = tpu.memref_slice %arg10[%dma_start3A_1765] : memref<358400xf32, #tpu.memory_space<vmem_shared>> -> memref<358400xf32, #tpu.memory_space<vmem_shared>>
      tpu.enqueue_indirect_dma source(%dma_start3A_1761 : memref<128xf32, #tpu.memory_space<vmem>>) target(%dma_start3A_1766 : memref<358400xf32, #tpu.memory_space<vmem_shared>>) offsets(%dma_start3A_1764 : memref<128xi32, #tpu.memory_space<vmem>>) semaphore(%arg18 : memref<!tpu.dma_semaphore, #tpu.memory_space<semaphore_mem>>) {add = true}
      %dma_start3A_1767 = arith.constant 3 : i32
      %dma_start3A_1768 = arith.constant 0 : i32
      %dma_start3A_1769 = arith.constant 3 : i32
      %dma_start3A_1770 = arith.constant 0 : i32
      %dma_start3A_1771 = arith.constant 0 : i32
      %dma_start3A_1772 = tpu.memref_slice %arg6[%dma_start3A_1767, %dma_start3A_1768, %dma_start3A_1771] : memref<4x2x128xf32, #tpu.memory_space<vmem>> -> memref<1x1x128xf32, #tpu.memory_space<vmem>>
      %dma_start3A_1773 = tpu.memref_squeeze %dma_start3A_1772 : memref<1x1x128xf32, #tpu.memory_space<vmem>> -> memref<128xf32, #tpu.memory_space<vmem>>
      %dma_start3A_1774 = arith.constant 0 : i32
      %dma_start3A_1775 = tpu.memref_slice %arg5[%dma_start3A_1769, %dma_start3A_1770, %dma_start3A_1774] : memref<4x2x128xi32, #tpu.memory_space<vmem>> -> memref<1x1x128xi32, #tpu.memory_space<vmem>>
      %dma_start3A_1776 = tpu.memref_squeeze %dma_start3A_1775 : memref<1x1x128xi32, #tpu.memory_space<vmem>> -> memref<128xi32, #tpu.memory_space<vmem>>
      %dma_start3A_1777 = arith.constant 0 : i32
      %dma_start3A_1778 = tpu.memref_slice %arg10[%dma_start3A_1777] : memref<358400xf32, #tpu.memory_space<vmem_shared>> -> memref<358400xf32, #tpu.memory_space<vmem_shared>>
      tpu.enqueue_indirect_dma source(%dma_start3A_1773 : memref<128xf32, #tpu.memory_space<vmem>>) target(%dma_start3A_1778 : memref<358400xf32, #tpu.memory_space<vmem_shared>>) offsets(%dma_start3A_1776 : memref<128xi32, #tpu.memory_space<vmem>>) semaphore(%arg17 : memref<!tpu.dma_semaphore, #tpu.memory_space<semaphore_mem>>) {add = true}
      %dma_start3A_1779 = arith.constant 3 : i32
      %dma_start3A_1780 = arith.constant 1 : i32
      %dma_start3A_1781 = arith.constant 3 : i32
      %dma_start3A_1782 = arith.constant 1 : i32
      %dma_start3A_1783 = arith.constant 0 : i32
      %dma_start3A_1784 = tpu.memref_slice %arg6[%dma_start3A_1779, %dma_start3A_1780, %dma_start3A_1783] : memref<4x2x128xf32, #tpu.memory_space<vmem>> -> memref<1x1x128xf32, #tpu.memory_space<vmem>>
      %dma_start3A_1785 = tpu.memref_squeeze %dma_start3A_1784 : memref<1x1x128xf32, #tpu.memory_space<vmem>> -> memref<128xf32, #tpu.memory_space<vmem>>
      %dma_start3A_1786 = arith.constant 0 : i32
      %dma_start3A_1787 = tpu.memref_slice %arg5[%dma_start3A_1781, %dma_start3A_1782, %dma_start3A_1786] : memref<4x2x128xi32, #tpu.memory_space<vmem>> -> memref<1x1x128xi32, #tpu.memory_space<vmem>>
      %dma_start3A_1788 = tpu.memref_squeeze %dma_start3A_1787 : memref<1x1x128xi32, #tpu.memory_space<vmem>> -> memref<128xi32, #tpu.memory_space<vmem>>
      %dma_start3A_1789 = arith.constant 0 : i32
      %dma_start3A_1790 = tpu.memref_slice %arg10[%dma_start3A_1789] : memref<358400xf32, #tpu.memory_space<vmem_shared>> -> memref<358400xf32, #tpu.memory_space<vmem_shared>>
      tpu.enqueue_indirect_dma source(%dma_start3A_1785 : memref<128xf32, #tpu.memory_space<vmem>>) target(%dma_start3A_1790 : memref<358400xf32, #tpu.memory_space<vmem_shared>>) offsets(%dma_start3A_1788 : memref<128xi32, #tpu.memory_space<vmem>>) semaphore(%arg17 : memref<!tpu.dma_semaphore, #tpu.memory_space<semaphore_mem>>) {add = true}
      %dma_wait3A_1791 = arith.constant 3 : i32
      %dma_wait3A_1792 = arith.constant 0 : i32
      %dma_wait3A_1793 = arith.constant 3 : i32
      %dma_wait3A_1794 = arith.constant 0 : i32
      %dma_wait3A_1795 = arith.constant 0 : i32
      %dma_wait3A_1796 = tpu.memref_slice %arg6[%dma_wait3A_1791, %dma_wait3A_1792, %dma_wait3A_1795] : memref<4x2x128xf32, #tpu.memory_space<vmem>> -> memref<1x1x128xf32, #tpu.memory_space<vmem>>
      %dma_wait3A_1797 = tpu.memref_squeeze %dma_wait3A_1796 : memref<1x1x128xf32, #tpu.memory_space<vmem>> -> memref<128xf32, #tpu.memory_space<vmem>>
      %dma_wait3A_1798 = arith.constant 0 : i32
      %dma_wait3A_1799 = tpu.memref_slice %arg5[%dma_wait3A_1793, %dma_wait3A_1794, %dma_wait3A_1798] : memref<4x2x128xi32, #tpu.memory_space<vmem>> -> memref<1x1x128xi32, #tpu.memory_space<vmem>>
      %dma_wait3A_1800 = tpu.memref_squeeze %dma_wait3A_1799 : memref<1x1x128xi32, #tpu.memory_space<vmem>> -> memref<128xi32, #tpu.memory_space<vmem>>
      %dma_wait3A_1801 = arith.constant 0 : i32
      %dma_wait3A_1802 = tpu.memref_slice %arg10[%dma_wait3A_1801] : memref<358400xf32, #tpu.memory_space<vmem_shared>> -> memref<358400xf32, #tpu.memory_space<vmem_shared>>
      tpu.wait_indirect_dma semaphore(%arg17 : memref<!tpu.dma_semaphore, #tpu.memory_space<semaphore_mem>>) src(%dma_wait3A_1797 : memref<128xf32, #tpu.memory_space<vmem>>) dst(%dma_wait3A_1802 : memref<358400xf32, #tpu.memory_space<vmem_shared>>)
      %dma_wait3A_1803 = arith.constant 3 : i32
      %dma_wait3A_1804 = arith.constant 1 : i32
      %dma_wait3A_1805 = arith.constant 3 : i32
      %dma_wait3A_1806 = arith.constant 1 : i32
      %dma_wait3A_1807 = arith.constant 0 : i32
      %dma_wait3A_1808 = tpu.memref_slice %arg6[%dma_wait3A_1803, %dma_wait3A_1804, %dma_wait3A_1807] : memref<4x2x128xf32, #tpu.memory_space<vmem>> -> memref<1x1x128xf32, #tpu.memory_space<vmem>>
      %dma_wait3A_1809 = tpu.memref_squeeze %dma_wait3A_1808 : memref<1x1x128xf32, #tpu.memory_space<vmem>> -> memref<128xf32, #tpu.memory_space<vmem>>
      %dma_wait3A_1810 = arith.constant 0 : i32
      %dma_wait3A_1811 = tpu.memref_slice %arg5[%dma_wait3A_1805, %dma_wait3A_1806, %dma_wait3A_1810] : memref<4x2x128xi32, #tpu.memory_space<vmem>> -> memref<1x1x128xi32, #tpu.memory_space<vmem>>
      %dma_wait3A_1812 = tpu.memref_squeeze %dma_wait3A_1811 : memref<1x1x128xi32, #tpu.memory_space<vmem>> -> memref<128xi32, #tpu.memory_space<vmem>>
      %dma_wait3A_1813 = arith.constant 0 : i32
      %dma_wait3A_1814 = tpu.memref_slice %arg10[%dma_wait3A_1813] : memref<358400xf32, #tpu.memory_space<vmem_shared>> -> memref<358400xf32, #tpu.memory_space<vmem_shared>>
      tpu.wait_indirect_dma semaphore(%arg17 : memref<!tpu.dma_semaphore, #tpu.memory_space<semaphore_mem>>) src(%dma_wait3A_1809 : memref<128xf32, #tpu.memory_space<vmem>>) dst(%dma_wait3A_1814 : memref<358400xf32, #tpu.memory_space<vmem_shared>>)
      %cond3A_1815 = arith.constant 1 : i32
      %dma_wait3A_1816 = arith.constant 1 : i32
      %dma_wait3A_1817 = arith.constant 0 : i32
      %dma_wait3A_1818 = arith.constant 1 : i32
      %dma_wait3A_1819 = arith.constant 0 : i32
      %dma_wait3A_1820 = arith.constant 0 : i32
      %dma_wait3A_1821 = tpu.memref_slice %arg7[%dma_wait3A_1816, %dma_wait3A_1817, %dma_wait3A_1820] : memref<4x2x128xf32, #tpu.memory_space<vmem>> -> memref<1x1x128xf32, #tpu.memory_space<vmem>>
      %dma_wait3A_1822 = tpu.memref_squeeze %dma_wait3A_1821 : memref<1x1x128xf32, #tpu.memory_space<vmem>> -> memref<128xf32, #tpu.memory_space<vmem>>
      %dma_wait3A_1823 = arith.constant 0 : i32
      %dma_wait3A_1824 = tpu.memref_slice %arg5[%dma_wait3A_1818, %dma_wait3A_1819, %dma_wait3A_1823] : memref<4x2x128xi32, #tpu.memory_space<vmem>> -> memref<1x1x128xi32, #tpu.memory_space<vmem>>
      %dma_wait3A_1825 = tpu.memref_squeeze %dma_wait3A_1824 : memref<1x1x128xi32, #tpu.memory_space<vmem>> -> memref<128xi32, #tpu.memory_space<vmem>>
      %dma_wait3A_1826 = arith.constant 0 : i32
      %dma_wait3A_1827 = tpu.memref_slice %arg10[%dma_wait3A_1826] : memref<358400xf32, #tpu.memory_space<vmem_shared>> -> memref<358400xf32, #tpu.memory_space<vmem_shared>>
      tpu.wait_indirect_dma semaphore(%arg18 : memref<!tpu.dma_semaphore, #tpu.memory_space<semaphore_mem>>) src(%dma_wait3A_1822 : memref<128xf32, #tpu.memory_space<vmem>>) dst(%dma_wait3A_1827 : memref<358400xf32, #tpu.memory_space<vmem_shared>>)
      %dma_wait3A_1828 = arith.constant 1 : i32
      %dma_wait3A_1829 = arith.constant 1 : i32
      %dma_wait3A_1830 = arith.constant 1 : i32
      %dma_wait3A_1831 = arith.constant 1 : i32
      %dma_wait3A_1832 = arith.constant 0 : i32
      %dma_wait3A_1833 = tpu.memref_slice %arg7[%dma_wait3A_1828, %dma_wait3A_1829, %dma_wait3A_1832] : memref<4x2x128xf32, #tpu.memory_space<vmem>> -> memref<1x1x128xf32, #tpu.memory_space<vmem>>
      %dma_wait3A_1834 = tpu.memref_squeeze %dma_wait3A_1833 : memref<1x1x128xf32, #tpu.memory_space<vmem>> -> memref<128xf32, #tpu.memory_space<vmem>>
      %dma_wait3A_1835 = arith.constant 0 : i32
      %dma_wait3A_1836 = tpu.memref_slice %arg5[%dma_wait3A_1830, %dma_wait3A_1831, %dma_wait3A_1835] : memref<4x2x128xi32, #tpu.memory_space<vmem>> -> memref<1x1x128xi32, #tpu.memory_space<vmem>>
      %dma_wait3A_1837 = tpu.memref_squeeze %dma_wait3A_1836 : memref<1x1x128xi32, #tpu.memory_space<vmem>> -> memref<128xi32, #tpu.memory_space<vmem>>
      %dma_wait3A_1838 = arith.constant 0 : i32
      %dma_wait3A_1839 = tpu.memref_slice %arg10[%dma_wait3A_1838] : memref<358400xf32, #tpu.memory_space<vmem_shared>> -> memref<358400xf32, #tpu.memory_space<vmem_shared>>
      tpu.wait_indirect_dma semaphore(%arg18 : memref<!tpu.dma_semaphore, #tpu.memory_space<semaphore_mem>>) src(%dma_wait3A_1834 : memref<128xf32, #tpu.memory_space<vmem>>) dst(%dma_wait3A_1839 : memref<358400xf32, #tpu.memory_space<vmem_shared>>)
      %barrier3A_1840 = arith.constant 0 : index
      tpu.barrier barrier_id(%barrier3A_1840)
      %mul3A_1841 = arith.constant 358400 : i32
      %mul3A_1842 = arith.muli %add3A_1404, %mul3A_1841 : i32
      %mul3A_1843 = arith.constant 22400 : i32
      %mul3A_1844 = arith.muli %arg1, %mul3A_1843 : i32
      %add3A_1845 = arith.addi %mul3A_1842, %mul3A_1844 : i32
      %dma_start3A_1846 = tpu.memref_slice %arg4[%add3A_1845] : memref<45875200xf32, #tpu.memory_space<hbm>> -> memref<22400xf32, #tpu.memory_space<hbm>>
      %dma_start3A_1847 = tpu.memref_slice %arg10[%mul3A_0] : memref<358400xf32, #tpu.memory_space<vmem_shared>> -> memref<22400xf32, #tpu.memory_space<vmem_shared>>
      tpu.enqueue_dma source(%dma_start3A_1847 : memref<22400xf32, #tpu.memory_space<vmem_shared>>) target(%dma_start3A_1846 : memref<22400xf32, #tpu.memory_space<hbm>>) target_semaphore(%arg16 : memref<!tpu.dma_semaphore, #tpu.memory_space<semaphore_mem>>)
    }
    %scan3A_46 = arith.constant 16 : i32
    %mul3A_47 = arith.constant 64 : i32
    %mul3A_48 = arith.muli %arg0, %mul3A_47 : i32
    %add3A = arith.constant 64 : i32
    %add3A_49 = arith.addi %mul3A_48, %add3A : i32
    %sub3A = arith.constant 2 : i32
    %sub3A_50 = arith.subi %add3A_49, %sub3A : i32
    %mul3A_51 = arith.constant 358400 : i32
    %mul3A_52 = arith.muli %sub3A_50, %mul3A_51 : i32
    %mul3A_53 = arith.constant 22400 : i32
    %mul3A_54 = arith.muli %arg1, %mul3A_53 : i32
    %add3A_55 = arith.addi %mul3A_52, %mul3A_54 : i32
    %dma_wait3A = tpu.memref_slice %arg4[%add3A_55] : memref<45875200xf32, #tpu.memory_space<hbm>> -> memref<22400xf32, #tpu.memory_space<hbm>>
    %dma_wait3A_56 = tpu.memref_slice %arg9[%mul3A_0] : memref<358400xf32, #tpu.memory_space<vmem_shared>> -> memref<22400xf32, #tpu.memory_space<vmem_shared>>
    tpu.wait_dma2 semaphore(%arg15 : memref<!tpu.dma_semaphore, #tpu.memory_space<semaphore_mem>>) src(%dma_wait3A_56 : memref<22400xf32, #tpu.memory_space<vmem_shared>>) dst(%dma_wait3A : memref<22400xf32, #tpu.memory_space<hbm>>)
    %mul3A_57 = arith.constant 64 : i32
    %mul3A_58 = arith.muli %arg0, %mul3A_57 : i32
    %add3A_59 = arith.constant 64 : i32
    %add3A_60 = arith.addi %mul3A_58, %add3A_59 : i32
    %sub3A_61 = arith.constant 1 : i32
    %sub3A_62 = arith.subi %add3A_60, %sub3A_61 : i32
    %mul3A_63 = arith.constant 358400 : i32
    %mul3A_64 = arith.muli %sub3A_62, %mul3A_63 : i32
    %mul3A_65 = arith.constant 22400 : i32
    %mul3A_66 = arith.muli %arg1, %mul3A_65 : i32
    %add3A_67 = arith.addi %mul3A_64, %mul3A_66 : i32
    %dma_wait3A_68 = tpu.memref_slice %arg4[%add3A_67] : memref<45875200xf32, #tpu.memory_space<hbm>> -> memref<22400xf32, #tpu.memory_space<hbm>>
    %dma_wait3A_69 = tpu.memref_slice %arg10[%mul3A_0] : memref<358400xf32, #tpu.memory_space<vmem_shared>> -> memref<22400xf32, #tpu.memory_space<vmem_shared>>
    tpu.wait_dma2 semaphore(%arg16 : memref<!tpu.dma_semaphore, #tpu.memory_space<semaphore_mem>>) src(%dma_wait3A_69 : memref<22400xf32, #tpu.memory_space<vmem_shared>>) dst(%dma_wait3A_68 : memref<22400xf32, #tpu.memory_space<hbm>>)
    return
  }
}

module attributes {stable_mosaic.version = 14 : i64} {
  func.func @_prep_body(%arg0: memref<128x4096xi32, #tpu.memory_space<vmem>>, %arg1: memref<128x4096xi32, #tpu.memory_space<vmem>>, %arg2: memref<128x4096xf32, #tpu.memory_space<vmem>>, %arg3: memref<128x4096xf32, #tpu.memory_space<vmem>>, %arg4: memref<128x4096xi32, #tpu.memory_space<vmem>>) attributes {dimension_semantics = [], scalar_prefetch = 0 : i64, scratch_operands = 0 : i64, tpu.core_type = #tpu.core_type<tc>} {
    %get3A = arith.constant 0 : index
    %get3A_0 = arith.constant 0 : index
    %get3A_1 = vector.load %arg0[%get3A, %get3A_0] : memref<128x4096xi32, #tpu.memory_space<vmem>>, vector<128x4096xi32>
    %get3A_2 = arith.constant 0 : index
    %get3A_3 = arith.constant 0 : index
    %get3A_4 = vector.load %arg1[%get3A_2, %get3A_3] : memref<128x4096xi32, #tpu.memory_space<vmem>>, vector<128x4096xi32>
    %get3A_5 = arith.constant 0 : index
    %get3A_6 = arith.constant 0 : index
    %get3A_7 = vector.load %arg2[%get3A_5, %get3A_6] : memref<128x4096xf32, #tpu.memory_space<vmem>>, vector<128x4096xf32>
    %ne3A = arith.cmpi ne, %get3A_1, %get3A_4 : vector<128x4096xi32>
    %convert_element_type3A = arith.extui %ne3A : vector<128x4096xi1> to vector<128x4096xi32>
    %reduce_sum3A = arith.constant dense<0> : vector<128xi32>
    %reduce_sum3A_8 = vector.multi_reduction <add>, %convert_element_type3A, %reduce_sum3A [1] : vector<128x4096xi32> to vector<128xi32>
    %broadcast_in_dim3A = vector.shape_cast %reduce_sum3A_8 : vector<128xi32> to vector<128x1xi32>
    %iota3A = tpu.iota {dimensions = array<i32: 1>} : vector<128x4096xi32>
    %lt3A = vector.broadcast %broadcast_in_dim3A : vector<128x1xi32> to vector<128x4096xi32>
    %lt3A_9 = arith.cmpi slt, %iota3A, %lt3A : vector<128x4096xi32>
    %jit3A = arith.constant 0xFF800000 : f32
    %broadcast_in_dim3A_10 = vector.broadcast %jit3A : f32 to vector<128x4096xf32>
    %select_n3A = arith.select %lt3A_9, %get3A_7, %broadcast_in_dim3A_10 : vector<128x4096xi1>, vector<128x4096xf32>
    %reduce_max3A = vector.shape_cast %select_n3A : vector<128x4096xf32> to vector<1x128x4096xf32>
    %reduce_max3A_11 = arith.constant dense<0xFF800000> : vector<1xf32>
    %reduce_max3A_12 = vector.multi_reduction <maximumf>, %reduce_max3A, %reduce_max3A_11 [1, 2] : vector<1x128x4096xf32> to vector<1xf32>
    %reduce_max3A_13 = vector.shape_cast %reduce_max3A_12 : vector<1xf32> to vector<1x1x1xf32>
    %reduce_max3A_14 = vector.extract %reduce_max3A_13[0, 0, 0] : f32 from vector<1x1x1xf32>
    %div3A = vector.broadcast %reduce_max3A_14 : f32 to vector<128x4096xf32>
    %div3A_15 = arith.divf %get3A_7, %div3A : vector<128x4096xf32>
    %broadcast_in_dim3A_16 = arith.constant 0.000000e+00 : f32
    %broadcast_in_dim3A_17 = vector.broadcast %broadcast_in_dim3A_16 : f32 to vector<128x4096xf32>
    %select_n3A_18 = arith.select %lt3A_9, %div3A_15, %broadcast_in_dim3A_17 : vector<128x4096xi1>, vector<128x4096xf32>
    %swap3A = arith.constant 0 : index
    %swap3A_19 = arith.constant 0 : index
    %swap3A_20 = vector.load %arg3[%swap3A, %swap3A_19] : memref<128x4096xf32, #tpu.memory_space<vmem>>, vector<128x4096xf32>
    tpu.vector_store %arg3[%swap3A, %swap3A_19], %select_n3A_18 {strides = array<i32>} : memref<128x4096xf32, #tpu.memory_space<vmem>>, vector<128x4096xf32>,
    %jit3A_21 = arith.constant 128 : i32
    %div3A_22 = vector.broadcast %jit3A_21 : i32 to vector<128x4096xi32>
    %div3A_23 = arith.divsi %get3A_1, %div3A_22 : vector<128x4096xi32>
    %sign3A = arith.constant 0 : i32
    %sign3A_24 = vector.broadcast %sign3A : i32 to vector<128x4096xi32>
    %sign3A_25 = arith.cmpi sgt, %get3A_1, %sign3A_24 : vector<128x4096xi32>
    %sign3A_26 = arith.extui %sign3A_25 : vector<128x4096xi1> to vector<128x4096xi32>
    %sign3A_27 = arith.constant 0 : i32
    %sign3A_28 = vector.broadcast %sign3A_27 : i32 to vector<128x4096xi32>
    %sign3A_29 = arith.cmpi slt, %get3A_1, %sign3A_28 : vector<128x4096xi32>
    %sign3A_30 = arith.extui %sign3A_29 : vector<128x4096xi1> to vector<128x4096xi32>
    %sign3A_31 = arith.subi %sign3A_26, %sign3A_30 : vector<128x4096xi32>
    %sign3A_32 = arith.constant 0 : i32
    %sign3A_33 = arith.cmpi sgt, %jit3A_21, %sign3A_32 : i32
    %sign3A_34 = arith.extui %sign3A_33 : i1 to i32
    %sign3A_35 = arith.constant 0 : i32
    %sign3A_36 = arith.cmpi slt, %jit3A_21, %sign3A_35 : i32
    %sign3A_37 = arith.extui %sign3A_36 : i1 to i32
    %sign3A_38 = arith.subi %sign3A_34, %sign3A_37 : i32
    %ne3A_39 = vector.broadcast %sign3A_38 : i32 to vector<128x4096xi32>
    %ne3A_40 = arith.cmpi ne, %sign3A_31, %ne3A_39 : vector<128x4096xi32>
    %rem3A = vector.broadcast %jit3A_21 : i32 to vector<128x4096xi32>
    %rem3A_41 = arith.remsi %get3A_1, %rem3A : vector<128x4096xi32>
    %ne3A_42 = arith.constant 0 : i32
    %ne3A_43 = vector.broadcast %ne3A_42 : i32 to vector<128x4096xi32>
    %ne3A_44 = arith.cmpi ne, %rem3A_41, %ne3A_43 : vector<128x4096xi32>
    %and3A = arith.andi %ne3A_40, %ne3A_44 : vector<128x4096xi1>
    %sub3A = arith.constant 1 : i32
    %sub3A_45 = vector.broadcast %sub3A : i32 to vector<128x4096xi32>
    %sub3A_46 = arith.subi %div3A_23, %sub3A_45 : vector<128x4096xi32>
    %select_n3A_47 = arith.select %and3A, %sub3A_46, %div3A_23 : vector<128x4096xi1>, vector<128x4096xi32>
    %mul3A = arith.constant 71680 : i32
    %mul3A_48 = vector.broadcast %mul3A : i32 to vector<128x4096xi32>
    %mul3A_49 = arith.muli %select_n3A_47, %mul3A_48 : vector<128x4096xi32>
    %mul3A_50 = arith.constant 128 : i32
    %mul3A_51 = vector.broadcast %mul3A_50 : i32 to vector<128x4096xi32>
    %mul3A_52 = arith.muli %get3A_4, %mul3A_51 : vector<128x4096xi32>
    %add3A = arith.addi %mul3A_49, %mul3A_52 : vector<128x4096xi32>
    %jit3A_53 = arith.constant 128 : i32
    %eq3A = arith.constant 0 : i32
    %eq3A_54 = arith.cmpi eq, %jit3A_53, %eq3A : i32
    %jit3A_55 = arith.constant 1 : i32
    %select_n3A_56 = arith.select %eq3A_54, %jit3A_55, %jit3A_53 : i32
    %rem3A_57 = vector.broadcast %select_n3A_56 : i32 to vector<128x4096xi32>
    %rem3A_58 = arith.remsi %get3A_1, %rem3A_57 : vector<128x4096xi32>
    %ne3A_59 = arith.constant 0 : i32
    %ne3A_60 = vector.broadcast %ne3A_59 : i32 to vector<128x4096xi32>
    %ne3A_61 = arith.cmpi ne, %rem3A_58, %ne3A_60 : vector<128x4096xi32>
    %lt3A_62 = arith.constant 0 : i32
    %lt3A_63 = vector.broadcast %lt3A_62 : i32 to vector<128x4096xi32>
    %lt3A_64 = arith.cmpi slt, %rem3A_58, %lt3A_63 : vector<128x4096xi32>
    %lt3A_65 = arith.constant 0 : i32
    %lt3A_66 = arith.cmpi slt, %select_n3A_56, %lt3A_65 : i32
    %ne3A_67 = vector.broadcast %lt3A_66 : i1 to vector<128x4096xi1>
    %ne3A_68 = vector.broadcast %ne3A_67 : vector<128x4096xi1> to vector<128x4096xi1>
    %ne3A_69 = arith.xori %lt3A_64, %ne3A_68 : vector<128x4096xi1>
    %and3A_70 = arith.andi %ne3A_69, %ne3A_61 : vector<128x4096xi1>
    %add3A_71 = vector.broadcast %select_n3A_56 : i32 to vector<128x4096xi32>
    %add3A_72 = arith.addi %rem3A_58, %add3A_71 : vector<128x4096xi32>
    %select_n3A_73 = arith.select %and3A_70, %add3A_72, %rem3A_58 : vector<128x4096xi1>, vector<128x4096xi32>
    %add3A_74 = arith.addi %add3A, %select_n3A_73 : vector<128x4096xi32>
    %swap3A_75 = arith.constant 0 : index
    %swap3A_76 = arith.constant 0 : index
    %swap3A_77 = vector.load %arg4[%swap3A_75, %swap3A_76] : memref<128x4096xi32, #tpu.memory_space<vmem>>, vector<128x4096xi32>
    tpu.vector_store %arg4[%swap3A_75, %swap3A_76], %add3A_74 {strides = array<i32>} : memref<128x4096xi32, #tpu.memory_space<vmem>>, vector<128x4096xi32>,
    return
  }
}

module attributes {stable_mosaic.version = 14 : i64} {
  func.func @_gcn_body(%arg0: i32, %arg1: memref<4x558x128xf32, #tpu.memory_space<vmem>>, %arg2: memref<11200x128xf32, #tpu.memory_space<vmem>>, %arg3: memref<128x128xf32, #tpu.memory_space<vmem>>, %arg4: memref<1x128xf32, #tpu.memory_space<vmem>>, %arg5: memref<2232x128xf32, #tpu.memory_space<vmem>>) attributes {dimension_semantics = [#tpu.dimension_semantics<arbitrary>], iteration_bounds = array<i64: 32>, scalar_prefetch = 0 : i64, scratch_operands = 0 : i64, tpu.core_type = #tpu.core_type<tc>, window_params = [{transform_indices = @transform_0, window_bounds = array<i64: 4, 558, 128>}, {transform_indices = @transform_1, window_bounds = array<i64: 11200, 128>}, {pipeline_mode = #tpu.pipeline_mode<synchronous>, transform_indices = @transform_2, window_bounds = array<i64: 128, 128>}, {pipeline_mode = #tpu.pipeline_mode<synchronous>, transform_indices = @transform_3, window_bounds = array<i64: 1, 128>}, {transform_indices = @transform_4, window_bounds = array<i64: 2232, 128>}]} {
    %get3A = arith.constant 0 : index
    %get3A_0 = arith.constant 0 : index
    %get3A_1 = arith.constant 0 : index
    %get3A_2 = vector.load %arg1[%get3A, %get3A_0, %get3A_1] : memref<4x558x128xf32, #tpu.memory_space<vmem>>, vector<1x558x128xf32>
    %get3A_3 = vector.shape_cast %get3A_2 : vector<1x558x128xf32> to vector<558x128xf32>
    %get3A_4 = arith.constant 0 : index
    %get3A_5 = arith.constant 0 : index
    %get3A_6 = vector.load %arg2[%get3A_4, %get3A_5] : memref<11200x128xf32, #tpu.memory_space<vmem>>, vector<2800x128xf32>
    %get3A_7 = arith.constant 0 : index
    %get3A_8 = arith.constant 0 : index
    %get3A_9 = vector.load %arg3[%get3A_7, %get3A_8] : memref<128x128xf32, #tpu.memory_space<vmem>>, vector<128x128xf32>
    %dot_general3A = arith.constant dense<0.000000e+00> : vector<558x128xf32>
    %dot_general3A_10 = tpu.matmul %get3A_3, %get3A_9, %dot_general3A {dimension_numbers = #tpu.dot_dimension_numbers<[1], [0], [0], [1], [0, 0, 1, 1], [], []>, transpose_lhs_hint = false} : vector<558x128xf32>, vector<128x128xf32>, vector<558x128xf32> -> vector<558x128xf32>
    %broadcast_in_dim3A = arith.constant 0.000000e+00 : f32
    %broadcast_in_dim3A_11 = vector.broadcast %broadcast_in_dim3A : f32 to vector<2x128xf32>
    %concatenate3A = tpu.concatenate %dot_general3A_10, %broadcast_in_dim3A_11 in 0 : vector<558x128xf32>, vector<2x128xf32> -> vector<560x128xf32>
    %slice3A = vector.extract_strided_slice %get3A_6 {offsets = [0, 0], sizes = [560, 128], strides = [1, 1]} : vector<2800x128xf32> to vector<560x128xf32>
    %slice3A_12 = vector.extract_strided_slice %get3A_6 {offsets = [560, 0], sizes = [560, 128], strides = [1, 1]} : vector<2800x128xf32> to vector<560x128xf32>
    %slice3A_13 = vector.extract_strided_slice %get3A_6 {offsets = [1120, 0], sizes = [560, 128], strides = [1, 1]} : vector<2800x128xf32> to vector<560x128xf32>
    %slice3A_14 = vector.extract_strided_slice %get3A_6 {offsets = [1680, 0], sizes = [560, 128], strides = [1, 1]} : vector<2800x128xf32> to vector<560x128xf32>
    %slice3A_15 = vector.extract_strided_slice %get3A_6 {offsets = [2240, 0], sizes = [560, 128], strides = [1, 1]} : vector<2800x128xf32> to vector<560x128xf32>
    %add3A = arith.addf %slice3A, %slice3A_12 : vector<560x128xf32>
    %add3A_16 = arith.addf %add3A, %slice3A_13 : vector<560x128xf32>
    %add3A_17 = arith.addf %add3A_16, %slice3A_14 : vector<560x128xf32>
    %add3A_18 = arith.addf %add3A_17, %slice3A_15 : vector<560x128xf32>
    %reduce_sum3A = arith.constant dense<0.000000e+00> : vector<560xf32>
    %reduce_sum3A_19 = vector.multi_reduction <add>, %add3A_18, %reduce_sum3A [1] : vector<560x128xf32> to vector<560xf32>
    %add3A_20 = arith.constant 1.000000e+00 : f32
    %add3A_21 = vector.broadcast %add3A_20 : f32 to vector<560xf32>
    %add3A_22 = arith.addf %add3A_21, %reduce_sum3A_19 : vector<560xf32>
    %rsqrt3A = math.rsqrt %add3A_22 : vector<560xf32>
    %broadcast_in_dim3A_23 = vector.shape_cast %rsqrt3A : vector<560xf32> to vector<560x1xf32>
    %mul3A = vector.broadcast %broadcast_in_dim3A_23 : vector<560x1xf32> to vector<560x128xf32>
    %mul3A_24 = arith.mulf %concatenate3A, %mul3A : vector<560x128xf32>
    %broadcast_in_dim3A_25 = arith.constant 0.000000e+00 : f32
    %broadcast_in_dim3A_26 = vector.broadcast %broadcast_in_dim3A_25 : f32 to vector<80x128xf32>
    %concatenate3A_27 = tpu.concatenate %mul3A_24, %broadcast_in_dim3A_26 in 0 : vector<560x128xf32>, vector<80x128xf32> -> vector<640x128xf32>
    %broadcast_in_dim3A_28 = arith.constant 0.000000e+00 : f32
    %broadcast_in_dim3A_29 = vector.broadcast %broadcast_in_dim3A_28 : f32 to vector<560x128xf32>
    %slice3A_30 = vector.extract_strided_slice %concatenate3A_27 {offsets = [0, 0], sizes = [128, 128], strides = [1, 1]} : vector<640x128xf32> to vector<128x128xf32>
    %dot_general3A_31 = arith.constant dense<0.000000e+00> : vector<560x128xf32>
    %dot_general3A_32 = tpu.matmul %slice3A, %slice3A_30, %dot_general3A_31 {dimension_numbers = #tpu.dot_dimension_numbers<[1], [0], [0], [1], [0, 0, 1, 1], [], []>, transpose_lhs_hint = false} : vector<560x128xf32>, vector<128x128xf32>, vector<560x128xf32> -> vector<560x128xf32>
    %add3A_33 = arith.addf %broadcast_in_dim3A_29, %dot_general3A_32 : vector<560x128xf32>
    %slice3A_34 = vector.extract_strided_slice %concatenate3A_27 {offsets = [128, 0], sizes = [128, 128], strides = [1, 1]} : vector<640x128xf32> to vector<128x128xf32>
    %dot_general3A_35 = arith.constant dense<0.000000e+00> : vector<560x128xf32>
    %dot_general3A_36 = tpu.matmul %slice3A_12, %slice3A_34, %dot_general3A_35 {dimension_numbers = #tpu.dot_dimension_numbers<[1], [0], [0], [1], [0, 0, 1, 1], [], []>, transpose_lhs_hint = false} : vector<560x128xf32>, vector<128x128xf32>, vector<560x128xf32> -> vector<560x128xf32>
    %add3A_37 = arith.addf %add3A_33, %dot_general3A_36 : vector<560x128xf32>
    %slice3A_38 = vector.extract_strided_slice %concatenate3A_27 {offsets = [256, 0], sizes = [128, 128], strides = [1, 1]} : vector<640x128xf32> to vector<128x128xf32>
    %dot_general3A_39 = arith.constant dense<0.000000e+00> : vector<560x128xf32>
    %dot_general3A_40 = tpu.matmul %slice3A_13, %slice3A_38, %dot_general3A_39 {dimension_numbers = #tpu.dot_dimension_numbers<[1], [0], [0], [1], [0, 0, 1, 1], [], []>, transpose_lhs_hint = false} : vector<560x128xf32>, vector<128x128xf32>, vector<560x128xf32> -> vector<560x128xf32>
    %add3A_41 = arith.addf %add3A_37, %dot_general3A_40 : vector<560x128xf32>
    %slice3A_42 = vector.extract_strided_slice %concatenate3A_27 {offsets = [384, 0], sizes = [128, 128], strides = [1, 1]} : vector<640x128xf32> to vector<128x128xf32>
    %dot_general3A_43 = arith.constant dense<0.000000e+00> : vector<560x128xf32>
    %dot_general3A_44 = tpu.matmul %slice3A_14, %slice3A_42, %dot_general3A_43 {dimension_numbers = #tpu.dot_dimension_numbers<[1], [0], [0], [1], [0, 0, 1, 1], [], []>, transpose_lhs_hint = false} : vector<560x128xf32>, vector<128x128xf32>, vector<560x128xf32> -> vector<560x128xf32>
    %add3A_45 = arith.addf %add3A_41, %dot_general3A_44 : vector<560x128xf32>
    %slice3A_46 = vector.extract_strided_slice %concatenate3A_27 {offsets = [512, 0], sizes = [128, 128], strides = [1, 1]} : vector<640x128xf32> to vector<128x128xf32>
    %dot_general3A_47 = arith.constant dense<0.000000e+00> : vector<560x128xf32>
    %dot_general3A_48 = tpu.matmul %slice3A_15, %slice3A_46, %dot_general3A_47 {dimension_numbers = #tpu.dot_dimension_numbers<[1], [0], [0], [1], [0, 0, 1, 1], [], []>, transpose_lhs_hint = false} : vector<560x128xf32>, vector<128x128xf32>, vector<560x128xf32> -> vector<560x128xf32>
    %add3A_49 = arith.addf %add3A_45, %dot_general3A_48 : vector<560x128xf32>
    %broadcast_in_dim3A_50 = vector.shape_cast %rsqrt3A : vector<560xf32> to vector<560x1xf32>
    %add3A_51 = arith.addf %add3A_49, %mul3A_24 : vector<560x128xf32>
    %mul3A_52 = vector.broadcast %broadcast_in_dim3A_50 : vector<560x1xf32> to vector<560x128xf32>
    %mul3A_53 = arith.mulf %mul3A_52, %add3A_51 : vector<560x128xf32>
    %get3A_54 = arith.constant 0 : index
    %get3A_55 = arith.constant 0 : index
    %get3A_56 = vector.load %arg4[%get3A_54, %get3A_55] : memref<1x128xf32, #tpu.memory_space<vmem>>, vector<1x128xf32>
    %add3A_57 = vector.broadcast %get3A_56 : vector<1x128xf32> to vector<560x128xf32>
    %add3A_58 = arith.addf %mul3A_53, %add3A_57 : vector<560x128xf32>
    %slice3A_59 = vector.extract_strided_slice %add3A_58 {offsets = [0, 0], sizes = [558, 128], strides = [1, 1]} : vector<560x128xf32> to vector<558x128xf32>
    %swap3A = arith.constant 0 : index
    %swap3A_60 = arith.constant 0 : index
    %swap3A_61 = vector.load %arg5[%swap3A, %swap3A_60] : memref<2232x128xf32, #tpu.memory_space<vmem>>, vector<558x128xf32>
    tpu.vector_store %arg5[%swap3A, %swap3A_60], %slice3A_59 {strides = array<i32>} : memref<2232x128xf32, #tpu.memory_space<vmem>>, vector<558x128xf32>,
    %get3A_62 = arith.constant 1 : index
    %get3A_63 = arith.constant 0 : index
    %get3A_64 = arith.constant 0 : index
    %get3A_65 = vector.load %arg1[%get3A_62, %get3A_63, %get3A_64] : memref<4x558x128xf32, #tpu.memory_space<vmem>>, vector<1x558x128xf32>
    %get3A_66 = vector.shape_cast %get3A_65 : vector<1x558x128xf32> to vector<558x128xf32>
    %get3A_67 = arith.constant 2800 : index
    %get3A_68 = arith.constant 0 : index
    %get3A_69 = vector.load %arg2[%get3A_67, %get3A_68] : memref<11200x128xf32, #tpu.memory_space<vmem>>, vector<2800x128xf32>
    %get3A_70 = arith.constant 0 : index
    %get3A_71 = arith.constant 0 : index
    %get3A_72 = vector.load %arg3[%get3A_70, %get3A_71] : memref<128x128xf32, #tpu.memory_space<vmem>>, vector<128x128xf32>
    %dot_general3A_73 = arith.constant dense<0.000000e+00> : vector<558x128xf32>
    %dot_general3A_74 = tpu.matmul %get3A_66, %get3A_72, %dot_general3A_73 {dimension_numbers = #tpu.dot_dimension_numbers<[1], [0], [0], [1], [0, 0, 1, 1], [], []>, transpose_lhs_hint = false} : vector<558x128xf32>, vector<128x128xf32>, vector<558x128xf32> -> vector<558x128xf32>
    %broadcast_in_dim3A_75 = arith.constant 0.000000e+00 : f32
    %broadcast_in_dim3A_76 = vector.broadcast %broadcast_in_dim3A_75 : f32 to vector<2x128xf32>
    %concatenate3A_77 = tpu.concatenate %dot_general3A_74, %broadcast_in_dim3A_76 in 0 : vector<558x128xf32>, vector<2x128xf32> -> vector<560x128xf32>
    %slice3A_78 = vector.extract_strided_slice %get3A_69 {offsets = [0, 0], sizes = [560, 128], strides = [1, 1]} : vector<2800x128xf32> to vector<560x128xf32>
    %slice3A_79 = vector.extract_strided_slice %get3A_69 {offsets = [560, 0], sizes = [560, 128], strides = [1, 1]} : vector<2800x128xf32> to vector<560x128xf32>
    %slice3A_80 = vector.extract_strided_slice %get3A_69 {offsets = [1120, 0], sizes = [560, 128], strides = [1, 1]} : vector<2800x128xf32> to vector<560x128xf32>
    %slice3A_81 = vector.extract_strided_slice %get3A_69 {offsets = [1680, 0], sizes = [560, 128], strides = [1, 1]} : vector<2800x128xf32> to vector<560x128xf32>
    %slice3A_82 = vector.extract_strided_slice %get3A_69 {offsets = [2240, 0], sizes = [560, 128], strides = [1, 1]} : vector<2800x128xf32> to vector<560x128xf32>
    %add3A_83 = arith.addf %slice3A_78, %slice3A_79 : vector<560x128xf32>
    %add3A_84 = arith.addf %add3A_83, %slice3A_80 : vector<560x128xf32>
    %add3A_85 = arith.addf %add3A_84, %slice3A_81 : vector<560x128xf32>
    %add3A_86 = arith.addf %add3A_85, %slice3A_82 : vector<560x128xf32>
    %reduce_sum3A_87 = arith.constant dense<0.000000e+00> : vector<560xf32>
    %reduce_sum3A_88 = vector.multi_reduction <add>, %add3A_86, %reduce_sum3A_87 [1] : vector<560x128xf32> to vector<560xf32>
    %add3A_89 = arith.constant 1.000000e+00 : f32
    %add3A_90 = vector.broadcast %add3A_89 : f32 to vector<560xf32>
    %add3A_91 = arith.addf %add3A_90, %reduce_sum3A_88 : vector<560xf32>
    %rsqrt3A_92 = math.rsqrt %add3A_91 : vector<560xf32>
    %broadcast_in_dim3A_93 = vector.shape_cast %rsqrt3A_92 : vector<560xf32> to vector<560x1xf32>
    %mul3A_94 = vector.broadcast %broadcast_in_dim3A_93 : vector<560x1xf32> to vector<560x128xf32>
    %mul3A_95 = arith.mulf %concatenate3A_77, %mul3A_94 : vector<560x128xf32>
    %broadcast_in_dim3A_96 = arith.constant 0.000000e+00 : f32
    %broadcast_in_dim3A_97 = vector.broadcast %broadcast_in_dim3A_96 : f32 to vector<80x128xf32>
    %concatenate3A_98 = tpu.concatenate %mul3A_95, %broadcast_in_dim3A_97 in 0 : vector<560x128xf32>, vector<80x128xf32> -> vector<640x128xf32>
    %broadcast_in_dim3A_99 = arith.constant 0.000000e+00 : f32
    %broadcast_in_dim3A_100 = vector.broadcast %broadcast_in_dim3A_99 : f32 to vector<560x128xf32>
    %slice3A_101 = vector.extract_strided_slice %concatenate3A_98 {offsets = [0, 0], sizes = [128, 128], strides = [1, 1]} : vector<640x128xf32> to vector<128x128xf32>
    %dot_general3A_102 = arith.constant dense<0.000000e+00> : vector<560x128xf32>
    %dot_general3A_103 = tpu.matmul %slice3A_78, %slice3A_101, %dot_general3A_102 {dimension_numbers = #tpu.dot_dimension_numbers<[1], [0], [0], [1], [0, 0, 1, 1], [], []>, transpose_lhs_hint = false} : vector<560x128xf32>, vector<128x128xf32>, vector<560x128xf32> -> vector<560x128xf32>
    %add3A_104 = arith.addf %broadcast_in_dim3A_100, %dot_general3A_103 : vector<560x128xf32>
    %slice3A_105 = vector.extract_strided_slice %concatenate3A_98 {offsets = [128, 0], sizes = [128, 128], strides = [1, 1]} : vector<640x128xf32> to vector<128x128xf32>
    %dot_general3A_106 = arith.constant dense<0.000000e+00> : vector<560x128xf32>
    %dot_general3A_107 = tpu.matmul %slice3A_79, %slice3A_105, %dot_general3A_106 {dimension_numbers = #tpu.dot_dimension_numbers<[1], [0], [0], [1], [0, 0, 1, 1], [], []>, transpose_lhs_hint = false} : vector<560x128xf32>, vector<128x128xf32>, vector<560x128xf32> -> vector<560x128xf32>
    %add3A_108 = arith.addf %add3A_104, %dot_general3A_107 : vector<560x128xf32>
    %slice3A_109 = vector.extract_strided_slice %concatenate3A_98 {offsets = [256, 0], sizes = [128, 128], strides = [1, 1]} : vector<640x128xf32> to vector<128x128xf32>
    %dot_general3A_110 = arith.constant dense<0.000000e+00> : vector<560x128xf32>
    %dot_general3A_111 = tpu.matmul %slice3A_80, %slice3A_109, %dot_general3A_110 {dimension_numbers = #tpu.dot_dimension_numbers<[1], [0], [0], [1], [0, 0, 1, 1], [], []>, transpose_lhs_hint = false} : vector<560x128xf32>, vector<128x128xf32>, vector<560x128xf32> -> vector<560x128xf32>
    %add3A_112 = arith.addf %add3A_108, %dot_general3A_111 : vector<560x128xf32>
    %slice3A_113 = vector.extract_strided_slice %concatenate3A_98 {offsets = [384, 0], sizes = [128, 128], strides = [1, 1]} : vector<640x128xf32> to vector<128x128xf32>
    %dot_general3A_114 = arith.constant dense<0.000000e+00> : vector<560x128xf32>
    %dot_general3A_115 = tpu.matmul %slice3A_81, %slice3A_113, %dot_general3A_114 {dimension_numbers = #tpu.dot_dimension_numbers<[1], [0], [0], [1], [0, 0, 1, 1], [], []>, transpose_lhs_hint = false} : vector<560x128xf32>, vector<128x128xf32>, vector<560x128xf32> -> vector<560x128xf32>
    %add3A_116 = arith.addf %add3A_112, %dot_general3A_115 : vector<560x128xf32>
    %slice3A_117 = vector.extract_strided_slice %concatenate3A_98 {offsets = [512, 0], sizes = [128, 128], strides = [1, 1]} : vector<640x128xf32> to vector<128x128xf32>
    %dot_general3A_118 = arith.constant dense<0.000000e+00> : vector<560x128xf32>
    %dot_general3A_119 = tpu.matmul %slice3A_82, %slice3A_117, %dot_general3A_118 {dimension_numbers = #tpu.dot_dimension_numbers<[1], [0], [0], [1], [0, 0, 1, 1], [], []>, transpose_lhs_hint = false} : vector<560x128xf32>, vector<128x128xf32>, vector<560x128xf32> -> vector<560x128xf32>
    %add3A_120 = arith.addf %add3A_116, %dot_general3A_119 : vector<560x128xf32>
    %broadcast_in_dim3A_121 = vector.shape_cast %rsqrt3A_92 : vector<560xf32> to vector<560x1xf32>
    %add3A_122 = arith.addf %add3A_120, %mul3A_95 : vector<560x128xf32>
    %mul3A_123 = vector.broadcast %broadcast_in_dim3A_121 : vector<560x1xf32> to vector<560x128xf32>
    %mul3A_124 = arith.mulf %mul3A_123, %add3A_122 : vector<560x128xf32>
    %get3A_125 = arith.constant 0 : index
    %get3A_126 = arith.constant 0 : index
    %get3A_127 = vector.load %arg4[%get3A_125, %get3A_126] : memref<1x128xf32, #tpu.memory_space<vmem>>, vector<1x128xf32>
    %add3A_128 = vector.broadcast %get3A_127 : vector<1x128xf32> to vector<560x128xf32>
    %add3A_129 = arith.addf %mul3A_124, %add3A_128 : vector<560x128xf32>
    %slice3A_130 = vector.extract_strided_slice %add3A_129 {offsets = [0, 0], sizes = [558, 128], strides = [1, 1]} : vector<560x128xf32> to vector<558x128xf32>
    %swap3A_131 = arith.constant 558 : index
    %swap3A_132 = arith.constant 0 : index
    %swap3A_133 = vector.load %arg5[%swap3A_131, %swap3A_132] : memref<2232x128xf32, #tpu.memory_space<vmem>>, vector<558x128xf32>
    tpu.vector_store %arg5[%swap3A_131, %swap3A_132], %slice3A_130 {strides = array<i32>} : memref<2232x128xf32, #tpu.memory_space<vmem>>, vector<558x128xf32>,
    %get3A_134 = arith.constant 2 : index
    %get3A_135 = arith.constant 0 : index
    %get3A_136 = arith.constant 0 : index
    %get3A_137 = vector.load %arg1[%get3A_134, %get3A_135, %get3A_136] : memref<4x558x128xf32, #tpu.memory_space<vmem>>, vector<1x558x128xf32>
    %get3A_138 = vector.shape_cast %get3A_137 : vector<1x558x128xf32> to vector<558x128xf32>
    %get3A_139 = arith.constant 5600 : index
    %get3A_140 = arith.constant 0 : index
    %get3A_141 = vector.load %arg2[%get3A_139, %get3A_140] : memref<11200x128xf32, #tpu.memory_space<vmem>>, vector<2800x128xf32>
    %get3A_142 = arith.constant 0 : index
    %get3A_143 = arith.constant 0 : index
    %get3A_144 = vector.load %arg3[%get3A_142, %get3A_143] : memref<128x128xf32, #tpu.memory_space<vmem>>, vector<128x128xf32>
    %dot_general3A_145 = arith.constant dense<0.000000e+00> : vector<558x128xf32>
    %dot_general3A_146 = tpu.matmul %get3A_138, %get3A_144, %dot_general3A_145 {dimension_numbers = #tpu.dot_dimension_numbers<[1], [0], [0], [1], [0, 0, 1, 1], [], []>, transpose_lhs_hint = false} : vector<558x128xf32>, vector<128x128xf32>, vector<558x128xf32> -> vector<558x128xf32>
    %broadcast_in_dim3A_147 = arith.constant 0.000000e+00 : f32
    %broadcast_in_dim3A_148 = vector.broadcast %broadcast_in_dim3A_147 : f32 to vector<2x128xf32>
    %concatenate3A_149 = tpu.concatenate %dot_general3A_146, %broadcast_in_dim3A_148 in 0 : vector<558x128xf32>, vector<2x128xf32> -> vector<560x128xf32>
    %slice3A_150 = vector.extract_strided_slice %get3A_141 {offsets = [0, 0], sizes = [560, 128], strides = [1, 1]} : vector<2800x128xf32> to vector<560x128xf32>
    %slice3A_151 = vector.extract_strided_slice %get3A_141 {offsets = [560, 0], sizes = [560, 128], strides = [1, 1]} : vector<2800x128xf32> to vector<560x128xf32>
    %slice3A_152 = vector.extract_strided_slice %get3A_141 {offsets = [1120, 0], sizes = [560, 128], strides = [1, 1]} : vector<2800x128xf32> to vector<560x128xf32>
    %slice3A_153 = vector.extract_strided_slice %get3A_141 {offsets = [1680, 0], sizes = [560, 128], strides = [1, 1]} : vector<2800x128xf32> to vector<560x128xf32>
    %slice3A_154 = vector.extract_strided_slice %get3A_141 {offsets = [2240, 0], sizes = [560, 128], strides = [1, 1]} : vector<2800x128xf32> to vector<560x128xf32>
    %add3A_155 = arith.addf %slice3A_150, %slice3A_151 : vector<560x128xf32>
    %add3A_156 = arith.addf %add3A_155, %slice3A_152 : vector<560x128xf32>
    %add3A_157 = arith.addf %add3A_156, %slice3A_153 : vector<560x128xf32>
    %add3A_158 = arith.addf %add3A_157, %slice3A_154 : vector<560x128xf32>
    %reduce_sum3A_159 = arith.constant dense<0.000000e+00> : vector<560xf32>
    %reduce_sum3A_160 = vector.multi_reduction <add>, %add3A_158, %reduce_sum3A_159 [1] : vector<560x128xf32> to vector<560xf32>
    %add3A_161 = arith.constant 1.000000e+00 : f32
    %add3A_162 = vector.broadcast %add3A_161 : f32 to vector<560xf32>
    %add3A_163 = arith.addf %add3A_162, %reduce_sum3A_160 : vector<560xf32>
    %rsqrt3A_164 = math.rsqrt %add3A_163 : vector<560xf32>
    %broadcast_in_dim3A_165 = vector.shape_cast %rsqrt3A_164 : vector<560xf32> to vector<560x1xf32>
    %mul3A_166 = vector.broadcast %broadcast_in_dim3A_165 : vector<560x1xf32> to vector<560x128xf32>
    %mul3A_167 = arith.mulf %concatenate3A_149, %mul3A_166 : vector<560x128xf32>
    %broadcast_in_dim3A_168 = arith.constant 0.000000e+00 : f32
    %broadcast_in_dim3A_169 = vector.broadcast %broadcast_in_dim3A_168 : f32 to vector<80x128xf32>
    %concatenate3A_170 = tpu.concatenate %mul3A_167, %broadcast_in_dim3A_169 in 0 : vector<560x128xf32>, vector<80x128xf32> -> vector<640x128xf32>
    %broadcast_in_dim3A_171 = arith.constant 0.000000e+00 : f32
    %broadcast_in_dim3A_172 = vector.broadcast %broadcast_in_dim3A_171 : f32 to vector<560x128xf32>
    %slice3A_173 = vector.extract_strided_slice %concatenate3A_170 {offsets = [0, 0], sizes = [128, 128], strides = [1, 1]} : vector<640x128xf32> to vector<128x128xf32>
    %dot_general3A_174 = arith.constant dense<0.000000e+00> : vector<560x128xf32>
    %dot_general3A_175 = tpu.matmul %slice3A_150, %slice3A_173, %dot_general3A_174 {dimension_numbers = #tpu.dot_dimension_numbers<[1], [0], [0], [1], [0, 0, 1, 1], [], []>, transpose_lhs_hint = false} : vector<560x128xf32>, vector<128x128xf32>, vector<560x128xf32> -> vector<560x128xf32>
    %add3A_176 = arith.addf %broadcast_in_dim3A_172, %dot_general3A_175 : vector<560x128xf32>
    %slice3A_177 = vector.extract_strided_slice %concatenate3A_170 {offsets = [128, 0], sizes = [128, 128], strides = [1, 1]} : vector<640x128xf32> to vector<128x128xf32>
    %dot_general3A_178 = arith.constant dense<0.000000e+00> : vector<560x128xf32>
    %dot_general3A_179 = tpu.matmul %slice3A_151, %slice3A_177, %dot_general3A_178 {dimension_numbers = #tpu.dot_dimension_numbers<[1], [0], [0], [1], [0, 0, 1, 1], [], []>, transpose_lhs_hint = false} : vector<560x128xf32>, vector<128x128xf32>, vector<560x128xf32> -> vector<560x128xf32>
    %add3A_180 = arith.addf %add3A_176, %dot_general3A_179 : vector<560x128xf32>
    %slice3A_181 = vector.extract_strided_slice %concatenate3A_170 {offsets = [256, 0], sizes = [128, 128], strides = [1, 1]} : vector<640x128xf32> to vector<128x128xf32>
    %dot_general3A_182 = arith.constant dense<0.000000e+00> : vector<560x128xf32>
    %dot_general3A_183 = tpu.matmul %slice3A_152, %slice3A_181, %dot_general3A_182 {dimension_numbers = #tpu.dot_dimension_numbers<[1], [0], [0], [1], [0, 0, 1, 1], [], []>, transpose_lhs_hint = false} : vector<560x128xf32>, vector<128x128xf32>, vector<560x128xf32> -> vector<560x128xf32>
    %add3A_184 = arith.addf %add3A_180, %dot_general3A_183 : vector<560x128xf32>
    %slice3A_185 = vector.extract_strided_slice %concatenate3A_170 {offsets = [384, 0], sizes = [128, 128], strides = [1, 1]} : vector<640x128xf32> to vector<128x128xf32>
    %dot_general3A_186 = arith.constant dense<0.000000e+00> : vector<560x128xf32>
    %dot_general3A_187 = tpu.matmul %slice3A_153, %slice3A_185, %dot_general3A_186 {dimension_numbers = #tpu.dot_dimension_numbers<[1], [0], [0], [1], [0, 0, 1, 1], [], []>, transpose_lhs_hint = false} : vector<560x128xf32>, vector<128x128xf32>, vector<560x128xf32> -> vector<560x128xf32>
    %add3A_188 = arith.addf %add3A_184, %dot_general3A_187 : vector<560x128xf32>
    %slice3A_189 = vector.extract_strided_slice %concatenate3A_170 {offsets = [512, 0], sizes = [128, 128], strides = [1, 1]} : vector<640x128xf32> to vector<128x128xf32>
    %dot_general3A_190 = arith.constant dense<0.000000e+00> : vector<560x128xf32>
    %dot_general3A_191 = tpu.matmul %slice3A_154, %slice3A_189, %dot_general3A_190 {dimension_numbers = #tpu.dot_dimension_numbers<[1], [0], [0], [1], [0, 0, 1, 1], [], []>, transpose_lhs_hint = false} : vector<560x128xf32>, vector<128x128xf32>, vector<560x128xf32> -> vector<560x128xf32>
    %add3A_192 = arith.addf %add3A_188, %dot_general3A_191 : vector<560x128xf32>
    %broadcast_in_dim3A_193 = vector.shape_cast %rsqrt3A_164 : vector<560xf32> to vector<560x1xf32>
    %add3A_194 = arith.addf %add3A_192, %mul3A_167 : vector<560x128xf32>
    %mul3A_195 = vector.broadcast %broadcast_in_dim3A_193 : vector<560x1xf32> to vector<560x128xf32>
    %mul3A_196 = arith.mulf %mul3A_195, %add3A_194 : vector<560x128xf32>
    %get3A_197 = arith.constant 0 : index
    %get3A_198 = arith.constant 0 : index
    %get3A_199 = vector.load %arg4[%get3A_197, %get3A_198] : memref<1x128xf32, #tpu.memory_space<vmem>>, vector<1x128xf32>
    %add3A_200 = vector.broadcast %get3A_199 : vector<1x128xf32> to vector<560x128xf32>
    %add3A_201 = arith.addf %mul3A_196, %add3A_200 : vector<560x128xf32>
    %slice3A_202 = vector.extract_strided_slice %add3A_201 {offsets = [0, 0], sizes = [558, 128], strides = [1, 1]} : vector<560x128xf32> to vector<558x128xf32>
    %swap3A_203 = arith.constant 1116 : index
    %swap3A_204 = arith.constant 0 : index
    %swap3A_205 = vector.load %arg5[%swap3A_203, %swap3A_204] : memref<2232x128xf32, #tpu.memory_space<vmem>>, vector<558x128xf32>
    tpu.vector_store %arg5[%swap3A_203, %swap3A_204], %slice3A_202 {strides = array<i32>} : memref<2232x128xf32, #tpu.memory_space<vmem>>, vector<558x128xf32>,
    %get3A_206 = arith.constant 3 : index
    %get3A_207 = arith.constant 0 : index
    %get3A_208 = arith.constant 0 : index
    %get3A_209 = vector.load %arg1[%get3A_206, %get3A_207, %get3A_208] : memref<4x558x128xf32, #tpu.memory_space<vmem>>, vector<1x558x128xf32>
    %get3A_210 = vector.shape_cast %get3A_209 : vector<1x558x128xf32> to vector<558x128xf32>
    %get3A_211 = arith.constant 8400 : index
    %get3A_212 = arith.constant 0 : index
    %get3A_213 = vector.load %arg2[%get3A_211, %get3A_212] : memref<11200x128xf32, #tpu.memory_space<vmem>>, vector<2800x128xf32>
    %get3A_214 = arith.constant 0 : index
    %get3A_215 = arith.constant 0 : index
    %get3A_216 = vector.load %arg3[%get3A_214, %get3A_215] : memref<128x128xf32, #tpu.memory_space<vmem>>, vector<128x128xf32>
    %dot_general3A_217 = arith.constant dense<0.000000e+00> : vector<558x128xf32>
    %dot_general3A_218 = tpu.matmul %get3A_210, %get3A_216, %dot_general3A_217 {dimension_numbers = #tpu.dot_dimension_numbers<[1], [0], [0], [1], [0, 0, 1, 1], [], []>, transpose_lhs_hint = false} : vector<558x128xf32>, vector<128x128xf32>, vector<558x128xf32> -> vector<558x128xf32>
    %broadcast_in_dim3A_219 = arith.constant 0.000000e+00 : f32
    %broadcast_in_dim3A_220 = vector.broadcast %broadcast_in_dim3A_219 : f32 to vector<2x128xf32>
    %concatenate3A_221 = tpu.concatenate %dot_general3A_218, %broadcast_in_dim3A_220 in 0 : vector<558x128xf32>, vector<2x128xf32> -> vector<560x128xf32>
    %slice3A_222 = vector.extract_strided_slice %get3A_213 {offsets = [0, 0], sizes = [560, 128], strides = [1, 1]} : vector<2800x128xf32> to vector<560x128xf32>
    %slice3A_223 = vector.extract_strided_slice %get3A_213 {offsets = [560, 0], sizes = [560, 128], strides = [1, 1]} : vector<2800x128xf32> to vector<560x128xf32>
    %slice3A_224 = vector.extract_strided_slice %get3A_213 {offsets = [1120, 0], sizes = [560, 128], strides = [1, 1]} : vector<2800x128xf32> to vector<560x128xf32>
    %slice3A_225 = vector.extract_strided_slice %get3A_213 {offsets = [1680, 0], sizes = [560, 128], strides = [1, 1]} : vector<2800x128xf32> to vector<560x128xf32>
    %slice3A_226 = vector.extract_strided_slice %get3A_213 {offsets = [2240, 0], sizes = [560, 128], strides = [1, 1]} : vector<2800x128xf32> to vector<560x128xf32>
    %add3A_227 = arith.addf %slice3A_222, %slice3A_223 : vector<560x128xf32>
    %add3A_228 = arith.addf %add3A_227, %slice3A_224 : vector<560x128xf32>
    %add3A_229 = arith.addf %add3A_228, %slice3A_225 : vector<560x128xf32>
    %add3A_230 = arith.addf %add3A_229, %slice3A_226 : vector<560x128xf32>
    %reduce_sum3A_231 = arith.constant dense<0.000000e+00> : vector<560xf32>
    %reduce_sum3A_232 = vector.multi_reduction <add>, %add3A_230, %reduce_sum3A_231 [1] : vector<560x128xf32> to vector<560xf32>
    %add3A_233 = arith.constant 1.000000e+00 : f32
    %add3A_234 = vector.broadcast %add3A_233 : f32 to vector<560xf32>
    %add3A_235 = arith.addf %add3A_234, %reduce_sum3A_232 : vector<560xf32>
    %rsqrt3A_236 = math.rsqrt %add3A_235 : vector<560xf32>
    %broadcast_in_dim3A_237 = vector.shape_cast %rsqrt3A_236 : vector<560xf32> to vector<560x1xf32>
    %mul3A_238 = vector.broadcast %broadcast_in_dim3A_237 : vector<560x1xf32> to vector<560x128xf32>
    %mul3A_239 = arith.mulf %concatenate3A_221, %mul3A_238 : vector<560x128xf32>
    %broadcast_in_dim3A_240 = arith.constant 0.000000e+00 : f32
    %broadcast_in_dim3A_241 = vector.broadcast %broadcast_in_dim3A_240 : f32 to vector<80x128xf32>
    %concatenate3A_242 = tpu.concatenate %mul3A_239, %broadcast_in_dim3A_241 in 0 : vector<560x128xf32>, vector<80x128xf32> -> vector<640x128xf32>
    %broadcast_in_dim3A_243 = arith.constant 0.000000e+00 : f32
    %broadcast_in_dim3A_244 = vector.broadcast %broadcast_in_dim3A_243 : f32 to vector<560x128xf32>
    %slice3A_245 = vector.extract_strided_slice %concatenate3A_242 {offsets = [0, 0], sizes = [128, 128], strides = [1, 1]} : vector<640x128xf32> to vector<128x128xf32>
    %dot_general3A_246 = arith.constant dense<0.000000e+00> : vector<560x128xf32>
    %dot_general3A_247 = tpu.matmul %slice3A_222, %slice3A_245, %dot_general3A_246 {dimension_numbers = #tpu.dot_dimension_numbers<[1], [0], [0], [1], [0, 0, 1, 1], [], []>, transpose_lhs_hint = false} : vector<560x128xf32>, vector<128x128xf32>, vector<560x128xf32> -> vector<560x128xf32>
    %add3A_248 = arith.addf %broadcast_in_dim3A_244, %dot_general3A_247 : vector<560x128xf32>
    %slice3A_249 = vector.extract_strided_slice %concatenate3A_242 {offsets = [128, 0], sizes = [128, 128], strides = [1, 1]} : vector<640x128xf32> to vector<128x128xf32>
    %dot_general3A_250 = arith.constant dense<0.000000e+00> : vector<560x128xf32>
    %dot_general3A_251 = tpu.matmul %slice3A_223, %slice3A_249, %dot_general3A_250 {dimension_numbers = #tpu.dot_dimension_numbers<[1], [0], [0], [1], [0, 0, 1, 1], [], []>, transpose_lhs_hint = false} : vector<560x128xf32>, vector<128x128xf32>, vector<560x128xf32> -> vector<560x128xf32>
    %add3A_252 = arith.addf %add3A_248, %dot_general3A_251 : vector<560x128xf32>
    %slice3A_253 = vector.extract_strided_slice %concatenate3A_242 {offsets = [256, 0], sizes = [128, 128], strides = [1, 1]} : vector<640x128xf32> to vector<128x128xf32>
    %dot_general3A_254 = arith.constant dense<0.000000e+00> : vector<560x128xf32>
    %dot_general3A_255 = tpu.matmul %slice3A_224, %slice3A_253, %dot_general3A_254 {dimension_numbers = #tpu.dot_dimension_numbers<[1], [0], [0], [1], [0, 0, 1, 1], [], []>, transpose_lhs_hint = false} : vector<560x128xf32>, vector<128x128xf32>, vector<560x128xf32> -> vector<560x128xf32>
    %add3A_256 = arith.addf %add3A_252, %dot_general3A_255 : vector<560x128xf32>
    %slice3A_257 = vector.extract_strided_slice %concatenate3A_242 {offsets = [384, 0], sizes = [128, 128], strides = [1, 1]} : vector<640x128xf32> to vector<128x128xf32>
    %dot_general3A_258 = arith.constant dense<0.000000e+00> : vector<560x128xf32>
    %dot_general3A_259 = tpu.matmul %slice3A_225, %slice3A_257, %dot_general3A_258 {dimension_numbers = #tpu.dot_dimension_numbers<[1], [0], [0], [1], [0, 0, 1, 1], [], []>, transpose_lhs_hint = false} : vector<560x128xf32>, vector<128x128xf32>, vector<560x128xf32> -> vector<560x128xf32>
    %add3A_260 = arith.addf %add3A_256, %dot_general3A_259 : vector<560x128xf32>
    %slice3A_261 = vector.extract_strided_slice %concatenate3A_242 {offsets = [512, 0], sizes = [128, 128], strides = [1, 1]} : vector<640x128xf32> to vector<128x128xf32>
    %dot_general3A_262 = arith.constant dense<0.000000e+00> : vector<560x128xf32>
    %dot_general3A_263 = tpu.matmul %slice3A_226, %slice3A_261, %dot_general3A_262 {dimension_numbers = #tpu.dot_dimension_numbers<[1], [0], [0], [1], [0, 0, 1, 1], [], []>, transpose_lhs_hint = false} : vector<560x128xf32>, vector<128x128xf32>, vector<560x128xf32> -> vector<560x128xf32>
    %add3A_264 = arith.addf %add3A_260, %dot_general3A_263 : vector<560x128xf32>
    %broadcast_in_dim3A_265 = vector.shape_cast %rsqrt3A_236 : vector<560xf32> to vector<560x1xf32>
    %add3A_266 = arith.addf %add3A_264, %mul3A_239 : vector<560x128xf32>
    %mul3A_267 = vector.broadcast %broadcast_in_dim3A_265 : vector<560x1xf32> to vector<560x128xf32>
    %mul3A_268 = arith.mulf %mul3A_267, %add3A_266 : vector<560x128xf32>
    %get3A_269 = arith.constant 0 : index
    %get3A_270 = arith.constant 0 : index
    %get3A_271 = vector.load %arg4[%get3A_269, %get3A_270] : memref<1x128xf32, #tpu.memory_space<vmem>>, vector<1x128xf32>
    %add3A_272 = vector.broadcast %get3A_271 : vector<1x128xf32> to vector<560x128xf32>
    %add3A_273 = arith.addf %mul3A_268, %add3A_272 : vector<560x128xf32>
    %slice3A_274 = vector.extract_strided_slice %add3A_273 {offsets = [0, 0], sizes = [558, 128], strides = [1, 1]} : vector<560x128xf32> to vector<558x128xf32>
    %swap3A_275 = arith.constant 1674 : index
    %swap3A_276 = arith.constant 0 : index
    %swap3A_277 = vector.load %arg5[%swap3A_275, %swap3A_276] : memref<2232x128xf32, #tpu.memory_space<vmem>>, vector<558x128xf32>
    tpu.vector_store %arg5[%swap3A_275, %swap3A_276], %slice3A_274 {strides = array<i32>} : memref<2232x128xf32, #tpu.memory_space<vmem>>, vector<558x128xf32>,
    return
  }
  func.func @transform_0(%arg0: i32) -> (i32, i32, i32) {
    %c0_i32 = arith.constant 0 : i32
    %c0_i32_0 = arith.constant 0 : i32
    %c0_i32_1 = arith.constant 0 : i32
    return %arg0, %c0_i32, %c0_i32_0 : i32, i32, i32
  }
  func.func @transform_1(%arg0: i32) -> (i32, i32) {
    %c0_i32 = arith.constant 0 : i32
    %c0_i32_0 = arith.constant 0 : i32
    return %arg0, %c0_i32 : i32, i32
  }
  func.func @transform_2(%arg0: i32) -> (i32, i32) {
    %c0_i32 = arith.constant 0 : i32
    %c0_i32_0 = arith.constant 0 : i32
    %c0_i32_1 = arith.constant 0 : i32
    return %c0_i32, %c0_i32_0 : i32, i32
  }
  func.func @transform_3(%arg0: i32) -> (i32, i32) {
    %c0_i32 = arith.constant 0 : i32
    %c0_i32_0 = arith.constant 0 : i32
    %c0_i32_1 = arith.constant 0 : i32
    return %c0_i32, %c0_i32_0 : i32, i32
  }
  func.func @transform_4(%arg0: i32) -> (i32, i32) {
    %c0_i32 = arith.constant 0 : i32
    %c0_i32_0 = arith.constant 0 : i32
    return %arg0, %c0_i32 : i32, i32
  }
}

</mosaic_0001>

<sc_bundles>
// kernel: kernel.5.cloned.1.call-start
scs
__scs_entry_jumppad:
0x0: {  	(pc) =	sbr.rel $0x88, $3  }
0x1: {  	(tag) =	ssettag $0x0;
	lr =	simm.s32 $0x1  }
0x2: {  	[smem:$0x3F9C] =	sst lr;
	_ =	strace $0xD0000000  }
0x3: {  	_ = 	snop  }
0x4: {  	_ = 	snop  }
0x5: {  	_ = 	snop  }
0x6: {  	_ = 	snop  }
0x7: {  	_ = 	snop  }
__scs_overlays_trampoline_lowered:
0x8: {  	[smem:$0x3FAB] =	sst s0  }
0x9: {  	[smem:$0x3FAC] =	sst s1  }
0xa: {  	[smem:$0x3FAD] =	sst s2  }
0xb: {  	[smem:$0x3FAE] =	sst s3  }
0xc: {  	[smem:$0x3FAF] =	sst s4  }
0xd: {  	[smem:$0x3FB0] =	sst s5  }
0xe: {  	[smem:$0x3FB1] =	sst s6  }
0xf: {  	[smem:$0x3FB2] =	sst s7  }
0x10: {  	[smem:$0x3FB3] =	sst s8  }
0x11: {  	[smem:$0x3FB4] =	sst s9;
	s0 =	simm.s32 @!p0 $0x0  }
0x12: {  	s1 =	sld [smem:$0x3F9A];
	s0 =	simm.s32 @p0 $0x1  }
0x13: {  	[smem:$0x3FB5] =	sst s0;
	s0 =	simm.s32 @!p1 $0x0  }
0x14: {  	s2 =	sld [smem:$0x3F99];
	s0 =	simm.s32 @p1 $0x1  }
0x15: {  	[smem:$0x3FB6] =	sst s0;
	s0 =	simm.s32 @!p2 $0x0  }
0x16: {  	s3 =	sld [smem:$0x3FDB];
	s0 =	simm.s32 @p2 $0x1  }
0x17: {  	s4 =	simm.s32 $0x1BF5;
	[smem:$0x3FB8] =	sst s0  }
0x18: {  	s0 =	sld [smem:$0x3F9B];
	_ =	swait.ge [sflag:s4], $0x0  }
0x19: {  	s7 =	sld [smem:$0x3F9C]  }
0x1a: {  	s8 =	sadd.s32 $0xFFFFE003, lr  }
0x1b: {  	s9 =	sadd.s32 $0xFFFFFEF7, lr;
	s5 =	simm.s32 $0xFFFFFFFF;
	p2 =	slt.u32 s8, $0xFFFFF086  }
0x1c: {  	p1 =	slt.u32 s9, $0xF7A;
	s5 =	simm.s32 @!p2 $0x0  }
0x1d: {  	s5 =	simm.s32 @p1 $0x1;
	p0 =	seq.s32 s7, s2  }
0x1e: {  	s7 =	smul.u32 @!p0 $0xF7A, s2;
	p2 =	seq.s32 @!p0 s5, $0x0  }
0x1f: {  	s9 =	smul.u32 $0xF7A, s1;
	s8 =	simm.s32 @!p0 $0x1BF5;
	p2 =	por !p2, p0  }
0x20: {  	[sflag:s8] =	ssyncset.s32 @!p0 $0xFFFFF086;
	s6 =	sadd.s32 @!p0 s3, s7;
	s7 =	simm.s32 @!p0 $0x108  }
0x21: {  	s3 =	sadd.s32 s3, s9;
	s6 =	sadd.s32 @!p0 $0x88, s6;
	s7 =	simm.s32 @p2 $0x1082  }
0x22: {  	[simem:s7], [sflag:s8] =	dma.local @!p0 [hbm:s6], $0xF7A  }
0x23: {  	s9 =	sor.u32 $0xD0000000, s2;
	s6 =	simm.s32 $0x108;
	_ =	swait.ge @!p0 [sflag:s8], $0x0  }
0x24: {  	s3 =	sadd.s32 $0x88, s3;
	s6 =	simm.s32 @!p1 $0x1082;
	[sflag:s4] =	ssyncset.s32 $0xFFFFF086  }
0x25: {  	[simem:s6], [sflag:s4] =	dma.local [hbm:s3], $0xF7A  }
0x26: {  	[smem:$0x3F9C] =	sst s1;
	(tag) =	ssettag s2;
	_ =	strace s9  }
0x27: {  	s1 =	sld [smem:$0x3FAC]  }
0x28: {  	s2 =	sld [smem:$0x3FAD]  }
0x29: {  	s4 =	sld [smem:$0x3FAF]  }
0x2a: {  	p0 =	seq.s32 s5, $0x0;
	s5 =	sld [smem:$0x3FB0]  }
0x2b: {  	s6 =	sld [smem:$0x3FB1]  }
0x2c: {  	s7 =	sld [smem:$0x3FB2]  }
0x2d: {  	s3 =	simm.s32 $0x108;
	s8 =	sld [smem:$0x3FB3]  }
0x2e: {  	s3 =	simm.s32 @!p0 $0x1082;
	s9 =	sld [smem:$0x3FB4]  }
0x2f: {  	lr =	sadd.s32 s0, s3;
	s0 =	sld [smem:$0x3FAB]  }
0x30: {  	s3 =	sld [smem:$0x3FAE]  }
0x31: {  	[smem:$0x3FB7] =	sst s10  }
0x32: {  	s10 =	sld [smem:$0x3FB5];
	_ =	sdelay $0x3  }
0x33: {  	p0 =	seq.s32 s10, $0x1;
	s10 =	sld [smem:$0x3FB7];
	_ =	sdelay $0x3  }
0x34: {  	[smem:$0x3FB7] =	sst s10  }
0x35: {  	s10 =	sld [smem:$0x3FB6];
	_ =	sdelay $0x3  }
0x36: {  	p1 =	seq.s32 s10, $0x1;
	s10 =	sld [smem:$0x3FB7];
	_ =	sdelay $0x3  }
0x37: {  	[smem:$0x3FB7] =	sst s10  }
0x38: {  	s10 =	sld [smem:$0x3FB8]  }
0x39: {  	_ = 	snop;
	(pc) =	sbr.ind lr, $3  }
0x3a: {  	_ = 	snop  }
0x3b: {  	_ = 	snop  }
0x3c: {  	p2 =	seq.s32 s10, $0x1;
	s10 =	sld [smem:$0x3FB7]  }
0x3d: {  	_ =	shalt  }
0x3e: {  	_ =	shalt  }
0x3f: {  	_ =	shalt  }
0x40: {  	_ =	shalt  }
0x41: {  	_ =	shalt  }
0x42: {  	_ =	shalt  }
0x43: {  	_ =	shalt  }
0x44: {  	_ =	shalt  }
0x45: {  	_ =	shalt  }
0x46: {  	_ =	shalt  }
0x47: {  	_ =	shalt  }
0x48: {  	_ =	shalt  }
0x49: {  	_ =	shalt  }
0x4a: {  	_ =	shalt  }
0x4b: {  	_ =	shalt  }
0x4c: {  	_ =	shalt  }
0x4d: {  	_ =	shalt  }
0x4e: {  	_ =	shalt  }
0x4f: {  	_ =	shalt  }
0x50: {  	_ =	shalt  }
0x51: {  	_ =	shalt  }
0x52: {  	_ =	shalt  }
0x53: {  	_ =	shalt  }
0x54: {  	_ =	shalt  }
0x55: {  	_ =	shalt  }
0x56: {  	_ =	shalt  }
0x57: {  	_ =	shalt  }
0x58: {  	_ =	shalt  }
0x59: {  	_ =	shalt  }
0x5a: {  	_ =	shalt  }
0x5b: {  	_ =	shalt  }
0x5c: {  	_ =	shalt  }
0x5d: {  	_ =	shalt  }
0x5e: {  	_ =	shalt  }
0x5f: {  	_ =	shalt  }
0x60: {  	_ =	shalt  }
0x61: {  	_ =	shalt  }
0x62: {  	_ =	shalt  }
0x63: {  	_ =	shalt  }
0x64: {  	_ =	shalt  }
0x65: {  	_ =	shalt  }
0x66: {  	_ =	shalt  }
0x67: {  	_ =	shalt  }
0x68: {  	_ =	shalt  }
0x69: {  	_ =	shalt  }
0x6a: {  	_ =	shalt  }
0x6b: {  	_ =	shalt  }
0x6c: {  	_ =	shalt  }
0x6d: {  	_ =	shalt  }
0x6e: {  	_ =	shalt  }
0x6f: {  	_ =	shalt  }
0x70: {  	_ =	shalt  }
0x71: {  	_ =	shalt  }
0x72: {  	_ =	shalt  }
0x73: {  	_ =	shalt  }
0x74: {  	_ =	shalt  }
0x75: {  	_ =	shalt  }
0x76: {  	_ =	shalt  }
0x77: {  	_ =	shalt  }
0x78: {  	_ =	shalt  }
0x79: {  	_ =	shalt  }
0x7a: {  	_ =	shalt  }
0x7b: {  	_ =	shalt  }
0x7c: {  	_ =	shalt  }
0x7d: {  	_ =	shalt  }
0x7e: {  	_ =	shalt  }
0x7f: {  	_ =	shalt  }
0x80: {  	_ =	shalt  }
0x81: {  	_ =	shalt  }
0x82: {  	_ =	shalt  }
0x83: {  	_ =	shalt  }
0x84: {  	_ =	shalt  }
0x85: {  	_ =	shalt  }
0x86: {  	_ =	shalt  }
0x87: {  	_ =	shalt  }
.Lfunc_end0:
.L_simem_size_0:
called_computation_lowered:
.L_overlay_start_0:
0x88: {  	s2 =	sld [smem:$0x3FD9]  }
0x89: {  	s3 =	sld [smem:$0x3FFE];
	_ =	sdelay $0x1  }
0x8a: {  	s1 =	srdreg.scid  }
0x8b: {  	s0 =	sand.u32 $0x1, s1  }
0x8c: {  	s17 =	sshll.u32 s0, $0xA;
	s2 =	sadd.s32 s3, s2  }
0x8d: {  	s2 =	sadd.s32 s2, s17  }
0x8e: {  	[smem:$0x3FC3] =	sst s2  }
0x8f: {  	_ = 	snop  }
0x90: {  	s2 =	sld [smem:$0x3FD0];
	(tm) =	ssettm $0x1  }
0x91: {  	s18 =	sld [smem:$0x3FFB];
	_ =	sdelay $0x3  }
0x92: {  	_ =	strace s18  }
0x93: {  	s3 =	sld [smem:$0x3FFC];
	_ =	sdelay $0x3  }
0x94: {  	_ =	strace s3  }
0x95: {  	s3 =	sld [smem:$0x3FFD];
	_ =	sdelay $0x3  }
0x96: {  	_ =	strace s3  }
0x97: {  	_ =	strace $0x8FFFFFFF  }
0x98: {  	s19 =	sld [smem:$0x3FDB];
	_ =	sdelay $0x1  }
0x99: {  	s4 =	simm.s32 $_scs_section_size  }
0x9a: {  	s5 =	simm.s32 $_size__tile_overlayer_lowered;
	s6 =	simm.s32 $_tile_overlayer_lowered  }
0x9b: {  	s22 =	simm.s32 $0x1BFF;
	s21 =	sshll.u32 s6, $0x1;
	s3 =	sadd.s32 s4, s19  }
0x9c: {  	s7 =	simm.s32 $0x0;
	s20 =	sshll.u32 s5, $0x1;
	s5 =	sadd.s32 s21, s3  }
0x9d: {  	[timem:s7], [sflag:s22] =	dma.local [hbm:s5], s20  }
0x9e: {  	_ =	swait.ge [sflag:s22], s20  }
0x9f: {  	s4 =	ssub.s32 $0x0, s20;
	[sflag:s22] =	ssyncset.done $0x0  }
0xa0: {  	[sflag:s22] =	ssyncadd.s32 s4;
	_ =	sdelay $0x1  }
0xa1: {  	s23 =	simm.s32 $0x1B8B  }
0xa2: {  	_ =	swait.ge [sflag:s23], $0x1  }
0xa3: {  	[sflag:s23] =	ssyncset.done $0x0  }
0xa4: {  	s25 =	simm.s32 $0x1B8E;
	s24 =	sld [smem:$0x3FFE];
	[sflag:s23] =	ssyncadd.s32 $0xFFFFFFFF  }
0xa5: {  	s26 =	simm.s32 $execute0_lowered;
	[smem:$0x3FD2] =	sst s25  }
0xa6: {  	s5 =	sshll.u32 s26, $0x1;
	_ =	strace $0x80000046;
	[dreg:$0x1] =	wrdreg $0xFFFFFFFF  }
0xa7: {  	s28 =	simm.s32 $_size_execute0_lowered;
	s3 =	sadd.s32 s3, s5;
	[dreg:$0x0] =	wrdreg $0x0  }
0xa8: {  	s5 =	sshll.u32 s28, $0x1;
	[dreg:$0x2] =	wrdreg s3  }
0xa9: {  	[dreg:$0x3] =	wrdreg s5  }
0xaa: {  	[dreg:$0x4] =	wrdreg $0xC0  }
0xab: {  	_ =	task [dreg:s7], $0x5FFFF  }
0xac: {  	[dreg:$0x1] =	wrdreg $0xFFFFFFFF  }
0xad: {  	[dreg:$0x0] =	wrdreg $0x60  }
0xae: {  	[dreg:$0x2] =	wrdreg s2  }
0xaf: {  	[dreg:$0x3] =	wrdreg s24  }
0xb0: {  	[dreg:$0x4] =	wrdreg $0x63800  }
0xb1: {  	[dreg:$0x5] =	wrdreg $0xBB000  }
0xb2: {  	[dreg:$0x6] =	wrdreg $0x9  }
0xb3: {  	_ =	task.clear_ibuf [dreg:s7], $0x7FFFF;
	_ =	strace $0x90000046  }
0xb4: {  	s29 =	simm.s32 $0x9;
	_ =	strace $0x80000048  }
0xb5: {  	_ =	swait.ge [sflag:s29], $0x1  }
0xb6: {  	[sflag:s29] =	ssyncadd.s32 $0xFFFFFFFF  }
0xb7: {  	_ =	strace $0x90000048  }
0xb8: {  	_ =	sfence  }
0xb9: {  	s30 =	sld [smem:$0x0];
	_ =	sdelay $0x2  }
0xba: {  	s31 =	sshll.u32 s1, $0xD;
	s1 =	sshrl.u32 s1, $0x2  }
0xbb: {  	s3 =	sand.u32 $0x4000, s31;
	s1 =	sadd.s32 s1, s30  }
0xbc: {  	s0 =	sor.u32 s3, s0;
	s1 =	sshll.u32 s1, $0x11  }
0xbd: {  	s0 =	sor.u32 s1, s0  }
0xbe: {  	s0 =	sadd.s32 $0x8F2B, s0  }
0xbf: {  	[sflag:s0] =	ssyncadd.remote.s32 $0x1  }
0xc0: {  	_ =	sfence.sel $0xFFFF  }
0xc1: {  	[dreg:$0x0] =	wrdreg $0xFFFFFFFF;
	(pc) =	sbr.abs _section_cstart, $3  }
0xc2: {  	[dreg:$0x1] =	wrdreg $0xFFFFFFFF  }
0xc3: {  	_ =	task.clear_ibuf [dreg:s7], $0x2FFFF;
	_ =	strace $0x9FFFFFFF  }
0xc4: {  	(tm) =	ssettm $0x7FFFFFFF  }
0xc5: {  	_ =	shalt  }
tec
execute0_lowered:
.L_overlay_start_1:
0x0: {  	(tag) =	ssettag $0x1  }
0x1: {  	s22 =	rddreg [dreg:$0x0]  }
0x2: {  	s0 =	rddreg [dreg:$0x1]  }
0x3: {  	s2 =	rddreg [dreg:$0x2]  }
0x4: {  	s3 =	rddreg [dreg:$0x3];
	s4 =	simm.s32 $0x0;
	s1 =	srdreg.scid  }
0x5: {  	s26 =	stileid.u32;
	s17 =	simm.s32 $0x480;
	s18 =	simm.s32 $0x580  }
0x6: {  	s30 =	simm.s32 $0x3;
	[smem:$0x7FF] =	sst s4;
	s1 =	sand.u32 $0x1, s1  }
0x7: {  	s10 =	sadd.s32 $0x1000, s0;
	s7 =	smul.u32 $0x5780, s26;
	s8 =	sshll.u32 s26, $0x8  }
0x8: {  	s0 =	sadd.s32 $0x11000, s0;
	_ =	strace $0x80000047;
	s5 =	ssub.s32 $0x2, s1  }
0x9: {  	s9 =	sshll.u32 s1, $0x12;
	s1 =	smul.u32 $0x15E0000, s1;
	[dreg:$0xb] =	wrdreg s17  }
0xa: {  	[dreg:$0xc] =	wrdreg s18;
	s6 =	sshrl.u32 s5, $0x1;
	s19 =	sor.u32 s9, s8  }
0xb: {  	s8 =	smov.u32 s10;
	s28 =	sadd.s32 s7, s2;
	s13 =	sadd.s32 s7, s3  }
0xc: {  	s5 =	ssub.s32 s5, s6;
	s9 =	sshrl.u32 s19, $0x3;
	s21 =	sor.u32 $0x3000, s19  }
0xd: {  	s24 =	sor.u32 $0x4000, s19;
	s29 =	sor.u32 $0x2000, s19;
	[dreg:$0x1e] =	wrdreg s13  }
0xe: {  	s6 =	sor.u32 $0x1000, s19;
	s19 =	simm.s32 $0x800;
	[dreg:$0x18] =	wrdreg s24  }
0xf: {  	s1 =	sadd.s32 s7, s1;
	s20 =	sadd.s32 s22, s9;
	[dreg:$0xd] =	wrdreg s19  }
0x10: {  	s9 =	sadd.s32 s8, s9;
	s5 =	smax.u32 s5, $0x1;
	[dreg:$0x15] =	wrdreg s20  }
0x11: {  	s23 =	sshrl.u32 s21, $0x3;
	s7 =	sadd.s32 $0x106800, s1;
	[dreg:$0x16] =	wrdreg s9  }
0x12: {  	s10 =	sadd.s32 $0xAF000, s1;
	s21 =	simm.s32 $0x280;
	[dreg:$0x17] =	wrdreg s5  }
0x13: {  	s6 =	sshrl.u32 s6, $0x3;
	s24 =	simm.s32 $0x900;
	[dreg:$0xf] =	wrdreg s21  }
0x14: {  	s15 =	sadd.s32 $0x57800, s1;
	s25 =	sadd.s32 s23, s8;
	[dreg:$0x11] =	wrdreg s24  }
0x15: {  	s1 =	sshrl.u32 s1, $0x3;
	s5 =	sadd.s32 s23, s22;
	[dreg:$0x5] =	wrdreg s25  }
0x16: {  	s7 =	sshrl.u32 s7, $0x3;
	s12 =	sadd.s32 s6, s8;
	[dreg:$0x6] =	wrdreg s5  }
0x17: {  	s9 =	sshrl.u32 s29, $0x3;
	s14 =	sadd.s32 s6, s22;
	[dreg:$0x9] =	wrdreg s12  }
0x18: {  	s16 =	sshrl.u32 s15, $0x3;
	s20 =	simm.s32 $0x880;
	[dreg:$0xa] =	wrdreg s14  }
0x19: {  	s23 =	simm.s32 $0x680;
	s21 =	simm.s32 $0x100;
	[dreg:$0xe] =	wrdreg s20  }
0x1a: {  	s29 =	simm.s32 $0x380;
	s6 =	simm.s32 $0x500;
	[dreg:$0x10] =	wrdreg s23  }
0x1b: {  	s24 =	simm.s32 $0x7;
	s31 =	sadd.s32 s7, s0;
	[dreg:$0x13] =	wrdreg s29  }
0x1c: {  	s7 =	sadd.s32 s9, s8;
	s11 =	sadd.s32 s9, s22;
	[dreg:$0x19] =	wrdreg s31  }
0x1d: {  	s5 =	sshrl.u32 s10, $0x3;
	s20 =	simm.s32 $0x1;
	[dreg:$0x7] =	wrdreg s7  }
0x1e: {  	s25 =	simm.s32 $0x980;
	s23 =	simm.s32 $0x80;
	[dreg:$0x8] =	wrdreg s11  }
0x1f: {  	s10 =	simm.s32 $0x8;
	s5 =	sadd.s32 s5, s0;
	[dreg:$0x12] =	wrdreg s25  }
0x20: {  	s12 =	simm.s32 $0x5;
	s31 =	simm.s32 $0x780;
	[dreg:$0x1a] =	wrdreg s5  }
0x21: {  	s7 =	simm.s32 $0x400;
	s5 =	sadd.s32 s16, s0;
	[dreg:$0x14] =	wrdreg s31  }
0x22: {  	s25 =	simm.s32 $0x2;
	s0 =	sadd.s32 s1, s0;
	[dreg:$0x1b] =	wrdreg s5  }
0x23: {  	v0 =	vimm.f32 $0.0e+00;
	s11 =	simm.s32 $0x4;
	[dreg:$0x1c] =	wrdreg s0;
	s0 =	simm.s32 $0x0  }
.LBB2_1:
0x24: {  	[dreg:$0x1d] =	wrdreg s0;
	s1 =	simm.s32 $0x40;
	s5 =	simm.s32 $0x0  }
.LBB2_2:
0x25: {  	p0 =	sne.s32 s1, $0x15DC0;
	[tilespmem:s5+$0xC00] =	vst v0;
	s5 =	smov.u32 s1;
	s1 =	sadd.s32 $0x40, s1  }
.Ltmp0:
0x26: {  	(pc) =	sbr.rel @p0 .LBB2_2-.Ltmp0, $2  }
0x27: {  	_ =	sdelay $0x2  }
0x28: {  	s5 =	sshra.s32 s5, $0x2  }
0x29: {  	[tilespmem:s5+$0xC00] =	vst v0;
	s1 =	simm.s32 $0xC00;
	s19 =	simm.s32 $0x9  }
0x2a: {  	[spmem:s28] =	stream.linear.scatter [tilespmem:s1], [sflag:$0x9], $0x5780, $0x38;
	[tilespmem:$0x11280] =	vst v63  }
0x2b: {  	_ =	swait.ge [sflag:s19], $0x5780  }
0x2c: {  	[sflag:s19] =	ssyncset.done $0x0  }
0x2d: {  	[sflag:s19] =	ssyncadd.s32 $0xFFFFA880  }
0x2e: {  	[spmem:s13] =	stream.linear.scatter [tilespmem:s1], [sflag:$0x9], $0x5780, $0x38;
	[tilespmem:$0x11280] =	vst v63  }
0x2f: {  	_ =	swait.ge [sflag:s19], $0x5780  }
0x30: {  	s29 =	rddreg [dreg:$0x15]  }
0x31: {  	s31 =	rddreg [dreg:$0x16]  }
0x32: {  	s16 =	rddreg [dreg:$0x1c]  }
0x33: {  	s15 =	rddreg [dreg:$0x1b]  }
0x34: {  	[sflag:s19] =	ssyncset.done $0x0;
	s17 =	rddreg [dreg:$0x1a]  }
0x35: {  	s14 =	simm.s32 $0x0;
	s18 =	rddreg [dreg:$0x19];
	[sflag:s19] =	ssyncadd.s32 $0xFFFFA880  }
0x36: {  	[tilespmem:s14], [sflag:$0x1] =	stream.linear.gather [hbm4b:s29+s14], $0x100, $0x38;
	[tilespmem:$0x11280] =	vst v63  }
0x37: {  	s13 =	rddreg [dreg:$0x18]  }
0x38: {  	[tilespmem:s7], [sflag:$0x1] =	stream.linear.gather [hbm4b:s31+s14], $0x100, $0x38;
	[tilespmem:$0x11280] =	vst v63  }
.LBB2_4:
0x39: {  	_ =	swait.ge [sflag:s20], $0x100  }
0x3a: {  	[sflag:s20] =	ssyncset.done $0x0  }
0x3b: {  	[sflag:s20] =	ssyncadd.s32 $0xFFFFFF00  }
0x3c: {  	_ =	swait.ge [sflag:s20], $0x100  }
0x3d: {  	s1 =	rddreg [dreg:$0xa];
	[sflag:s20] =	ssyncset.done $0x0  }
0x3e: {  	s5 =	rddreg [dreg:$0x9];
	[sflag:s20] =	ssyncadd.s32 $0xFFFFFF00;
	s1 =	sadd.s32 s14, s1  }
0x3f: {  	[tilespmem:s21], [sflag:$0x2] =	stream.linear.gather [hbm4b:s1+s4], $0x100, $0x38;
	[tilespmem:$0x11280] =	vst v63  }
0x40: {  	s9 =	sadd.s32 s14, s5  }
0x41: {  	[tilespmem:s6], [sflag:$0x2] =	stream.linear.gather [hbm4b:s9+s4], $0x100, $0x38;
	[tilespmem:$0x11280] =	vst v63  }
0x42: {  	v1 =	vld [tilespmem:$0x400]  }
0x43: {  	v2 =	vld [tilespmem:$0x410]  }
0x44: {  	v3 =	vld [tilespmem:$0x420]  }
0x45: {  	v4 =	vld [tilespmem:$0x430]  }
0x46: {  	v5 =	vld [tilespmem:$0x440]  }
0x47: {  	v6 =	vld [tilespmem:$0x450];
	v1 =	vsub.f32 $0.0e+00, v1  }
0x48: {  	v7 =	vld [tilespmem:$0x460];
	v2 =	vsub.f32 $0.0e+00, v2  }
0x49: {  	[tilespmem:$0x800] =	vst v1;
	v1 =	vsub.f32 $0.0e+00, v3;
	v3 =	vld [tilespmem:$0x470]  }
0x4a: {  	v24 =	vld [tilespmem:$0x480];
	[tilespmem:$0x810] =	vst v2;
	v2 =	vsub.f32 $0.0e+00, v4  }
0x4b: {  	v25 =	vld [tilespmem:$0x490];
	[tilespmem:$0x820] =	vst v1;
	v1 =	vsub.f32 $0.0e+00, v5  }
0x4c: {  	v26 =	vld [tilespmem:$0x4A0];
	[tilespmem:$0x830] =	vst v2;
	v2 =	vsub.f32 $0.0e+00, v6  }
0x4d: {  	v27 =	vld [tilespmem:$0x4B0];
	[tilespmem:$0x840] =	vst v1;
	v1 =	vsub.f32 $0.0e+00, v7  }
0x4e: {  	[tilespmem:$0x850] =	vst v2;
	v2 =	vsub.f32 $0.0e+00, v3;
	v3 =	vld [tilespmem:$0x4C0]  }
0x4f: {  	v28 =	vld [tilespmem:$0x4D0];
	[tilespmem:$0x860] =	vst v1;
	v1 =	vsub.f32 $0.0e+00, v24  }
0x50: {  	v29 =	vld [tilespmem:$0x4E0];
	[tilespmem:$0x870] =	vst v2;
	v2 =	vsub.f32 $0.0e+00, v25  }
0x51: {  	v30 =	vld [tilespmem:$0x4F0];
	[tilespmem:$0x880] =	vst v1;
	v1 =	vsub.f32 $0.0e+00, v26  }
0x52: {  	[tilespmem:$0x890] =	vst v2;
	v2 =	vsub.f32 $0.0e+00, v27  }
0x53: {  	[tilespmem:$0x8A0] =	vst v1;
	v1 =	vsub.f32 $0.0e+00, v3  }
0x54: {  	[tilespmem:$0x8B0] =	vst v2;
	v2 =	vsub.f32 $0.0e+00, v28  }
0x55: {  	[tilespmem:$0x8C0] =	vst v1;
	v1 =	vsub.f32 $0.0e+00, v29  }
0x56: {  	[tilespmem:$0x8D0] =	vst v2;
	v2 =	vsub.f32 $0.0e+00, v30  }
0x57: {  	[tilespmem:$0x8E0] =	vst v1  }
0x58: {  	p0 =	seq.s32 s14, $0x0;
	[tilespmem:$0x8F0] =	vst v2  }
0x59: {  	s1 =	simm.s32 @!p0 $0x5;
	[bflag:$0x0] =	sbarrier.arrive @p0 $0xFFFF  }
0x5a: {  	_ =	swait.ge @!p0 [sflag:s1], $0xAF0  }
0x5b: {  	[sflag:s1] =	ssyncset.done @!p0 $0x0  }
0x5c: {  	s5 =	simm.s32 @!p0 $0xA00;
	[sflag:s1] =	ssyncadd.s32 @!p0 $0xFFFFF510  }
0x5d: {  	s6 =	simm.s32 @!p0 $0x80;
	s1 =	simm.s32 @!p0 $0x200;
	[bflag:$0x0] =	sbarrier.arrive @!p0 $0xFFFF  }
0x5e: {  	[spmem:s2] =	stream.indirect.scatter.add.f32 @!p0 [tilespmem:s5], [sflag:$0x8], $0x1, s1, s6, $0xb8;
	[tilespmem:$0x11280] =	vst v63  }
0x5f: {  	s1 =	simm.s32 @!p0 $0x280;
	s5 =	simm.s32 @!p0 $0xA80  }
0x60: {  	[spmem:s2] =	stream.indirect.scatter.add.f32 @!p0 [tilespmem:s5], [sflag:$0x8], $0x1, s1, s6, $0xb8;
	[tilespmem:$0x11280] =	vst v63  }
0x61: {  	_ = 	snop  }
0x62: {  	[spmem:s2] =	stream.indirect.scatter.add.f32 [tilespmem:s7], [sflag:$0x7], $0x1, s4, s23, $0xb8;
	[tilespmem:$0x11280] =	vst v63  }
0x63: {  	s19 =	rddreg [dreg:$0xb]  }
0x64: {  	[spmem:s2] =	stream.indirect.scatter.add.f32 [tilespmem:s19], [sflag:$0x7], $0x1, s23, s23, $0xb8;
	[tilespmem:$0x11280] =	vst v63  }
0x65: {  	_ =	swait.ge [sflag:s24], $0x80  }
0x66: {  	[sflag:s24] =	ssyncset.done $0x0  }
0x67: {  	[sflag:s24] =	ssyncadd.s32 $0xFFFFFF80  }
0x68: {  	_ =	swait.ge [sflag:s24], $0x80  }
0x69: {  	[sflag:s24] =	ssyncset.done $0x0  }
0x6a: {  	s19 =	simm.s32 @!p0 $0x8;
	[sflag:s24] =	ssyncadd.s32 $0xFFFFFF80  }
0x6b: {  	_ =	swait.ge @!p0 [sflag:s19], $0x80  }
0x6c: {  	[sflag:s19] =	ssyncset.done @!p0 $0x0  }
0x6d: {  	[sflag:s19] =	ssyncadd.s32 @!p0 $0xFFFFFF80  }
0x6e: {  	_ =	swait.ge @!p0 [sflag:s19], $0x80  }
0x6f: {  	[sflag:s19] =	ssyncset.done @!p0 $0x0  }
0x70: {  	s7 =	sshll.u32 s26, $0x6;
	[sflag:s19] =	ssyncadd.s32 @!p0 $0xFFFFFF80  }
0x71: {  	s5 =	sshrl.u32 s28, $0x3;
	s1 =	sor.u32 $0x1C05, s7;
	[bflag:$0x0] =	sbarrier.arrive $0xFFFF  }
0x72: {  	[hbm:s16], [sflag:s1] =	dma.local [spmem:s5], $0xAF0  }
0x73: {  	_ =	swait.ge [sflag:s25], $0x100  }
0x74: {  	[sflag:s25] =	ssyncset.done $0x0  }
0x75: {  	s29 =	smov.u32 s28;
	[sflag:s25] =	ssyncadd.s32 $0xFFFFFF00  }
0x76: {  	s21 =	simm.s32 $0x200;
	s28 =	smov.u32 s8;
	_ =	swait.ge [sflag:s25], $0x100  }
0x77: {  	s26 =	smov.u32 s22;
	s8 =	rddreg [dreg:$0x8];
	[sflag:s25] =	ssyncset.done $0x0  }
0x78: {  	s22 =	rddreg [dreg:$0x7];
	[sflag:s25] =	ssyncadd.s32 $0xFFFFFF00;
	s8 =	sadd.s32 s14, s8  }
0x79: {  	[tilespmem:s21], [sflag:$0x3] =	stream.linear.gather [hbm4b:s8+s4], $0x100, $0x38;
	[tilespmem:$0x11280] =	vst v63  }
0x7a: {  	s22 =	sadd.s32 s14, s22;
	s21 =	simm.s32 $0x600  }
0x7b: {  	[tilespmem:s21], [sflag:$0x3] =	stream.linear.gather [hbm4b:s22+s4], $0x100, $0x38;
	[tilespmem:$0x11280] =	vst v63  }
0x7c: {  	v1 =	vld [tilespmem:$0x500]  }
0x7d: {  	v2 =	vld [tilespmem:$0x510]  }
0x7e: {  	v3 =	vld [tilespmem:$0x520]  }
0x7f: {  	v31 =	vld [tilespmem:$0x530]  }
0x80: {  	v32 =	vld [tilespmem:$0x540]  }
0x81: {  	v33 =	vld [tilespmem:$0x550];
	v1 =	vsub.f32 $0.0e+00, v1  }
0x82: {  	v34 =	vld [tilespmem:$0x560];
	v2 =	vsub.f32 $0.0e+00, v2  }
0x83: {  	[tilespmem:$0x900] =	vst v1;
	v1 =	vsub.f32 $0.0e+00, v3;
	v3 =	vld [tilespmem:$0x570]  }
0x84: {  	v35 =	vld [tilespmem:$0x580];
	[tilespmem:$0x910] =	vst v2;
	v2 =	vsub.f32 $0.0e+00, v31  }
0x85: {  	v36 =	vld [tilespmem:$0x590];
	[tilespmem:$0x920] =	vst v1;
	v1 =	vsub.f32 $0.0e+00, v32  }
0x86: {  	v37 =	vld [tilespmem:$0x5A0];
	[tilespmem:$0x930] =	vst v2;
	v2 =	vsub.f32 $0.0e+00, v33  }
0x87: {  	v38 =	vld [tilespmem:$0x5B0];
	[tilespmem:$0x940] =	vst v1;
	v1 =	vsub.f32 $0.0e+00, v34  }
0x88: {  	[tilespmem:$0x950] =	vst v2;
	v2 =	vsub.f32 $0.0e+00, v3;
	v3 =	vld [tilespmem:$0x5C0]  }
0x89: {  	v39 =	vld [tilespmem:$0x5D0];
	[tilespmem:$0x960] =	vst v1;
	v1 =	vsub.f32 $0.0e+00, v35  }
0x8a: {  	v40 =	vld [tilespmem:$0x5E0];
	[tilespmem:$0x970] =	vst v2;
	v2 =	vsub.f32 $0.0e+00, v36  }
0x8b: {  	v41 =	vld [tilespmem:$0x5F0];
	[tilespmem:$0x980] =	vst v1;
	v1 =	vsub.f32 $0.0e+00, v37  }
0x8c: {  	[tilespmem:$0x990] =	vst v2;
	v2 =	vsub.f32 $0.0e+00, v38  }
0x8d: {  	[tilespmem:$0x9A0] =	vst v1;
	v1 =	vsub.f32 $0.0e+00, v3  }
0x8e: {  	[tilespmem:$0x9B0] =	vst v2;
	v2 =	vsub.f32 $0.0e+00, v39  }
0x8f: {  	[tilespmem:$0x9C0] =	vst v1;
	v1 =	vsub.f32 $0.0e+00, v40  }
0x90: {  	[tilespmem:$0x9D0] =	vst v2;
	v2 =	vsub.f32 $0.0e+00, v41  }
0x91: {  	[tilespmem:$0x9E0] =	vst v1  }
0x92: {  	[tilespmem:$0x9F0] =	vst v2  }
0x93: {  	s8 =	simm.s32 @!p0 $0x6;
	[bflag:$0x0] =	sbarrier.arrive @p0 $0xFFFF  }
0x94: {  	_ =	swait.ge @!p0 [sflag:s8], $0xAF0  }
0x95: {  	[sflag:s8] =	ssyncset.done @!p0 $0x0  }
0x96: {  	[sflag:s8] =	ssyncadd.s32 @!p0 $0xFFFFF510  }
0x97: {  	s22 =	simm.s32 @!p0 $0xB00;
	s8 =	simm.s32 @!p0 $0x300;
	[bflag:$0x0] =	sbarrier.arrive @!p0 $0xFFFF  }
0x98: {  	[spmem:s3] =	stream.indirect.scatter.add.f32 @!p0 [tilespmem:s22], [sflag:$0x8], $0x1, s8, s6, $0xb8;
	[tilespmem:$0x11280] =	vst v63  }
0x99: {  	s8 =	simm.s32 @!p0 $0x380;
	s22 =	simm.s32 @!p0 $0xB80  }
0x9a: {  	[spmem:s3] =	stream.indirect.scatter.add.f32 @!p0 [tilespmem:s22], [sflag:$0x8], $0x1, s8, s6, $0xb8;
	[tilespmem:$0x11280] =	vst v63  }
0x9b: {  	s0 =	simm.s32 $0x500;
	s9 =	simm.s32 $0x100  }
0x9c: {  	[spmem:s3] =	stream.indirect.scatter.add.f32 [tilespmem:s0], [sflag:$0x7], $0x1, s9, s23, $0xb8;
	[tilespmem:$0x11280] =	vst v63  }
0x9d: {  	s31 =	simm.s32 $0x180;
	s8 =	rddreg [dreg:$0xc]  }
0x9e: {  	[spmem:s3] =	stream.indirect.scatter.add.f32 [tilespmem:s8], [sflag:$0x7], $0x1, s31, s23, $0xb8;
	[tilespmem:$0x11280] =	vst v63  }
0x9f: {  	_ =	swait.ge [sflag:s24], $0x80  }
0xa0: {  	[sflag:s24] =	ssyncset.done $0x0  }
0xa1: {  	[sflag:s24] =	ssyncadd.s32 $0xFFFFFF80  }
0xa2: {  	_ =	swait.ge [sflag:s24], $0x80  }
0xa3: {  	[sflag:s24] =	ssyncset.done $0x0  }
0xa4: {  	[sflag:s24] =	ssyncadd.s32 $0xFFFFFF80  }
0xa5: {  	_ =	swait.ge @!p0 [sflag:s19], $0x80  }
0xa6: {  	[sflag:s19] =	ssyncset.done @!p0 $0x0  }
0xa7: {  	[sflag:s19] =	ssyncadd.s32 @!p0 $0xFFFFFF80  }
0xa8: {  	_ =	swait.ge @!p0 [sflag:s19], $0x80  }
0xa9: {  	[sflag:s19] =	ssyncset.done @!p0 $0x0  }
0xaa: {  	[sflag:s19] =	ssyncadd.s32 @!p0 $0xFFFFFF80  }
0xab: {  	[bflag:$0x0] =	sbarrier.arrive $0xFFFF  }
0xac: {  	s19 =	sor.u32 $0x1C06, s7;
	s7 =	rddreg [dreg:$0x1e]  }
0xad: {  	s6 =	sshrl.u32 s7, $0x3  }
0xae: {  	[hbm:s15], [sflag:s19] =	dma.local [spmem:s6], $0xAF0  }
0xaf: {  	_ =	swait.ge [sflag:s30], $0x100  }
0xb0: {  	[sflag:s30] =	ssyncset.done $0x0  }
0xb1: {  	[sflag:s30] =	ssyncadd.s32 $0xFFFFFF00  }
0xb2: {  	_ =	swait.ge [sflag:s30], $0x100  }
0xb3: {  	s9 =	simm.s32 $0x300;
	s7 =	rddreg [dreg:$0x6];
	[sflag:s30] =	ssyncset.done $0x0  }
0xb4: {  	s8 =	rddreg [dreg:$0x5];
	[sflag:s30] =	ssyncadd.s32 $0xFFFFFF00;
	s7 =	sadd.s32 s14, s7  }
0xb5: {  	[tilespmem:s9], [sflag:$0x4] =	stream.linear.gather [hbm4b:s7+s4], $0x100, $0x38;
	[tilespmem:$0x11280] =	vst v63  }
0xb6: {  	s31 =	simm.s32 $0x700;
	s8 =	sadd.s32 s14, s8  }
0xb7: {  	[tilespmem:s31], [sflag:$0x4] =	stream.linear.gather [hbm4b:s8+s4], $0x100, $0x38;
	[tilespmem:$0x11280] =	vst v63  }
0xb8: {  	v1 =	vld [tilespmem:$0x600]  }
0xb9: {  	v2 =	vld [tilespmem:$0x610]  }
0xba: {  	v3 =	vld [tilespmem:$0x620]  }
0xbb: {  	v42 =	vld [tilespmem:$0x630]  }
0xbc: {  	v43 =	vld [tilespmem:$0x640]  }
0xbd: {  	v44 =	vld [tilespmem:$0x650];
	v1 =	vsub.f32 $0.0e+00, v1  }
0xbe: {  	v45 =	vld [tilespmem:$0x660];
	v2 =	vsub.f32 $0.0e+00, v2  }
0xbf: {  	[tilespmem:$0xA00] =	vst v1;
	v1 =	vsub.f32 $0.0e+00, v3;
	v3 =	vld [tilespmem:$0x670]  }
0xc0: {  	v46 =	vld [tilespmem:$0x680];
	[tilespmem:$0xA10] =	vst v2;
	v2 =	vsub.f32 $0.0e+00, v42  }
0xc1: {  	v47 =	vld [tilespmem:$0x690];
	[tilespmem:$0xA20] =	vst v1;
	v1 =	vsub.f32 $0.0e+00, v43  }
0xc2: {  	v48 =	vld [tilespmem:$0x6A0];
	[tilespmem:$0xA30] =	vst v2;
	v2 =	vsub.f32 $0.0e+00, v44  }
0xc3: {  	v49 =	vld [tilespmem:$0x6B0];
	[tilespmem:$0xA40] =	vst v1;
	v1 =	vsub.f32 $0.0e+00, v45  }
0xc4: {  	[tilespmem:$0xA50] =	vst v2;
	v2 =	vsub.f32 $0.0e+00, v3;
	v3 =	vld [tilespmem:$0x6C0]  }
0xc5: {  	v50 =	vld [tilespmem:$0x6D0];
	[tilespmem:$0xA60] =	vst v1;
	v1 =	vsub.f32 $0.0e+00, v46  }
0xc6: {  	v51 =	vld [tilespmem:$0x6E0];
	[tilespmem:$0xA70] =	vst v2;
	v2 =	vsub.f32 $0.0e+00, v47  }
0xc7: {  	v52 =	vld [tilespmem:$0x6F0];
	[tilespmem:$0xA80] =	vst v1;
	v1 =	vsub.f32 $0.0e+00, v48  }
0xc8: {  	[tilespmem:$0xA90] =	vst v2;
	v2 =	vsub.f32 $0.0e+00, v49  }
0xc9: {  	[tilespmem:$0xAA0] =	vst v1;
	v1 =	vsub.f32 $0.0e+00, v3  }
0xca: {  	[tilespmem:$0xAB0] =	vst v2;
	v2 =	vsub.f32 $0.0e+00, v50  }
0xcb: {  	[tilespmem:$0xAC0] =	vst v1;
	v1 =	vsub.f32 $0.0e+00, v51  }
0xcc: {  	[tilespmem:$0xAD0] =	vst v2;
	v2 =	vsub.f32 $0.0e+00, v52  }
0xcd: {  	[tilespmem:$0xAE0] =	vst v1  }
0xce: {  	[tilespmem:$0xAF0] =	vst v2  }
0xcf: {  	_ =	swait.ge [sflag:s12], $0xAF0  }
0xd0: {  	[sflag:s12] =	ssyncset.done $0x0  }
0xd1: {  	[sflag:s12] =	ssyncadd.s32 $0xFFFFF510  }
0xd2: {  	[bflag:$0x0] =	sbarrier.arrive $0xFFFF  }
0xd3: {  	s7 =	rddreg [dreg:$0xd]  }
0xd4: {  	[spmem:s2] =	stream.indirect.scatter.add.f32 [tilespmem:s7], [sflag:$0x8], $0x1, s4, s23, $0xb8;
	[tilespmem:$0x11280] =	vst v63  }
0xd5: {  	s8 =	rddreg [dreg:$0xe]  }
0xd6: {  	[spmem:s2] =	stream.indirect.scatter.add.f32 [tilespmem:s8], [sflag:$0x8], $0x1, s23, s23, $0xb8;
	[tilespmem:$0x11280] =	vst v63  }
0xd7: {  	s0 =	simm.s32 $0x200;
	s7 =	rddreg [dreg:$0xf]  }
0xd8: {  	[spmem:s2] =	stream.indirect.scatter.add.f32 [tilespmem:s21], [sflag:$0x7], $0x1, s0, s23, $0xb8;
	[tilespmem:$0x11280] =	vst v63  }
0xd9: {  	s8 =	rddreg [dreg:$0x10]  }
0xda: {  	[spmem:s2] =	stream.indirect.scatter.add.f32 [tilespmem:s8], [sflag:$0x7], $0x1, s7, s23, $0xb8;
	[tilespmem:$0x11280] =	vst v63  }
0xdb: {  	_ =	swait.ge [sflag:s24], $0x80  }
0xdc: {  	[sflag:s24] =	ssyncset.done $0x0  }
0xdd: {  	[sflag:s24] =	ssyncadd.s32 $0xFFFFFF80  }
0xde: {  	_ =	swait.ge [sflag:s24], $0x80  }
0xdf: {  	[sflag:s24] =	ssyncset.done $0x0  }
0xe0: {  	[sflag:s24] =	ssyncadd.s32 $0xFFFFFF80  }
0xe1: {  	_ =	swait.ge [sflag:s10], $0x80  }
0xe2: {  	[sflag:s10] =	ssyncset.done $0x0  }
0xe3: {  	[sflag:s10] =	ssyncadd.s32 $0xFFFFFF80  }
0xe4: {  	_ =	swait.ge [sflag:s10], $0x80  }
0xe5: {  	[sflag:s10] =	ssyncset.done $0x0  }
0xe6: {  	[sflag:s10] =	ssyncadd.s32 $0xFFFFFF80  }
0xe7: {  	[bflag:$0x0] =	sbarrier.arrive $0xFFFF  }
0xe8: {  	[hbm:s17], [sflag:s1] =	dma.local [spmem:s5], $0xAF0  }
0xe9: {  	_ =	swait.ge [sflag:s11], $0x100  }
0xea: {  	[sflag:s11] =	ssyncset.done $0x0  }
0xeb: {  	[sflag:s11] =	ssyncadd.s32 $0xFFFFFF00  }
0xec: {  	s22 =	smov.u32 s26;
	p0 =	seq.s32 s14, $0x7800;
	_ =	swait.ge [sflag:s11], $0x100  }
0xed: {  	s8 =	smov.u32 s28;
	s1 =	sshrl.u32 @!p0 s13, $0x3;
	[sflag:s11] =	ssyncset.done $0x0  }
0xee: {  	s7 =	simm.s32 @!p0 $0x0;
	s5 =	sadd.s32 @!p0 s22, s1;
	[sflag:s11] =	ssyncadd.s32 $0xFFFFFF00  }
0xef: {  	[tilespmem:s7], [sflag:$0x1] =	stream.linear.gather @!p0 [hbm4b:s5+s7], $0x100, $0x38;
	[tilespmem:$0x11280] =	vst v63  }
0xf0: {  	s1 =	sadd.s32 @!p0 s8, s1;
	s5 =	simm.s32 @!p0 $0x400  }
0xf1: {  	[tilespmem:s5], [sflag:$0x1] =	stream.linear.gather @!p0 [hbm4b:s1+s7], $0x100, $0x38;
	[tilespmem:$0x11280] =	vst v63  }
0xf2: {  	v1 =	vld [tilespmem:$0x700]  }
0xf3: {  	v2 =	vld [tilespmem:$0x710]  }
0xf4: {  	v3 =	vld [tilespmem:$0x720]  }
0xf5: {  	v53 =	vld [tilespmem:$0x730]  }
0xf6: {  	v54 =	vld [tilespmem:$0x740]  }
0xf7: {  	v55 =	vld [tilespmem:$0x750];
	v1 =	vsub.f32 $0.0e+00, v1  }
0xf8: {  	v56 =	vld [tilespmem:$0x760];
	v2 =	vsub.f32 $0.0e+00, v2  }
0xf9: {  	[tilespmem:$0xB00] =	vst v1;
	v1 =	vsub.f32 $0.0e+00, v3;
	v3 =	vld [tilespmem:$0x770]  }
0xfa: {  	v57 =	vld [tilespmem:$0x780];
	[tilespmem:$0xB10] =	vst v2;
	v2 =	vsub.f32 $0.0e+00, v53  }
0xfb: {  	v58 =	vld [tilespmem:$0x790];
	[tilespmem:$0xB20] =	vst v1;
	v1 =	vsub.f32 $0.0e+00, v54  }
0xfc: {  	v59 =	vld [tilespmem:$0x7A0];
	[tilespmem:$0xB30] =	vst v2;
	v2 =	vsub.f32 $0.0e+00, v55  }
0xfd: {  	v60 =	vld [tilespmem:$0x7B0];
	[tilespmem:$0xB40] =	vst v1;
	v1 =	vsub.f32 $0.0e+00, v56  }
0xfe: {  	[tilespmem:$0xB50] =	vst v2;
	v2 =	vsub.f32 $0.0e+00, v3;
	v3 =	vld [tilespmem:$0x7C0]  }
0xff: {  	v61 =	vld [tilespmem:$0x7D0];
	[tilespmem:$0xB60] =	vst v1;
	v1 =	vsub.f32 $0.0e+00, v57  }
0x100: {  	v62 =	vld [tilespmem:$0x7E0];
	[tilespmem:$0xB70] =	vst v2;
	v2 =	vsub.f32 $0.0e+00, v58  }
0x101: {  	v63 =	vld [tilespmem:$0x7F0];
	[tilespmem:$0xB80] =	vst v1;
	v1 =	vsub.f32 $0.0e+00, v59  }
0x102: {  	[tilespmem:$0xB90] =	vst v2;
	v2 =	vsub.f32 $0.0e+00, v60  }
0x103: {  	[tilespmem:$0xBA0] =	vst v1;
	v1 =	vsub.f32 $0.0e+00, v3  }
0x104: {  	[tilespmem:$0xBB0] =	vst v2;
	v2 =	vsub.f32 $0.0e+00, v61  }
0x105: {  	[tilespmem:$0xBC0] =	vst v1;
	v1 =	vsub.f32 $0.0e+00, v62  }
0x106: {  	[tilespmem:$0xBD0] =	vst v2;
	v2 =	vsub.f32 $0.0e+00, v63  }
0x107: {  	[tilespmem:$0xBE0] =	vst v1  }
0x108: {  	s28 =	smov.u32 s29;
	s29 =	simm.s32 $0x6;
	[tilespmem:$0xBF0] =	vst v2  }
0x109: {  	_ =	swait.ge [sflag:s29], $0xAF0  }
0x10a: {  	[sflag:s29] =	ssyncset.done $0x0  }
0x10b: {  	[sflag:s29] =	ssyncadd.s32 $0xFFFFF510  }
0x10c: {  	[bflag:$0x0] =	sbarrier.arrive $0xFFFF  }
0x10d: {  	s21 =	simm.s32 $0x100;
	s1 =	rddreg [dreg:$0x11]  }
0x10e: {  	[spmem:s3] =	stream.indirect.scatter.add.f32 [tilespmem:s1], [sflag:$0x8], $0x1, s21, s23, $0xb8;
	[tilespmem:$0x11280] =	vst v63  }
0x10f: {  	s0 =	simm.s32 $0x180;
	s5 =	rddreg [dreg:$0x12]  }
0x110: {  	[spmem:s3] =	stream.indirect.scatter.add.f32 [tilespmem:s5], [sflag:$0x8], $0x1, s0, s23, $0xb8;
	[tilespmem:$0x11280] =	vst v63  }
0x111: {  	s5 =	rddreg [dreg:$0x13]  }
0x112: {  	[spmem:s3] =	stream.indirect.scatter.add.f32 [tilespmem:s31], [sflag:$0x7], $0x1, s9, s23, $0xb8;
	[tilespmem:$0x11280] =	vst v63  }
0x113: {  	s0 =	rddreg [dreg:$0x14]  }
0x114: {  	[spmem:s3] =	stream.indirect.scatter.add.f32 [tilespmem:s0], [sflag:$0x7], $0x1, s5, s23, $0xb8;
	[tilespmem:$0x11280] =	vst v63  }
0x115: {  	_ =	swait.ge [sflag:s24], $0x80  }
0x116: {  	[sflag:s24] =	ssyncset.done $0x0  }
0x117: {  	[sflag:s24] =	ssyncadd.s32 $0xFFFFFF80  }
0x118: {  	_ =	swait.ge [sflag:s24], $0x80  }
0x119: {  	[sflag:s24] =	ssyncset.done $0x0  }
0x11a: {  	[sflag:s24] =	ssyncadd.s32 $0xFFFFFF80  }
0x11b: {  	_ =	swait.ge [sflag:s10], $0x80  }
0x11c: {  	[sflag:s10] =	ssyncset.done $0x0  }
0x11d: {  	s14 =	sadd.s32 $0x800, s14;
	[sflag:s10] =	ssyncadd.s32 $0xFFFFFF80  }
0x11e: {  	p0 =	sne.s32 s14, $0x8000;
	_ =	swait.ge [sflag:s10], $0x80  }
.Ltmp1:
0x11f: {  	s16 =	sadd.s32 $0x2BC00, s16;
	[sflag:s10] =	ssyncset.done $0x0;
	(pc) =	sbr.rel @p0 .LBB2_4-.Ltmp1, $4  }
0x120: {  	s26 =	stileid.u32;
	s15 =	sadd.s32 $0x2BC00, s15;
	[sflag:s10] =	ssyncadd.s32 $0xFFFFFF80  }
0x121: {  	s13 =	sadd.s32 $0x4000, s13;
	s17 =	sadd.s32 $0x2BC00, s17;
	[bflag:$0x0] =	sbarrier.arrive $0xFFFF  }
0x122: {  	[hbm:s18], [sflag:s19] =	dma.local [spmem:s6], $0xAF0  }
0x123: {  	s7 =	simm.s32 $0x400;
	s6 =	simm.s32 $0x500;
	s18 =	sadd.s32 $0x2BC00, s18  }
0x124: {  	_ =	swait.ge [sflag:s12], $0xAF0  }
0x125: {  	[sflag:s12] =	ssyncset.done $0x0  }
0x126: {  	[sflag:s12] =	ssyncadd.s32 $0xFFFFF510  }
0x127: {  	_ =	swait.ge [sflag:s29], $0xAF0  }
0x128: {  	s0 =	rddreg [dreg:$0x1d]  }
0x129: {  	s1 =	rddreg [dreg:$0x17];
	s0 =	sadd.s32 $0x1, s0  }
0x12a: {  	p0 =	sne.s32 s0, s1  }
.Ltmp2:
0x12b: {  	_ = 	snop;
	(pc) =	sbr.rel @p0 .LBB2_1-.Ltmp2, $3  }
0x12c: {  	_ =	sdelay $0x1  }
0x12d: {  	[sflag:s29] =	ssyncset.done $0x0  }
0x12e: {  	s13 =	rddreg [dreg:$0x1e];
	[sflag:s29] =	ssyncadd.s32 $0xFFFFF510  }
0x12f: {  	_ =	sfence.sel $0x180000  }
0x130: {  	[bflag:$0x0] =	sbarrier.arrive $0xFFFF  }
0x131: {  	_ =	strace $0x90000047  }
0x132: {  	[bflag:$0x2] =	sbarrier.arrive $0xFFFF  }
0x133: {  	p0 =	sne.s32 s26, $0x0;
	s0 =	rddreg [dreg:$0x4]  }
0x134: {  	s0 =	sadd.s32 @!p0 $0x100000, s0  }
0x135: {  	[sflag:s0] =	ssyncadd.tile.s32 @!p0 $0x1;
	_ =	shalt  }
.Lfunc_end2:
_tile_overlayer_lowered:
.L_overlay_start_2:
0x136: {  	(tag) =	ssettag $0x2  }
0x137: {  	s0 =	rddreg [dreg:$0x0];
	s2 =	stileid.u32  }
0x138: {  	s1 =	rddreg [dreg:$0x1];
	p0 =	sne.s32 s2, $0x0  }
0x139: {  	s3 =	rddreg [dreg:$0x2];
	[bflag:$0x3] =	sbarrier.arrive $0xFFFF;
	s2 =	simm.s32 @!p0 $0x1C09  }
0x13a: {  	[timem:s3], [sflag:s2] =	dma.local @!p0 [hbm:s0], s1  }
0x13b: {  	s0 =	simm.s32 @!p0 $0x9  }
0x13c: {  	_ =	swait.ge @!p0 [sflag:s0], s1  }
0x13d: {  	s1 =	ssub.s32 @!p0 $0x0, s1;
	[sflag:s0] =	ssyncset.done @!p0 $0x0  }
0x13e: {  	[sflag:s0] =	ssyncadd.s32 @!p0 s1  }
0x13f: {  	[bflag:$0x3] =	sbarrier.arrive $0xFFFF  }
0x140: {  	_ =	shalt  }

</sc_bundles>
